<compile_context>
chip_gen: v7x
topology: tpu7x:2x2x1
jax: 0.10.2.dev20260603
libtpu: 0.0.44.dev20260713+nightly
codegen_flags: <defaults>
</compile_context>

<pallas_src>
import functools

import jax
import jax.numpy as jnp
from jax import lax
from jax.experimental import pallas as pl
from jax.experimental.pallas import tpu as pltpu
from jax.experimental.pallas import tpu_sc as plsc

N_NODES = 10000
D = 256
DH = 128
E = 160000
NS = 16
E_PAD = 163840
EDGES_PER_SUB = E_PAD // NS
SUB_CHUNK = 128
IDX_ROWS = 8
N_SUB = 2
CHUNK = SUB_CHUNK * IDX_ROWS
N_CHUNKS = EDGES_PER_SUB // CHUNK
ACC_ROWS = N_NODES + 48
OUT_ROWS = 640
OUT_ROWS_LAST = N_NODES - (NS - 1) * OUT_ROWS
ROW_BLK = 1000


def _dense_body(x_ref, wc_ref, wl_ref, b_ref, h_ref, base_ref):
    xb = x_ref[...]
    dn = (((1,), (1,)), ((), ()))
    h = lax.dot_general(xb, wc_ref[...], dn, preferred_element_type=jnp.float32)
    base = lax.dot_general(xb, wl_ref[...], dn, preferred_element_type=jnp.float32)
    base = base + b_ref[...]
    h_ref[0] = h[:, :DH]
    h_ref[1] = h[:, DH:]
    base_ref[0] = base[:, :DH]
    base_ref[1] = base[:, DH:]


def _dense(x, W_conv, W_lin, b_lin):
    return pl.pallas_call(
        _dense_body,
        grid=(N_NODES // ROW_BLK,),
        in_specs=[
            pl.BlockSpec((ROW_BLK, D), lambda i: (i, 0)),
            pl.BlockSpec((D, D), lambda i: (0, 0)),
            pl.BlockSpec((D, D), lambda i: (0, 0)),
            pl.BlockSpec((1, D), lambda i: (0, 0)),
        ],
        out_specs=[
            pl.BlockSpec((2, ROW_BLK, DH), lambda i: (0, i, 0)),
            pl.BlockSpec((2, ROW_BLK, DH), lambda i: (0, i, 0)),
        ],
        out_shape=[
            jax.ShapeDtypeStruct((2, N_NODES, DH), jnp.float32),
            jax.ShapeDtypeStruct((2, N_NODES, DH), jnp.float32),
        ],
    )(x, W_conv, W_lin, b_lin.reshape(1, D))


_sc_mesh = plsc.VectorSubcoreMesh(core_axis_name="c", subcore_axis_name="s")


@functools.partial(
    pl.kernel,
    out_type=jax.ShapeDtypeStruct((N_NODES, D), jnp.float32),
    mesh=_sc_mesh,
    scratch_types=[
        pltpu.VMEM((IDX_ROWS, SUB_CHUNK), jnp.int32),
        pltpu.VMEM((IDX_ROWS, SUB_CHUNK), jnp.int32),
        pltpu.VMEM((IDX_ROWS, SUB_CHUNK), jnp.int32),
        pltpu.VMEM((IDX_ROWS, SUB_CHUNK), jnp.int32),
        pltpu.VMEM((2 * SUB_CHUNK, DH), jnp.float32),
        pltpu.VMEM_SHARED((ACC_ROWS, DH), jnp.float32),
        pltpu.SemaphoreType.DMA,
        pltpu.SemaphoreType.DMA,
        pltpu.SemaphoreType.DMA,
        pltpu.SemaphoreType.DMA,
        pltpu.SemaphoreType.DMA,
        pltpu.SemaphoreType.DMA,
        pltpu.SemaphoreType.DMA,
        pltpu.SemaphoreType.DMA,
    ],
)
def _sc_agg(h_hbm, base_hbm, src_hbm, dst_hbm, out_hbm,
            src_va, dst_va, src_vb, dst_vb, rows_v, acc_sh,
            gsem_a, gsem_b, gsem_c, gsem_d, ssem_a, ssem_b,
            isem_a, isem_b):
    c = lax.axis_index("c")
    s = lax.axis_index("s")
    r0 = s * OUT_ROWS

    @pl.when(s < NS - 1)
    def _():
        pltpu.sync_copy(base_hbm.at[c, pl.ds(r0, OUT_ROWS)],
                        acc_sh.at[pl.ds(r0, OUT_ROWS)])

    @pl.when(s == NS - 1)
    def _():
        pltpu.sync_copy(base_hbm.at[c, pl.ds((NS - 1) * OUT_ROWS, OUT_ROWS_LAST)],
                        acc_sh.at[pl.ds((NS - 1) * OUT_ROWS, OUT_ROWS_LAST)])

    plsc.subcore_barrier()

    idx_row0 = s * (EDGES_PER_SUB // SUB_CHUNK)
    gsems = (gsem_a, gsem_b, gsem_c, gsem_d)
    ssems = (ssem_a, ssem_b)
    HALF = SUB_CHUNK // 2

    def start_pair(j, src_ref):
        s0 = (2 * j) % 4
        g0 = pltpu.async_copy(
            h_hbm.at[c].at[src_ref.at[j, pl.ds(0, HALF)]],
            rows_v.at[pl.ds(s0 * HALF, HALF)], gsems[s0])
        g1 = pltpu.async_copy(
            h_hbm.at[c].at[src_ref.at[j, pl.ds(HALF, HALF)]],
            rows_v.at[pl.ds((s0 + 1) * HALF, HALF)], gsems[s0 + 1])
        return g0, g1

    idx_bufs = ((src_va, dst_va), (src_vb, dst_vb))
    isems = (isem_a, isem_b)

    def start_idx_load(k, p):
        r = idx_row0 + k * IDX_ROWS
        pltpu.async_copy(src_hbm.at[pl.ds(r, IDX_ROWS)], idx_bufs[p][0],
                         isems[p])
        pltpu.async_copy(dst_hbm.at[pl.ds(r, IDX_ROWS)], idx_bufs[p][1],
                         isems[p])

    def wait_idx_load(k, p):
        r = idx_row0 + k * IDX_ROWS
        pltpu.make_async_copy(src_hbm.at[pl.ds(r, IDX_ROWS)], idx_bufs[p][0],
                              isems[p]).wait()
        pltpu.make_async_copy(dst_hbm.at[pl.ds(r, IDX_ROWS)], idx_bufs[p][1],
                              isems[p]).wait()

    def process_chunk(k, p):
        src_v, dst_v = idx_bufs[p]
        g = [None] * IDX_ROWS
        sc = [None] * IDX_ROWS
        g[0] = start_pair(0, src_v)
        for j in range(IDX_ROWS):
            if j + 1 < IDX_ROWS:
                if j >= 1:
                    sc[j - 1].wait()
                g[j + 1] = start_pair(j + 1, src_v)
            g[j][0].wait()
            g[j][1].wait()
            sc[j] = pltpu.async_copy(
                rows_v.at[pl.ds((j % 2) * SUB_CHUNK, SUB_CHUNK)],
                acc_sh.at[dst_v.at[j]], ssems[j % 2], add=True)
        sc[IDX_ROWS - 2].wait()
        sc[IDX_ROWS - 1].wait()

    start_idx_load(0, 0)

    def chunk_pair(jj, carry):
        k0 = 2 * jj
        wait_idx_load(k0, 0)
        start_idx_load(k0 + 1, 1)
        process_chunk(k0, 0)
        wait_idx_load(k0 + 1, 1)

        @pl.when(jj < N_CHUNKS // 2 - 1)
        def _():
            start_idx_load(k0 + 2, 0)

        process_chunk(k0 + 1, 1)
        return carry

    lax.fori_loop(0, N_CHUNKS // 2, chunk_pair, 0)
    plsc.subcore_barrier()

    @pl.when(s < NS - 1)
    def _():
        pltpu.sync_copy(acc_sh.at[pl.ds(r0, OUT_ROWS)],
                        out_hbm.at[pl.ds(r0, OUT_ROWS), pl.ds(c * DH, DH)])

    @pl.when(s == NS - 1)
    def _():
        pltpu.sync_copy(
            acc_sh.at[pl.ds((NS - 1) * OUT_ROWS, OUT_ROWS_LAST)],
            out_hbm.at[pl.ds((NS - 1) * OUT_ROWS, OUT_ROWS_LAST),
                       pl.ds(c * DH, DH)])


def kernel(x, edge_index, W_conv, W_lin, b_lin):
    h2, base2 = _dense(x, W_conv, W_lin, b_lin)
    src = edge_index[0].astype(jnp.int32)
    dst = edge_index[1].astype(jnp.int32)
    pad = E_PAD - E
    src_p = jnp.concatenate([src, jnp.zeros((pad,), jnp.int32)])
    dst_p = jnp.concatenate([dst, jnp.full((pad,), N_NODES, jnp.int32)])
    src2d = src_p.reshape(E_PAD // SUB_CHUNK, SUB_CHUNK)
    dst2d = dst_p.reshape(E_PAD // SUB_CHUNK, SUB_CHUNK)
    return _sc_agg(h2, base2, src2d, dst2d)

# --- scband reference (transcript-rebuilt; emitter-appended) ---
"""Pipeline reference for scband-rgcn-29755533427172 (READ-ONLY COPY).

The authoritative reference and input builder live on the scoring server;
editing this copy changes nothing except your own understanding.
"""

import jax, jax.numpy as jnp
import numpy as np

N_NODES = 10000
N_EDGES = 160000
D_IN = 256
D_OUT = 256

def setup_inputs(seed: int = 0) -> dict:
    key = jax.random.key(seed)
    k1, k2, k3, k4, k5 = jax.random.split(key, 5)
    x = jax.random.normal(k1, (N_NODES, D_IN), dtype=jnp.float32)
    edge_index = jax.random.randint(k2, (2, N_EDGES), 0, N_NODES, dtype=jnp.int64)
    # torch Linear weights: [out_features, in_features]
    W_conv = jax.random.normal(k3, (D_OUT, D_IN), dtype=jnp.float32) / np.sqrt(D_IN)
    W_lin = jax.random.normal(k4, (D_OUT, D_IN), dtype=jnp.float32) / np.sqrt(D_IN)
    b_lin = jax.random.normal(k5, (D_OUT,), dtype=jnp.float32) / np.sqrt(D_IN)
    return {"x": x, "edge_index": edge_index, "W_conv": W_conv, "W_lin": W_lin, "b_lin": b_lin}

def reference(x, edge_index, W_conv, W_lin, b_lin):
    # GraphConv: lin(x)[src] scatter-summed into dst (aggr='sum', flow source_to_target)
    h = x @ W_conv.T                      # [N, D_OUT]
    src = edge_index[0]
    dst = edge_index[1]
    msgs = jnp.take(h, src, axis=0)       # gather [E, D_OUT]
    agg = jax.ops.segment_sum(msgs, dst, num_segments=x.shape[0])  # scatter-add
    # RGCN: self.lin(x) + conv(x, edge_index)
    out = x @ W_lin.T + b_lin + agg
    return out

if __name__ == "__main__":
    import jax
    _d = setup_inputs()
    print(jax.jit(kernel)(*tuple(_d.values())))

</pallas_src>

<mosaic_0001>
#map = affine_map<(d0, d1) -> (0, 0, 0)>
#map1 = affine_map<(d0, d1) -> (0, 0)>
module attributes {stable_mosaic.version = 14 : i64} {
  func.func @_sc_agg(%arg0: i32, %arg1: i32, %arg2: memref<2x10000x128xf32, #tpu.memory_space<hbm>>, %arg3: memref<2x10000x128xf32, #tpu.memory_space<hbm>>, %arg4: memref<1280x128xi32, #tpu.memory_space<hbm>>, %arg5: memref<1280x128xi32, #tpu.memory_space<hbm>>, %arg6: memref<10000x256xf32, #tpu.memory_space<hbm>>, %arg7: memref<8x128xi32, #tpu.memory_space<vmem>>, %arg8: memref<8x128xi32, #tpu.memory_space<vmem>>, %arg9: memref<8x128xi32, #tpu.memory_space<vmem>>, %arg10: memref<8x128xi32, #tpu.memory_space<vmem>>, %arg11: memref<256x128xf32, #tpu.memory_space<vmem>>, %arg12: memref<10048x128xf32, #tpu.memory_space<vmem_shared>>, %arg13: memref<!tpu.dma_semaphore, #tpu.memory_space<semaphore_mem>>, %arg14: memref<!tpu.dma_semaphore, #tpu.memory_space<semaphore_mem>>, %arg15: memref<!tpu.dma_semaphore, #tpu.memory_space<semaphore_mem>>, %arg16: memref<!tpu.dma_semaphore, #tpu.memory_space<semaphore_mem>>, %arg17: memref<!tpu.dma_semaphore, #tpu.memory_space<semaphore_mem>>, %arg18: memref<!tpu.dma_semaphore, #tpu.memory_space<semaphore_mem>>, %arg19: memref<!tpu.dma_semaphore, #tpu.memory_space<semaphore_mem>>, %arg20: memref<!tpu.dma_semaphore, #tpu.memory_space<semaphore_mem>>) attributes {dimension_semantics = [#tpu.dimension_semantics<core_parallel>, #tpu.dimension_semantics<subcore_parallel>], iteration_bounds = array<i64: 2, 16>, scalar_prefetch = 0 : i64, scratch_operands = 14 : i64, tpu.core_type = #tpu.core_type<sc_vector_subcore>, window_params = [{transform_indices = #map}, {transform_indices = #map}, {transform_indices = #map1}, {transform_indices = #map1}, {transform_indices = #map1}]} {
    %mul3A = arith.constant 640 : i32
    %mul3A_0 = arith.muli %arg1, %mul3A : i32
    %lt3A = arith.constant 15 : i32
    %lt3A_1 = arith.cmpi slt, %arg1, %lt3A : i32
    %convert_element_type3A = arith.extui %lt3A_1 : i1 to i32
    %cond3A = arith.constant 0 : i32
    %cond3A_2 = arith.cmpi ne, %convert_element_type3A, %cond3A : i32
    scf.if %cond3A_2 {
      "tpu.region"() ({
        %run_scoped3A = tpu.sem_alloc : memref<!tpu.dma_semaphore, #tpu.memory_space<semaphore_mem>>
        %dma_start3A_33 = arith.constant 0 : i32
        %dma_start3A_34 = tpu.memref_slice %arg12[%mul3A_0, %dma_start3A_33] : memref<10048x128xf32, #tpu.memory_space<vmem_shared>> -> memref<640x128xf32, #tpu.memory_space<vmem_shared>>
        %dma_start3A_35 = arith.constant 0 : i32
        %dma_start3A_36 = tpu.memref_slice %arg3[%arg0, %mul3A_0, %dma_start3A_35] : memref<2x10000x128xf32, #tpu.memory_space<hbm>> -> memref<1x640x128xf32, #tpu.memory_space<hbm>>
        %dma_start3A_37 = tpu.memref_squeeze %dma_start3A_36 : memref<1x640x128xf32, #tpu.memory_space<hbm>> -> memref<640x128xf32, #tpu.memory_space<hbm>>
        tpu.enqueue_dma source(%dma_start3A_37 : memref<640x128xf32, #tpu.memory_space<hbm>>) target(%dma_start3A_34 : memref<640x128xf32, #tpu.memory_space<vmem_shared>>) target_semaphore(%run_scoped3A : memref<!tpu.dma_semaphore, #tpu.memory_space<semaphore_mem>>)
        %dma_wait3A = arith.constant 0 : i32
        %dma_wait3A_38 = tpu.memref_slice %arg12[%mul3A_0, %dma_wait3A] : memref<10048x128xf32, #tpu.memory_space<vmem_shared>> -> memref<640x128xf32, #tpu.memory_space<vmem_shared>>
        %dma_wait3A_39 = arith.constant 0 : i32
        %dma_wait3A_40 = tpu.memref_slice %arg3[%arg0, %mul3A_0, %dma_wait3A_39] : memref<2x10000x128xf32, #tpu.memory_space<hbm>> -> memref<1x640x128xf32, #tpu.memory_space<hbm>>
        %dma_wait3A_41 = tpu.memref_squeeze %dma_wait3A_40 : memref<1x640x128xf32, #tpu.memory_space<hbm>> -> memref<640x128xf32, #tpu.memory_space<hbm>>
        tpu.wait_dma2 semaphore(%run_scoped3A : memref<!tpu.dma_semaphore, #tpu.memory_space<semaphore_mem>>) src(%dma_wait3A_41 : memref<640x128xf32, #tpu.memory_space<hbm>>) dst(%dma_wait3A_38 : memref<640x128xf32, #tpu.memory_space<vmem_shared>>)
        tpu.yield
      }) : () -> ()
    } else {
    }
    %eq3A = arith.constant 15 : i32
    %eq3A_3 = arith.cmpi eq, %arg1, %eq3A : i32
    %convert_element_type3A_4 = arith.extui %eq3A_3 : i1 to i32
    %cond3A_5 = arith.constant 0 : i32
    %cond3A_6 = arith.cmpi ne, %convert_element_type3A_4, %cond3A_5 : i32
    scf.if %cond3A_6 {
      "tpu.region"() ({
        %run_scoped3A = tpu.sem_alloc : memref<!tpu.dma_semaphore, #tpu.memory_space<semaphore_mem>>
        %dma_start3A_33 = arith.constant 9600 : i32
        %dma_start3A_34 = arith.constant 0 : i32
        %dma_start3A_35 = tpu.memref_slice %arg12[%dma_start3A_33, %dma_start3A_34] : memref<10048x128xf32, #tpu.memory_space<vmem_shared>> -> memref<400x128xf32, #tpu.memory_space<vmem_shared>>
        %dma_start3A_36 = arith.constant 9600 : i32
        %dma_start3A_37 = arith.constant 0 : i32
        %dma_start3A_38 = tpu.memref_slice %arg3[%arg0, %dma_start3A_36, %dma_start3A_37] : memref<2x10000x128xf32, #tpu.memory_space<hbm>> -> memref<1x400x128xf32, #tpu.memory_space<hbm>>
        %dma_start3A_39 = tpu.memref_squeeze %dma_start3A_38 : memref<1x400x128xf32, #tpu.memory_space<hbm>> -> memref<400x128xf32, #tpu.memory_space<hbm>>
        tpu.enqueue_dma source(%dma_start3A_39 : memref<400x128xf32, #tpu.memory_space<hbm>>) target(%dma_start3A_35 : memref<400x128xf32, #tpu.memory_space<vmem_shared>>) target_semaphore(%run_scoped3A : memref<!tpu.dma_semaphore, #tpu.memory_space<semaphore_mem>>)
        %dma_wait3A = arith.constant 9600 : i32
        %dma_wait3A_40 = arith.constant 0 : i32
        %dma_wait3A_41 = tpu.memref_slice %arg12[%dma_wait3A, %dma_wait3A_40] : memref<10048x128xf32, #tpu.memory_space<vmem_shared>> -> memref<400x128xf32, #tpu.memory_space<vmem_shared>>
        %dma_wait3A_42 = arith.constant 9600 : i32
        %dma_wait3A_43 = arith.constant 0 : i32
        %dma_wait3A_44 = tpu.memref_slice %arg3[%arg0, %dma_wait3A_42, %dma_wait3A_43] : memref<2x10000x128xf32, #tpu.memory_space<hbm>> -> memref<1x400x128xf32, #tpu.memory_space<hbm>>
        %dma_wait3A_45 = tpu.memref_squeeze %dma_wait3A_44 : memref<1x400x128xf32, #tpu.memory_space<hbm>> -> memref<400x128xf32, #tpu.memory_space<hbm>>
        tpu.wait_dma2 semaphore(%run_scoped3A : memref<!tpu.dma_semaphore, #tpu.memory_space<semaphore_mem>>) src(%dma_wait3A_45 : memref<400x128xf32, #tpu.memory_space<hbm>>) dst(%dma_wait3A_41 : memref<400x128xf32, #tpu.memory_space<vmem_shared>>)
        tpu.yield
      }) : () -> ()
    } else {
    }
    %barrier3A = arith.constant 0 : index
    tpu.barrier barrier_id(%barrier3A)
    %mul3A_7 = arith.constant 80 : i32
    %mul3A_8 = arith.muli %arg1, %mul3A_7 : i32
    %add3A = arith.constant 0 : i32
    %add3A_9 = arith.addi %mul3A_8, %add3A : i32
    %dma_start3A = arith.constant 0 : i32
    %dma_start3A_10 = tpu.memref_slice %arg4[%add3A_9, %dma_start3A] : memref<1280x128xi32, #tpu.memory_space<hbm>> -> memref<8x128xi32, #tpu.memory_space<hbm>>
    %dma_start3A_11 = arith.constant 0 : i32
    %dma_start3A_12 = tpu.memref_slice %arg4[%add3A_9, %dma_start3A_11] : memref<1280x128xi32, #tpu.memory_space<hbm>> -> memref<8x128xi32, #tpu.memory_space<hbm>>
    tpu.enqueue_dma source(%dma_start3A_12 : memref<8x128xi32, #tpu.memory_space<hbm>>) target(%arg7 : memref<8x128xi32, #tpu.memory_space<vmem>>) target_semaphore(%arg19 : memref<!tpu.dma_semaphore, #tpu.memory_space<semaphore_mem>>)
    %dma_start3A_13 = arith.constant 0 : i32
    %dma_start3A_14 = tpu.memref_slice %arg5[%add3A_9, %dma_start3A_13] : memref<1280x128xi32, #tpu.memory_space<hbm>> -> memref<8x128xi32, #tpu.memory_space<hbm>>
    %dma_start3A_15 = arith.constant 0 : i32
    %dma_start3A_16 = tpu.memref_slice %arg5[%add3A_9, %dma_start3A_15] : memref<1280x128xi32, #tpu.memory_space<hbm>> -> memref<8x128xi32, #tpu.memory_space<hbm>>
    tpu.enqueue_dma source(%dma_start3A_16 : memref<8x128xi32, #tpu.memory_space<hbm>>) target(%arg8 : memref<8x128xi32, #tpu.memory_space<vmem>>) target_semaphore(%arg19 : memref<!tpu.dma_semaphore, #tpu.memory_space<semaphore_mem>>)
    %scan3A = arith.constant 0 : i32
    %scan3A_17 = arith.constant 0 : i32
    %scan3A_18 = arith.constant 5 : i32
    %scan3A_19 = arith.addi %scan3A_17, %scan3A_18 : i32
    %scan3A_20 = arith.constant 1 : i32
    scf.for %scan3A_33 = %scan3A_17 to %scan3A_19 step %scan3A_20  : i32 {
      %mul3A_34 = arith.constant 2 : i32
      %mul3A_35 = arith.muli %mul3A_34, %scan3A_33 : i32
      %mul3A_36 = arith.constant 8 : i32
      %mul3A_37 = arith.muli %mul3A_35, %mul3A_36 : i32
      %add3A_38 = arith.addi %mul3A_8, %mul3A_37 : i32
      %dma_wait3A = arith.constant 0 : i32
      %dma_wait3A_39 = tpu.memref_slice %arg4[%add3A_38, %dma_wait3A] : memref<1280x128xi32, #tpu.memory_space<hbm>> -> memref<8x128xi32, #tpu.memory_space<hbm>>
      %dma_wait3A_40 = arith.constant 0 : i32
      %dma_wait3A_41 = tpu.memref_slice %arg4[%add3A_38, %dma_wait3A_40] : memref<1280x128xi32, #tpu.memory_space<hbm>> -> memref<8x128xi32, #tpu.memory_space<hbm>>
      tpu.wait_dma2 semaphore(%arg19 : memref<!tpu.dma_semaphore, #tpu.memory_space<semaphore_mem>>) src(%dma_wait3A_41 : memref<8x128xi32, #tpu.memory_space<hbm>>) dst(%arg7 : memref<8x128xi32, #tpu.memory_space<vmem>>)
      %dma_wait3A_42 = arith.constant 0 : i32
      %dma_wait3A_43 = tpu.memref_slice %arg5[%add3A_38, %dma_wait3A_42] : memref<1280x128xi32, #tpu.memory_space<hbm>> -> memref<8x128xi32, #tpu.memory_space<hbm>>
      %dma_wait3A_44 = arith.constant 0 : i32
      %dma_wait3A_45 = tpu.memref_slice %arg5[%add3A_38, %dma_wait3A_44] : memref<1280x128xi32, #tpu.memory_space<hbm>> -> memref<8x128xi32, #tpu.memory_space<hbm>>
      tpu.wait_dma2 semaphore(%arg19 : memref<!tpu.dma_semaphore, #tpu.memory_space<semaphore_mem>>) src(%dma_wait3A_45 : memref<8x128xi32, #tpu.memory_space<hbm>>) dst(%arg8 : memref<8x128xi32, #tpu.memory_space<vmem>>)
      %add3A_46 = arith.constant 1 : i32
      %add3A_47 = arith.addi %mul3A_35, %add3A_46 : i32
      %mul3A_48 = arith.constant 8 : i32
      %mul3A_49 = arith.muli %add3A_47, %mul3A_48 : i32
      %add3A_50 = arith.addi %mul3A_8, %mul3A_49 : i32
      %dma_start3A_51 = arith.constant 0 : i32
      %dma_start3A_52 = tpu.memref_slice %arg4[%add3A_50, %dma_start3A_51] : memref<1280x128xi32, #tpu.memory_space<hbm>> -> memref<8x128xi32, #tpu.memory_space<hbm>>
      %dma_start3A_53 = arith.constant 0 : i32
      %dma_start3A_54 = tpu.memref_slice %arg4[%add3A_50, %dma_start3A_53] : memref<1280x128xi32, #tpu.memory_space<hbm>> -> memref<8x128xi32, #tpu.memory_space<hbm>>
      tpu.enqueue_dma source(%dma_start3A_54 : memref<8x128xi32, #tpu.memory_space<hbm>>) target(%arg9 : memref<8x128xi32, #tpu.memory_space<vmem>>) target_semaphore(%arg20 : memref<!tpu.dma_semaphore, #tpu.memory_space<semaphore_mem>>)
      %dma_start3A_55 = arith.constant 0 : i32
      %dma_start3A_56 = tpu.memref_slice %arg5[%add3A_50, %dma_start3A_55] : memref<1280x128xi32, #tpu.memory_space<hbm>> -> memref<8x128xi32, #tpu.memory_space<hbm>>
      %dma_start3A_57 = arith.constant 0 : i32
      %dma_start3A_58 = tpu.memref_slice %arg5[%add3A_50, %dma_start3A_57] : memref<1280x128xi32, #tpu.memory_space<hbm>> -> memref<8x128xi32, #tpu.memory_space<hbm>>
      tpu.enqueue_dma source(%dma_start3A_58 : memref<8x128xi32, #tpu.memory_space<hbm>>) target(%arg10 : memref<8x128xi32, #tpu.memory_space<vmem>>) target_semaphore(%arg20 : memref<!tpu.dma_semaphore, #tpu.memory_space<semaphore_mem>>)
      %dma_start3A_59 = arith.constant 0 : i32
      %dma_start3A_60 = arith.constant 0 : i32
      %dma_start3A_61 = arith.constant 0 : i32
      %dma_start3A_62 = tpu.memref_slice %arg11[%dma_start3A_60, %dma_start3A_61] : memref<256x128xf32, #tpu.memory_space<vmem>> -> memref<64x128xf32, #tpu.memory_space<vmem>>
      %dma_start3A_63 = arith.constant 0 : i32
      %dma_start3A_64 = tpu.memref_slice %arg7[%dma_start3A_59, %dma_start3A_63] : memref<8x128xi32, #tpu.memory_space<vmem>> -> memref<1x64xi32, #tpu.memory_space<vmem>>
      %dma_start3A_65 = tpu.memref_squeeze %dma_start3A_64 : memref<1x64xi32, #tpu.memory_space<vmem>> -> memref<64xi32, #tpu.memory_space<vmem>>
      %dma_start3A_66 = arith.constant 0 : i32
      %dma_start3A_67 = arith.constant 0 : i32
      %dma_start3A_68 = tpu.memref_slice %arg2[%arg0, %dma_start3A_66, %dma_start3A_67] : memref<2x10000x128xf32, #tpu.memory_space<hbm>> -> memref<1x10000x128xf32, #tpu.memory_space<hbm>>
      %dma_start3A_69 = tpu.memref_squeeze %dma_start3A_68 : memref<1x10000x128xf32, #tpu.memory_space<hbm>> -> memref<10000x128xf32, #tpu.memory_space<hbm>>
      %dma_start3A_70 = arith.constant 0 : i32
      %dma_start3A_71 = arith.constant 0 : i32
      %dma_start3A_72 = tpu.memref_slice %dma_start3A_69[%dma_start3A_70, %dma_start3A_71] : memref<10000x128xf32, #tpu.memory_space<hbm>> -> memref<10000x128xf32, #tpu.memory_space<hbm>>
      tpu.enqueue_indirect_dma source(%dma_start3A_72 : memref<10000x128xf32, #tpu.memory_space<hbm>>) target(%dma_start3A_62 : memref<64x128xf32, #tpu.memory_space<vmem>>) offsets(%dma_start3A_65 : memref<64xi32, #tpu.memory_space<vmem>>) semaphore(%arg13 : memref<!tpu.dma_semaphore, #tpu.memory_space<semaphore_mem>>)
      %dma_start3A_73 = arith.constant 0 : i32
      %dma_start3A_74 = arith.constant 64 : i32
      %dma_start3A_75 = arith.constant 0 : i32
      %dma_start3A_76 = tpu.memref_slice %arg11[%dma_start3A_74, %dma_start3A_75] : memref<256x128xf32, #tpu.memory_space<vmem>> -> memref<64x128xf32, #tpu.memory_space<vmem>>
      %dma_start3A_77 = arith.constant 64 : i32
      %dma_start3A_78 = tpu.memref_slice %arg7[%dma_start3A_73, %dma_start3A_77] : memref<8x128xi32, #tpu.memory_space<vmem>> -> memref<1x64xi32, #tpu.memory_space<vmem>>
      %dma_start3A_79 = tpu.memref_squeeze %dma_start3A_78 : memref<1x64xi32, #tpu.memory_space<vmem>> -> memref<64xi32, #tpu.memory_space<vmem>>
      %dma_start3A_80 = arith.constant 0 : i32
      %dma_start3A_81 = arith.constant 0 : i32
      %dma_start3A_82 = tpu.memref_slice %arg2[%arg0, %dma_start3A_80, %dma_start3A_81] : memref<2x10000x128xf32, #tpu.memory_space<hbm>> -> memref<1x10000x128xf32, #tpu.memory_space<hbm>>
      %dma_start3A_83 = tpu.memref_squeeze %dma_start3A_82 : memref<1x10000x128xf32, #tpu.memory_space<hbm>> -> memref<10000x128xf32, #tpu.memory_space<hbm>>
      %dma_start3A_84 = arith.constant 0 : i32
      %dma_start3A_85 = arith.constant 0 : i32
      %dma_start3A_86 = tpu.memref_slice %dma_start3A_83[%dma_start3A_84, %dma_start3A_85] : memref<10000x128xf32, #tpu.memory_space<hbm>> -> memref<10000x128xf32, #tpu.memory_space<hbm>>
      tpu.enqueue_indirect_dma source(%dma_start3A_86 : memref<10000x128xf32, #tpu.memory_space<hbm>>) target(%dma_start3A_76 : memref<64x128xf32, #tpu.memory_space<vmem>>) offsets(%dma_start3A_79 : memref<64xi32, #tpu.memory_space<vmem>>) semaphore(%arg14 : memref<!tpu.dma_semaphore, #tpu.memory_space<semaphore_mem>>)
      %dma_start3A_87 = arith.constant 1 : i32
      %dma_start3A_88 = arith.constant 128 : i32
      %dma_start3A_89 = arith.constant 0 : i32
      %dma_start3A_90 = tpu.memref_slice %arg11[%dma_start3A_88, %dma_start3A_89] : memref<256x128xf32, #tpu.memory_space<vmem>> -> memref<64x128xf32, #tpu.memory_space<vmem>>
      %dma_start3A_91 = arith.constant 0 : i32
      %dma_start3A_92 = tpu.memref_slice %arg7[%dma_start3A_87, %dma_start3A_91] : memref<8x128xi32, #tpu.memory_space<vmem>> -> memref<1x64xi32, #tpu.memory_space<vmem>>
      %dma_start3A_93 = tpu.memref_squeeze %dma_start3A_92 : memref<1x64xi32, #tpu.memory_space<vmem>> -> memref<64xi32, #tpu.memory_space<vmem>>
      %dma_start3A_94 = arith.constant 0 : i32
      %dma_start3A_95 = arith.constant 0 : i32
      %dma_start3A_96 = tpu.memref_slice %arg2[%arg0, %dma_start3A_94, %dma_start3A_95] : memref<2x10000x128xf32, #tpu.memory_space<hbm>> -> memref<1x10000x128xf32, #tpu.memory_space<hbm>>
      %dma_start3A_97 = tpu.memref_squeeze %dma_start3A_96 : memref<1x10000x128xf32, #tpu.memory_space<hbm>> -> memref<10000x128xf32, #tpu.memory_space<hbm>>
      %dma_start3A_98 = arith.constant 0 : i32
      %dma_start3A_99 = arith.constant 0 : i32
      %dma_start3A_100 = tpu.memref_slice %dma_start3A_97[%dma_start3A_98, %dma_start3A_99] : memref<10000x128xf32, #tpu.memory_space<hbm>> -> memref<10000x128xf32, #tpu.memory_space<hbm>>
      tpu.enqueue_indirect_dma source(%dma_start3A_100 : memref<10000x128xf32, #tpu.memory_space<hbm>>) target(%dma_start3A_90 : memref<64x128xf32, #tpu.memory_space<vmem>>) offsets(%dma_start3A_93 : memref<64xi32, #tpu.memory_space<vmem>>) semaphore(%arg15 : memref<!tpu.dma_semaphore, #tpu.memory_space<semaphore_mem>>)
      %dma_start3A_101 = arith.constant 1 : i32
      %dma_start3A_102 = arith.constant 192 : i32
      %dma_start3A_103 = arith.constant 0 : i32
      %dma_start3A_104 = tpu.memref_slice %arg11[%dma_start3A_102, %dma_start3A_103] : memref<256x128xf32, #tpu.memory_space<vmem>> -> memref<64x128xf32, #tpu.memory_space<vmem>>
      %dma_start3A_105 = arith.constant 64 : i32
      %dma_start3A_106 = tpu.memref_slice %arg7[%dma_start3A_101, %dma_start3A_105] : memref<8x128xi32, #tpu.memory_space<vmem>> -> memref<1x64xi32, #tpu.memory_space<vmem>>
      %dma_start3A_107 = tpu.memref_squeeze %dma_start3A_106 : memref<1x64xi32, #tpu.memory_space<vmem>> -> memref<64xi32, #tpu.memory_space<vmem>>
      %dma_start3A_108 = arith.constant 0 : i32
      %dma_start3A_109 = arith.constant 0 : i32
      %dma_start3A_110 = tpu.memref_slice %arg2[%arg0, %dma_start3A_108, %dma_start3A_109] : memref<2x10000x128xf32, #tpu.memory_space<hbm>> -> memref<1x10000x128xf32, #tpu.memory_space<hbm>>
      %dma_start3A_111 = tpu.memref_squeeze %dma_start3A_110 : memref<1x10000x128xf32, #tpu.memory_space<hbm>> -> memref<10000x128xf32, #tpu.memory_space<hbm>>
      %dma_start3A_112 = arith.constant 0 : i32
      %dma_start3A_113 = arith.constant 0 : i32
      %dma_start3A_114 = tpu.memref_slice %dma_start3A_111[%dma_start3A_112, %dma_start3A_113] : memref<10000x128xf32, #tpu.memory_space<hbm>> -> memref<10000x128xf32, #tpu.memory_space<hbm>>
      tpu.enqueue_indirect_dma source(%dma_start3A_114 : memref<10000x128xf32, #tpu.memory_space<hbm>>) target(%dma_start3A_104 : memref<64x128xf32, #tpu.memory_space<vmem>>) offsets(%dma_start3A_107 : memref<64xi32, #tpu.memory_space<vmem>>) semaphore(%arg16 : memref<!tpu.dma_semaphore, #tpu.memory_space<semaphore_mem>>)
      %dma_wait3A_115 = arith.constant 0 : i32
      %dma_wait3A_116 = arith.constant 0 : i32
      %dma_wait3A_117 = arith.constant 0 : i32
      %dma_wait3A_118 = tpu.memref_slice %arg11[%dma_wait3A_116, %dma_wait3A_117] : memref<256x128xf32, #tpu.memory_space<vmem>> -> memref<64x128xf32, #tpu.memory_space<vmem>>
      %dma_wait3A_119 = arith.constant 0 : i32
      %dma_wait3A_120 = tpu.memref_slice %arg7[%dma_wait3A_115, %dma_wait3A_119] : memref<8x128xi32, #tpu.memory_space<vmem>> -> memref<1x64xi32, #tpu.memory_space<vmem>>
      %dma_wait3A_121 = tpu.memref_squeeze %dma_wait3A_120 : memref<1x64xi32, #tpu.memory_space<vmem>> -> memref<64xi32, #tpu.memory_space<vmem>>
      %dma_wait3A_122 = arith.constant 0 : i32
      %dma_wait3A_123 = arith.constant 0 : i32
      %dma_wait3A_124 = tpu.memref_slice %arg2[%arg0, %dma_wait3A_122, %dma_wait3A_123] : memref<2x10000x128xf32, #tpu.memory_space<hbm>> -> memref<1x10000x128xf32, #tpu.memory_space<hbm>>
      %dma_wait3A_125 = tpu.memref_squeeze %dma_wait3A_124 : memref<1x10000x128xf32, #tpu.memory_space<hbm>> -> memref<10000x128xf32, #tpu.memory_space<hbm>>
      %dma_wait3A_126 = arith.constant 0 : i32
      %dma_wait3A_127 = arith.constant 0 : i32
      %dma_wait3A_128 = tpu.memref_slice %dma_wait3A_125[%dma_wait3A_126, %dma_wait3A_127] : memref<10000x128xf32, #tpu.memory_space<hbm>> -> memref<10000x128xf32, #tpu.memory_space<hbm>>
      tpu.wait_indirect_dma semaphore(%arg13 : memref<!tpu.dma_semaphore, #tpu.memory_space<semaphore_mem>>) src(%dma_wait3A_128 : memref<10000x128xf32, #tpu.memory_space<hbm>>) dst(%dma_wait3A_118 : memref<64x128xf32, #tpu.memory_space<vmem>>)
      %dma_wait3A_129 = arith.constant 0 : i32
      %dma_wait3A_130 = arith.constant 64 : i32
      %dma_wait3A_131 = arith.constant 0 : i32
      %dma_wait3A_132 = tpu.memref_slice %arg11[%dma_wait3A_130, %dma_wait3A_131] : memref<256x128xf32, #tpu.memory_space<vmem>> -> memref<64x128xf32, #tpu.memory_space<vmem>>
      %dma_wait3A_133 = arith.constant 64 : i32
      %dma_wait3A_134 = tpu.memref_slice %arg7[%dma_wait3A_129, %dma_wait3A_133] : memref<8x128xi32, #tpu.memory_space<vmem>> -> memref<1x64xi32, #tpu.memory_space<vmem>>
      %dma_wait3A_135 = tpu.memref_squeeze %dma_wait3A_134 : memref<1x64xi32, #tpu.memory_space<vmem>> -> memref<64xi32, #tpu.memory_space<vmem>>
      %dma_wait3A_136 = arith.constant 0 : i32
      %dma_wait3A_137 = arith.constant 0 : i32
      %dma_wait3A_138 = tpu.memref_slice %arg2[%arg0, %dma_wait3A_136, %dma_wait3A_137] : memref<2x10000x128xf32, #tpu.memory_space<hbm>> -> memref<1x10000x128xf32, #tpu.memory_space<hbm>>
      %dma_wait3A_139 = tpu.memref_squeeze %dma_wait3A_138 : memref<1x10000x128xf32, #tpu.memory_space<hbm>> -> memref<10000x128xf32, #tpu.memory_space<hbm>>
      %dma_wait3A_140 = arith.constant 0 : i32
      %dma_wait3A_141 = arith.constant 0 : i32
      %dma_wait3A_142 = tpu.memref_slice %dma_wait3A_139[%dma_wait3A_140, %dma_wait3A_141] : memref<10000x128xf32, #tpu.memory_space<hbm>> -> memref<10000x128xf32, #tpu.memory_space<hbm>>
      tpu.wait_indirect_dma semaphore(%arg14 : memref<!tpu.dma_semaphore, #tpu.memory_space<semaphore_mem>>) src(%dma_wait3A_142 : memref<10000x128xf32, #tpu.memory_space<hbm>>) dst(%dma_wait3A_132 : memref<64x128xf32, #tpu.memory_space<vmem>>)
      %dma_start3A_143 = arith.constant 0 : i32
      %dma_start3A_144 = arith.constant 0 : i32
      %dma_start3A_145 = arith.constant 0 : i32
      %dma_start3A_146 = tpu.memref_slice %arg11[%dma_start3A_144, %dma_start3A_145] : memref<256x128xf32, #tpu.memory_space<vmem>> -> memref<128x128xf32, #tpu.memory_space<vmem>>
      %dma_start3A_147 = arith.constant 0 : i32
      %dma_start3A_148 = tpu.memref_slice %arg8[%dma_start3A_143, %dma_start3A_147] : memref<8x128xi32, #tpu.memory_space<vmem>> -> memref<1x128xi32, #tpu.memory_space<vmem>>
      %dma_start3A_149 = tpu.memref_squeeze %dma_start3A_148 : memref<1x128xi32, #tpu.memory_space<vmem>> -> memref<128xi32, #tpu.memory_space<vmem>>
      %dma_start3A_150 = arith.constant 0 : i32
      %dma_start3A_151 = arith.constant 0 : i32
      %dma_start3A_152 = tpu.memref_slice %arg12[%dma_start3A_150, %dma_start3A_151] : memref<10048x128xf32, #tpu.memory_space<vmem_shared>> -> memref<10048x128xf32, #tpu.memory_space<vmem_shared>>
      tpu.enqueue_indirect_dma source(%dma_start3A_146 : memref<128x128xf32, #tpu.memory_space<vmem>>) target(%dma_start3A_152 : memref<10048x128xf32, #tpu.memory_space<vmem_shared>>) offsets(%dma_start3A_149 : memref<128xi32, #tpu.memory_space<vmem>>) semaphore(%arg17 : memref<!tpu.dma_semaphore, #tpu.memory_space<semaphore_mem>>) {add = true}
      %dma_wait3A_153 = arith.constant 0 : i32
      %dma_wait3A_154 = arith.constant 0 : i32
      %dma_wait3A_155 = arith.constant 0 : i32
      %dma_wait3A_156 = tpu.memref_slice %arg11[%dma_wait3A_154, %dma_wait3A_155] : memref<256x128xf32, #tpu.memory_space<vmem>> -> memref<128x128xf32, #tpu.memory_space<vmem>>
      %dma_wait3A_157 = arith.constant 0 : i32
      %dma_wait3A_158 = tpu.memref_slice %arg8[%dma_wait3A_153, %dma_wait3A_157] : memref<8x128xi32, #tpu.memory_space<vmem>> -> memref<1x128xi32, #tpu.memory_space<vmem>>
      %dma_wait3A_159 = tpu.memref_squeeze %dma_wait3A_158 : memref<1x128xi32, #tpu.memory_space<vmem>> -> memref<128xi32, #tpu.memory_space<vmem>>
      %dma_wait3A_160 = arith.constant 0 : i32
      %dma_wait3A_161 = arith.constant 0 : i32
      %dma_wait3A_162 = tpu.memref_slice %arg12[%dma_wait3A_160, %dma_wait3A_161] : memref<10048x128xf32, #tpu.memory_space<vmem_shared>> -> memref<10048x128xf32, #tpu.memory_space<vmem_shared>>
      tpu.wait_indirect_dma semaphore(%arg17 : memref<!tpu.dma_semaphore, #tpu.memory_space<semaphore_mem>>) src(%dma_wait3A_156 : memref<128x128xf32, #tpu.memory_space<vmem>>) dst(%dma_wait3A_162 : memref<10048x128xf32, #tpu.memory_space<vmem_shared>>)
      %dma_start3A_163 = arith.constant 2 : i32
      %dma_start3A_164 = arith.constant 0 : i32
      %dma_start3A_165 = arith.constant 0 : i32
      %dma_start3A_166 = tpu.memref_slice %arg11[%dma_start3A_164, %dma_start3A_165] : memref<256x128xf32, #tpu.memory_space<vmem>> -> memref<64x128xf32, #tpu.memory_space<vmem>>
      %dma_start3A_167 = arith.constant 0 : i32
      %dma_start3A_168 = tpu.memref_slice %arg7[%dma_start3A_163, %dma_start3A_167] : memref<8x128xi32, #tpu.memory_space<vmem>> -> memref<1x64xi32, #tpu.memory_space<vmem>>
      %dma_start3A_169 = tpu.memref_squeeze %dma_start3A_168 : memref<1x64xi32, #tpu.memory_space<vmem>> -> memref<64xi32, #tpu.memory_space<vmem>>
      %dma_start3A_170 = arith.constant 0 : i32
      %dma_start3A_171 = arith.constant 0 : i32
      %dma_start3A_172 = tpu.memref_slice %arg2[%arg0, %dma_start3A_170, %dma_start3A_171] : memref<2x10000x128xf32, #tpu.memory_space<hbm>> -> memref<1x10000x128xf32, #tpu.memory_space<hbm>>
      %dma_start3A_173 = tpu.memref_squeeze %dma_start3A_172 : memref<1x10000x128xf32, #tpu.memory_space<hbm>> -> memref<10000x128xf32, #tpu.memory_space<hbm>>
      %dma_start3A_174 = arith.constant 0 : i32
      %dma_start3A_175 = arith.constant 0 : i32
      %dma_start3A_176 = tpu.memref_slice %dma_start3A_173[%dma_start3A_174, %dma_start3A_175] : memref<10000x128xf32, #tpu.memory_space<hbm>> -> memref<10000x128xf32, #tpu.memory_space<hbm>>
      tpu.enqueue_indirect_dma source(%dma_start3A_176 : memref<10000x128xf32, #tpu.memory_space<hbm>>) target(%dma_start3A_166 : memref<64x128xf32, #tpu.memory_space<vmem>>) offsets(%dma_start3A_169 : memref<64xi32, #tpu.memory_space<vmem>>) semaphore(%arg13 : memref<!tpu.dma_semaphore, #tpu.memory_space<semaphore_mem>>)
      %dma_start3A_177 = arith.constant 2 : i32
      %dma_start3A_178 = arith.constant 64 : i32
      %dma_start3A_179 = arith.constant 0 : i32
      %dma_start3A_180 = tpu.memref_slice %arg11[%dma_start3A_178, %dma_start3A_179] : memref<256x128xf32, #tpu.memory_space<vmem>> -> memref<64x128xf32, #tpu.memory_space<vmem>>
      %dma_start3A_181 = arith.constant 64 : i32
      %dma_start3A_182 = tpu.memref_slice %arg7[%dma_start3A_177, %dma_start3A_181] : memref<8x128xi32, #tpu.memory_space<vmem>> -> memref<1x64xi32, #tpu.memory_space<vmem>>
      %dma_start3A_183 = tpu.memref_squeeze %dma_start3A_182 : memref<1x64xi32, #tpu.memory_space<vmem>> -> memref<64xi32, #tpu.memory_space<vmem>>
      %dma_start3A_184 = arith.constant 0 : i32
      %dma_start3A_185 = arith.constant 0 : i32
      %dma_start3A_186 = tpu.memref_slice %arg2[%arg0, %dma_start3A_184, %dma_start3A_185] : memref<2x10000x128xf32, #tpu.memory_space<hbm>> -> memref<1x10000x128xf32, #tpu.memory_space<hbm>>
      %dma_start3A_187 = tpu.memref_squeeze %dma_start3A_186 : memref<1x10000x128xf32, #tpu.memory_space<hbm>> -> memref<10000x128xf32, #tpu.memory_space<hbm>>
      %dma_start3A_188 = arith.constant 0 : i32
      %dma_start3A_189 = arith.constant 0 : i32
      %dma_start3A_190 = tpu.memref_slice %dma_start3A_187[%dma_start3A_188, %dma_start3A_189] : memref<10000x128xf32, #tpu.memory_space<hbm>> -> memref<10000x128xf32, #tpu.memory_space<hbm>>
      tpu.enqueue_indirect_dma source(%dma_start3A_190 : memref<10000x128xf32, #tpu.memory_space<hbm>>) target(%dma_start3A_180 : memref<64x128xf32, #tpu.memory_space<vmem>>) offsets(%dma_start3A_183 : memref<64xi32, #tpu.memory_space<vmem>>) semaphore(%arg14 : memref<!tpu.dma_semaphore, #tpu.memory_space<semaphore_mem>>)
      %dma_wait3A_191 = arith.constant 1 : i32
      %dma_wait3A_192 = arith.constant 128 : i32
      %dma_wait3A_193 = arith.constant 0 : i32
      %dma_wait3A_194 = tpu.memref_slice %arg11[%dma_wait3A_192, %dma_wait3A_193] : memref<256x128xf32, #tpu.memory_space<vmem>> -> memref<64x128xf32, #tpu.memory_space<vmem>>
      %dma_wait3A_195 = arith.constant 0 : i32
      %dma_wait3A_196 = tpu.memref_slice %arg7[%dma_wait3A_191, %dma_wait3A_195] : memref<8x128xi32, #tpu.memory_space<vmem>> -> memref<1x64xi32, #tpu.memory_space<vmem>>
      %dma_wait3A_197 = tpu.memref_squeeze %dma_wait3A_196 : memref<1x64xi32, #tpu.memory_space<vmem>> -> memref<64xi32, #tpu.memory_space<vmem>>
      %dma_wait3A_198 = arith.constant 0 : i32
      %dma_wait3A_199 = arith.constant 0 : i32
      %dma_wait3A_200 = tpu.memref_slice %arg2[%arg0, %dma_wait3A_198, %dma_wait3A_199] : memref<2x10000x128xf32, #tpu.memory_space<hbm>> -> memref<1x10000x128xf32, #tpu.memory_space<hbm>>
      %dma_wait3A_201 = tpu.memref_squeeze %dma_wait3A_200 : memref<1x10000x128xf32, #tpu.memory_space<hbm>> -> memref<10000x128xf32, #tpu.memory_space<hbm>>
      %dma_wait3A_202 = arith.constant 0 : i32
      %dma_wait3A_203 = arith.constant 0 : i32
      %dma_wait3A_204 = tpu.memref_slice %dma_wait3A_201[%dma_wait3A_202, %dma_wait3A_203] : memref<10000x128xf32, #tpu.memory_space<hbm>> -> memref<10000x128xf32, #tpu.memory_space<hbm>>
      tpu.wait_indirect_dma semaphore(%arg15 : memref<!tpu.dma_semaphore, #tpu.memory_space<semaphore_mem>>) src(%dma_wait3A_204 : memref<10000x128xf32, #tpu.memory_space<hbm>>) dst(%dma_wait3A_194 : memref<64x128xf32, #tpu.memory_space<vmem>>)
      %dma_wait3A_205 = arith.constant 1 : i32
      %dma_wait3A_206 = arith.constant 192 : i32
      %dma_wait3A_207 = arith.constant 0 : i32
      %dma_wait3A_208 = tpu.memref_slice %arg11[%dma_wait3A_206, %dma_wait3A_207] : memref<256x128xf32, #tpu.memory_space<vmem>> -> memref<64x128xf32, #tpu.memory_space<vmem>>
      %dma_wait3A_209 = arith.constant 64 : i32
      %dma_wait3A_210 = tpu.memref_slice %arg7[%dma_wait3A_205, %dma_wait3A_209] : memref<8x128xi32, #tpu.memory_space<vmem>> -> memref<1x64xi32, #tpu.memory_space<vmem>>
      %dma_wait3A_211 = tpu.memref_squeeze %dma_wait3A_210 : memref<1x64xi32, #tpu.memory_space<vmem>> -> memref<64xi32, #tpu.memory_space<vmem>>
      %dma_wait3A_212 = arith.constant 0 : i32
      %dma_wait3A_213 = arith.constant 0 : i32
      %dma_wait3A_214 = tpu.memref_slice %arg2[%arg0, %dma_wait3A_212, %dma_wait3A_213] : memref<2x10000x128xf32, #tpu.memory_space<hbm>> -> memref<1x10000x128xf32, #tpu.memory_space<hbm>>
      %dma_wait3A_215 = tpu.memref_squeeze %dma_wait3A_214 : memref<1x10000x128xf32, #tpu.memory_space<hbm>> -> memref<10000x128xf32, #tpu.memory_space<hbm>>
      %dma_wait3A_216 = arith.constant 0 : i32
      %dma_wait3A_217 = arith.constant 0 : i32
      %dma_wait3A_218 = tpu.memref_slice %dma_wait3A_215[%dma_wait3A_216, %dma_wait3A_217] : memref<10000x128xf32, #tpu.memory_space<hbm>> -> memref<10000x128xf32, #tpu.memory_space<hbm>>
      tpu.wait_indirect_dma semaphore(%arg16 : memref<!tpu.dma_semaphore, #tpu.memory_space<semaphore_mem>>) src(%dma_wait3A_218 : memref<10000x128xf32, #tpu.memory_space<hbm>>) dst(%dma_wait3A_208 : memref<64x128xf32, #tpu.memory_space<vmem>>)
      %dma_start3A_219 = arith.constant 1 : i32
      %dma_start3A_220 = arith.constant 128 : i32
      %dma_start3A_221 = arith.constant 0 : i32
      %dma_start3A_222 = tpu.memref_slice %arg11[%dma_start3A_220, %dma_start3A_221] : memref<256x128xf32, #tpu.memory_space<vmem>> -> memref<128x128xf32, #tpu.memory_space<vmem>>
      %dma_start3A_223 = arith.constant 0 : i32
      %dma_start3A_224 = tpu.memref_slice %arg8[%dma_start3A_219, %dma_start3A_223] : memref<8x128xi32, #tpu.memory_space<vmem>> -> memref<1x128xi32, #tpu.memory_space<vmem>>
      %dma_start3A_225 = tpu.memref_squeeze %dma_start3A_224 : memref<1x128xi32, #tpu.memory_space<vmem>> -> memref<128xi32, #tpu.memory_space<vmem>>
      %dma_start3A_226 = arith.constant 0 : i32
      %dma_start3A_227 = arith.constant 0 : i32
      %dma_start3A_228 = tpu.memref_slice %arg12[%dma_start3A_226, %dma_start3A_227] : memref<10048x128xf32, #tpu.memory_space<vmem_shared>> -> memref<10048x128xf32, #tpu.memory_space<vmem_shared>>
      tpu.enqueue_indirect_dma source(%dma_start3A_222 : memref<128x128xf32, #tpu.memory_space<vmem>>) target(%dma_start3A_228 : memref<10048x128xf32, #tpu.memory_space<vmem_shared>>) offsets(%dma_start3A_225 : memref<128xi32, #tpu.memory_space<vmem>>) semaphore(%arg18 : memref<!tpu.dma_semaphore, #tpu.memory_space<semaphore_mem>>) {add = true}
      %dma_wait3A_229 = arith.constant 1 : i32
      %dma_wait3A_230 = arith.constant 128 : i32
      %dma_wait3A_231 = arith.constant 0 : i32
      %dma_wait3A_232 = tpu.memref_slice %arg11[%dma_wait3A_230, %dma_wait3A_231] : memref<256x128xf32, #tpu.memory_space<vmem>> -> memref<128x128xf32, #tpu.memory_space<vmem>>
      %dma_wait3A_233 = arith.constant 0 : i32
      %dma_wait3A_234 = tpu.memref_slice %arg8[%dma_wait3A_229, %dma_wait3A_233] : memref<8x128xi32, #tpu.memory_space<vmem>> -> memref<1x128xi32, #tpu.memory_space<vmem>>
      %dma_wait3A_235 = tpu.memref_squeeze %dma_wait3A_234 : memref<1x128xi32, #tpu.memory_space<vmem>> -> memref<128xi32, #tpu.memory_space<vmem>>
      %dma_wait3A_236 = arith.constant 0 : i32
      %dma_wait3A_237 = arith.constant 0 : i32
      %dma_wait3A_238 = tpu.memref_slice %arg12[%dma_wait3A_236, %dma_wait3A_237] : memref<10048x128xf32, #tpu.memory_space<vmem_shared>> -> memref<10048x128xf32, #tpu.memory_space<vmem_shared>>
      tpu.wait_indirect_dma semaphore(%arg18 : memref<!tpu.dma_semaphore, #tpu.memory_space<semaphore_mem>>) src(%dma_wait3A_232 : memref<128x128xf32, #tpu.memory_space<vmem>>) dst(%dma_wait3A_238 : memref<10048x128xf32, #tpu.memory_space<vmem_shared>>)
      %dma_start3A_239 = arith.constant 3 : i32
      %dma_start3A_240 = arith.constant 128 : i32
      %dma_start3A_241 = arith.constant 0 : i32
      %dma_start3A_242 = tpu.memref_slice %arg11[%dma_start3A_240, %dma_start3A_241] : memref<256x128xf32, #tpu.memory_space<vmem>> -> memref<64x128xf32, #tpu.memory_space<vmem>>
      %dma_start3A_243 = arith.constant 0 : i32
      %dma_start3A_244 = tpu.memref_slice %arg7[%dma_start3A_239, %dma_start3A_243] : memref<8x128xi32, #tpu.memory_space<vmem>> -> memref<1x64xi32, #tpu.memory_space<vmem>>
      %dma_start3A_245 = tpu.memref_squeeze %dma_start3A_244 : memref<1x64xi32, #tpu.memory_space<vmem>> -> memref<64xi32, #tpu.memory_space<vmem>>
      %dma_start3A_246 = arith.constant 0 : i32
      %dma_start3A_247 = arith.constant 0 : i32
      %dma_start3A_248 = tpu.memref_slice %arg2[%arg0, %dma_start3A_246, %dma_start3A_247] : memref<2x10000x128xf32, #tpu.memory_space<hbm>> -> memref<1x10000x128xf32, #tpu.memory_space<hbm>>
      %dma_start3A_249 = tpu.memref_squeeze %dma_start3A_248 : memref<1x10000x128xf32, #tpu.memory_space<hbm>> -> memref<10000x128xf32, #tpu.memory_space<hbm>>
      %dma_start3A_250 = arith.constant 0 : i32
      %dma_start3A_251 = arith.constant 0 : i32
      %dma_start3A_252 = tpu.memref_slice %dma_start3A_249[%dma_start3A_250, %dma_start3A_251] : memref<10000x128xf32, #tpu.memory_space<hbm>> -> memref<10000x128xf32, #tpu.memory_space<hbm>>
      tpu.enqueue_indirect_dma source(%dma_start3A_252 : memref<10000x128xf32, #tpu.memory_space<hbm>>) target(%dma_start3A_242 : memref<64x128xf32, #tpu.memory_space<vmem>>) offsets(%dma_start3A_245 : memref<64xi32, #tpu.memory_space<vmem>>) semaphore(%arg15 : memref<!tpu.dma_semaphore, #tpu.memory_space<semaphore_mem>>)
      %dma_start3A_253 = arith.constant 3 : i32
      %dma_start3A_254 = arith.constant 192 : i32
      %dma_start3A_255 = arith.constant 0 : i32
      %dma_start3A_256 = tpu.memref_slice %arg11[%dma_start3A_254, %dma_start3A_255] : memref<256x128xf32, #tpu.memory_space<vmem>> -> memref<64x128xf32, #tpu.memory_space<vmem>>
      %dma_start3A_257 = arith.constant 64 : i32
      %dma_start3A_258 = tpu.memref_slice %arg7[%dma_start3A_253, %dma_start3A_257] : memref<8x128xi32, #tpu.memory_space<vmem>> -> memref<1x64xi32, #tpu.memory_space<vmem>>
      %dma_start3A_259 = tpu.memref_squeeze %dma_start3A_258 : memref<1x64xi32, #tpu.memory_space<vmem>> -> memref<64xi32, #tpu.memory_space<vmem>>
      %dma_start3A_260 = arith.constant 0 : i32
      %dma_start3A_261 = arith.constant 0 : i32
      %dma_start3A_262 = tpu.memref_slice %arg2[%arg0, %dma_start3A_260, %dma_start3A_261] : memref<2x10000x128xf32, #tpu.memory_space<hbm>> -> memref<1x10000x128xf32, #tpu.memory_space<hbm>>
      %dma_start3A_263 = tpu.memref_squeeze %dma_start3A_262 : memref<1x10000x128xf32, #tpu.memory_space<hbm>> -> memref<10000x128xf32, #tpu.memory_space<hbm>>
      %dma_start3A_264 = arith.constant 0 : i32
      %dma_start3A_265 = arith.constant 0 : i32
      %dma_start3A_266 = tpu.memref_slice %dma_start3A_263[%dma_start3A_264, %dma_start3A_265] : memref<10000x128xf32, #tpu.memory_space<hbm>> -> memref<10000x128xf32, #tpu.memory_space<hbm>>
      tpu.enqueue_indirect_dma source(%dma_start3A_266 : memref<10000x128xf32, #tpu.memory_space<hbm>>) target(%dma_start3A_256 : memref<64x128xf32, #tpu.memory_space<vmem>>) offsets(%dma_start3A_259 : memref<64xi32, #tpu.memory_space<vmem>>) semaphore(%arg16 : memref<!tpu.dma_semaphore, #tpu.memory_space<semaphore_mem>>)
      %dma_wait3A_267 = arith.constant 2 : i32
      %dma_wait3A_268 = arith.constant 0 : i32
      %dma_wait3A_269 = arith.constant 0 : i32
      %dma_wait3A_270 = tpu.memref_slice %arg11[%dma_wait3A_268, %dma_wait3A_269] : memref<256x128xf32, #tpu.memory_space<vmem>> -> memref<64x128xf32, #tpu.memory_space<vmem>>
      %dma_wait3A_271 = arith.constant 0 : i32
      %dma_wait3A_272 = tpu.memref_slice %arg7[%dma_wait3A_267, %dma_wait3A_271] : memref<8x128xi32, #tpu.memory_space<vmem>> -> memref<1x64xi32, #tpu.memory_space<vmem>>
      %dma_wait3A_273 = tpu.memref_squeeze %dma_wait3A_272 : memref<1x64xi32, #tpu.memory_space<vmem>> -> memref<64xi32, #tpu.memory_space<vmem>>
      %dma_wait3A_274 = arith.constant 0 : i32
      %dma_wait3A_275 = arith.constant 0 : i32
      %dma_wait3A_276 = tpu.memref_slice %arg2[%arg0, %dma_wait3A_274, %dma_wait3A_275] : memref<2x10000x128xf32, #tpu.memory_space<hbm>> -> memref<1x10000x128xf32, #tpu.memory_space<hbm>>
      %dma_wait3A_277 = tpu.memref_squeeze %dma_wait3A_276 : memref<1x10000x128xf32, #tpu.memory_space<hbm>> -> memref<10000x128xf32, #tpu.memory_space<hbm>>
      %dma_wait3A_278 = arith.constant 0 : i32
      %dma_wait3A_279 = arith.constant 0 : i32
      %dma_wait3A_280 = tpu.memref_slice %dma_wait3A_277[%dma_wait3A_278, %dma_wait3A_279] : memref<10000x128xf32, #tpu.memory_space<hbm>> -> memref<10000x128xf32, #tpu.memory_space<hbm>>
      tpu.wait_indirect_dma semaphore(%arg13 : memref<!tpu.dma_semaphore, #tpu.memory_space<semaphore_mem>>) src(%dma_wait3A_280 : memref<10000x128xf32, #tpu.memory_space<hbm>>) dst(%dma_wait3A_270 : memref<64x128xf32, #tpu.memory_space<vmem>>)
      %dma_wait3A_281 = arith.constant 2 : i32
      %dma_wait3A_282 = arith.constant 64 : i32
      %dma_wait3A_283 = arith.constant 0 : i32
      %dma_wait3A_284 = tpu.memref_slice %arg11[%dma_wait3A_282, %dma_wait3A_283] : memref<256x128xf32, #tpu.memory_space<vmem>> -> memref<64x128xf32, #tpu.memory_space<vmem>>
      %dma_wait3A_285 = arith.constant 64 : i32
      %dma_wait3A_286 = tpu.memref_slice %arg7[%dma_wait3A_281, %dma_wait3A_285] : memref<8x128xi32, #tpu.memory_space<vmem>> -> memref<1x64xi32, #tpu.memory_space<vmem>>
      %dma_wait3A_287 = tpu.memref_squeeze %dma_wait3A_286 : memref<1x64xi32, #tpu.memory_space<vmem>> -> memref<64xi32, #tpu.memory_space<vmem>>
      %dma_wait3A_288 = arith.constant 0 : i32
      %dma_wait3A_289 = arith.constant 0 : i32
      %dma_wait3A_290 = tpu.memref_slice %arg2[%arg0, %dma_wait3A_288, %dma_wait3A_289] : memref<2x10000x128xf32, #tpu.memory_space<hbm>> -> memref<1x10000x128xf32, #tpu.memory_space<hbm>>
      %dma_wait3A_291 = tpu.memref_squeeze %dma_wait3A_290 : memref<1x10000x128xf32, #tpu.memory_space<hbm>> -> memref<10000x128xf32, #tpu.memory_space<hbm>>
      %dma_wait3A_292 = arith.constant 0 : i32
      %dma_wait3A_293 = arith.constant 0 : i32
      %dma_wait3A_294 = tpu.memref_slice %dma_wait3A_291[%dma_wait3A_292, %dma_wait3A_293] : memref<10000x128xf32, #tpu.memory_space<hbm>> -> memref<10000x128xf32, #tpu.memory_space<hbm>>
      tpu.wait_indirect_dma semaphore(%arg14 : memref<!tpu.dma_semaphore, #tpu.memory_space<semaphore_mem>>) src(%dma_wait3A_294 : memref<10000x128xf32, #tpu.memory_space<hbm>>) dst(%dma_wait3A_284 : memref<64x128xf32, #tpu.memory_space<vmem>>)
      %dma_start3A_295 = arith.constant 2 : i32
      %dma_start3A_296 = arith.constant 0 : i32
      %dma_start3A_297 = arith.constant 0 : i32
      %dma_start3A_298 = tpu.memref_slice %arg11[%dma_start3A_296, %dma_start3A_297] : memref<256x128xf32, #tpu.memory_space<vmem>> -> memref<128x128xf32, #tpu.memory_space<vmem>>
      %dma_start3A_299 = arith.constant 0 : i32
      %dma_start3A_300 = tpu.memref_slice %arg8[%dma_start3A_295, %dma_start3A_299] : memref<8x128xi32, #tpu.memory_space<vmem>> -> memref<1x128xi32, #tpu.memory_space<vmem>>
      %dma_start3A_301 = tpu.memref_squeeze %dma_start3A_300 : memref<1x128xi32, #tpu.memory_space<vmem>> -> memref<128xi32, #tpu.memory_space<vmem>>
      %dma_start3A_302 = arith.constant 0 : i32
      %dma_start3A_303 = arith.constant 0 : i32
      %dma_start3A_304 = tpu.memref_slice %arg12[%dma_start3A_302, %dma_start3A_303] : memref<10048x128xf32, #tpu.memory_space<vmem_shared>> -> memref<10048x128xf32, #tpu.memory_space<vmem_shared>>
      tpu.enqueue_indirect_dma source(%dma_start3A_298 : memref<128x128xf32, #tpu.memory_space<vmem>>) target(%dma_start3A_304 : memref<10048x128xf32, #tpu.memory_space<vmem_shared>>) offsets(%dma_start3A_301 : memref<128xi32, #tpu.memory_space<vmem>>) semaphore(%arg17 : memref<!tpu.dma_semaphore, #tpu.memory_space<semaphore_mem>>) {add = true}
      %dma_wait3A_305 = arith.constant 2 : i32
      %dma_wait3A_306 = arith.constant 0 : i32
      %dma_wait3A_307 = arith.constant 0 : i32
      %dma_wait3A_308 = tpu.memref_slice %arg11[%dma_wait3A_306, %dma_wait3A_307] : memref<256x128xf32, #tpu.memory_space<vmem>> -> memref<128x128xf32, #tpu.memory_space<vmem>>
      %dma_wait3A_309 = arith.constant 0 : i32
      %dma_wait3A_310 = tpu.memref_slice %arg8[%dma_wait3A_305, %dma_wait3A_309] : memref<8x128xi32, #tpu.memory_space<vmem>> -> memref<1x128xi32, #tpu.memory_space<vmem>>
      %dma_wait3A_311 = tpu.memref_squeeze %dma_wait3A_310 : memref<1x128xi32, #tpu.memory_space<vmem>> -> memref<128xi32, #tpu.memory_space<vmem>>
      %dma_wait3A_312 = arith.constant 0 : i32
      %dma_wait3A_313 = arith.constant 0 : i32
      %dma_wait3A_314 = tpu.memref_slice %arg12[%dma_wait3A_312, %dma_wait3A_313] : memref<10048x128xf32, #tpu.memory_space<vmem_shared>> -> memref<10048x128xf32, #tpu.memory_space<vmem_shared>>
      tpu.wait_indirect_dma semaphore(%arg17 : memref<!tpu.dma_semaphore, #tpu.memory_space<semaphore_mem>>) src(%dma_wait3A_308 : memref<128x128xf32, #tpu.memory_space<vmem>>) dst(%dma_wait3A_314 : memref<10048x128xf32, #tpu.memory_space<vmem_shared>>)
      %dma_start3A_315 = arith.constant 4 : i32
      %dma_start3A_316 = arith.constant 0 : i32
      %dma_start3A_317 = arith.constant 0 : i32
      %dma_start3A_318 = tpu.memref_slice %arg11[%dma_start3A_316, %dma_start3A_317] : memref<256x128xf32, #tpu.memory_space<vmem>> -> memref<64x128xf32, #tpu.memory_space<vmem>>
      %dma_start3A_319 = arith.constant 0 : i32
      %dma_start3A_320 = tpu.memref_slice %arg7[%dma_start3A_315, %dma_start3A_319] : memref<8x128xi32, #tpu.memory_space<vmem>> -> memref<1x64xi32, #tpu.memory_space<vmem>>
      %dma_start3A_321 = tpu.memref_squeeze %dma_start3A_320 : memref<1x64xi32, #tpu.memory_space<vmem>> -> memref<64xi32, #tpu.memory_space<vmem>>
      %dma_start3A_322 = arith.constant 0 : i32
      %dma_start3A_323 = arith.constant 0 : i32
      %dma_start3A_324 = tpu.memref_slice %arg2[%arg0, %dma_start3A_322, %dma_start3A_323] : memref<2x10000x128xf32, #tpu.memory_space<hbm>> -> memref<1x10000x128xf32, #tpu.memory_space<hbm>>
      %dma_start3A_325 = tpu.memref_squeeze %dma_start3A_324 : memref<1x10000x128xf32, #tpu.memory_space<hbm>> -> memref<10000x128xf32, #tpu.memory_space<hbm>>
      %dma_start3A_326 = arith.constant 0 : i32
      %dma_start3A_327 = arith.constant 0 : i32
      %dma_start3A_328 = tpu.memref_slice %dma_start3A_325[%dma_start3A_326, %dma_start3A_327] : memref<10000x128xf32, #tpu.memory_space<hbm>> -> memref<10000x128xf32, #tpu.memory_space<hbm>>
      tpu.enqueue_indirect_dma source(%dma_start3A_328 : memref<10000x128xf32, #tpu.memory_space<hbm>>) target(%dma_start3A_318 : memref<64x128xf32, #tpu.memory_space<vmem>>) offsets(%dma_start3A_321 : memref<64xi32, #tpu.memory_space<vmem>>) semaphore(%arg13 : memref<!tpu.dma_semaphore, #tpu.memory_space<semaphore_mem>>)
      %dma_start3A_329 = arith.constant 4 : i32
      %dma_start3A_330 = arith.constant 64 : i32
      %dma_start3A_331 = arith.constant 0 : i32
      %dma_start3A_332 = tpu.memref_slice %arg11[%dma_start3A_330, %dma_start3A_331] : memref<256x128xf32, #tpu.memory_space<vmem>> -> memref<64x128xf32, #tpu.memory_space<vmem>>
      %dma_start3A_333 = arith.constant 64 : i32
      %dma_start3A_334 = tpu.memref_slice %arg7[%dma_start3A_329, %dma_start3A_333] : memref<8x128xi32, #tpu.memory_space<vmem>> -> memref<1x64xi32, #tpu.memory_space<vmem>>
      %dma_start3A_335 = tpu.memref_squeeze %dma_start3A_334 : memref<1x64xi32, #tpu.memory_space<vmem>> -> memref<64xi32, #tpu.memory_space<vmem>>
      %dma_start3A_336 = arith.constant 0 : i32
      %dma_start3A_337 = arith.constant 0 : i32
      %dma_start3A_338 = tpu.memref_slice %arg2[%arg0, %dma_start3A_336, %dma_start3A_337] : memref<2x10000x128xf32, #tpu.memory_space<hbm>> -> memref<1x10000x128xf32, #tpu.memory_space<hbm>>
      %dma_start3A_339 = tpu.memref_squeeze %dma_start3A_338 : memref<1x10000x128xf32, #tpu.memory_space<hbm>> -> memref<10000x128xf32, #tpu.memory_space<hbm>>
      %dma_start3A_340 = arith.constant 0 : i32
      %dma_start3A_341 = arith.constant 0 : i32
      %dma_start3A_342 = tpu.memref_slice %dma_start3A_339[%dma_start3A_340, %dma_start3A_341] : memref<10000x128xf32, #tpu.memory_space<hbm>> -> memref<10000x128xf32, #tpu.memory_space<hbm>>
      tpu.enqueue_indirect_dma source(%dma_start3A_342 : memref<10000x128xf32, #tpu.memory_space<hbm>>) target(%dma_start3A_332 : memref<64x128xf32, #tpu.memory_space<vmem>>) offsets(%dma_start3A_335 : memref<64xi32, #tpu.memory_space<vmem>>) semaphore(%arg14 : memref<!tpu.dma_semaphore, #tpu.memory_space<semaphore_mem>>)
      %dma_wait3A_343 = arith.constant 3 : i32
      %dma_wait3A_344 = arith.constant 128 : i32
      %dma_wait3A_345 = arith.constant 0 : i32
      %dma_wait3A_346 = tpu.memref_slice %arg11[%dma_wait3A_344, %dma_wait3A_345] : memref<256x128xf32, #tpu.memory_space<vmem>> -> memref<64x128xf32, #tpu.memory_space<vmem>>
      %dma_wait3A_347 = arith.constant 0 : i32
      %dma_wait3A_348 = tpu.memref_slice %arg7[%dma_wait3A_343, %dma_wait3A_347] : memref<8x128xi32, #tpu.memory_space<vmem>> -> memref<1x64xi32, #tpu.memory_space<vmem>>
      %dma_wait3A_349 = tpu.memref_squeeze %dma_wait3A_348 : memref<1x64xi32, #tpu.memory_space<vmem>> -> memref<64xi32, #tpu.memory_space<vmem>>
      %dma_wait3A_350 = arith.constant 0 : i32
      %dma_wait3A_351 = arith.constant 0 : i32
      %dma_wait3A_352 = tpu.memref_slice %arg2[%arg0, %dma_wait3A_350, %dma_wait3A_351] : memref<2x10000x128xf32, #tpu.memory_space<hbm>> -> memref<1x10000x128xf32, #tpu.memory_space<hbm>>
      %dma_wait3A_353 = tpu.memref_squeeze %dma_wait3A_352 : memref<1x10000x128xf32, #tpu.memory_space<hbm>> -> memref<10000x128xf32, #tpu.memory_space<hbm>>
      %dma_wait3A_354 = arith.constant 0 : i32
      %dma_wait3A_355 = arith.constant 0 : i32
      %dma_wait3A_356 = tpu.memref_slice %dma_wait3A_353[%dma_wait3A_354, %dma_wait3A_355] : memref<10000x128xf32, #tpu.memory_space<hbm>> -> memref<10000x128xf32, #tpu.memory_space<hbm>>
      tpu.wait_indirect_dma semaphore(%arg15 : memref<!tpu.dma_semaphore, #tpu.memory_space<semaphore_mem>>) src(%dma_wait3A_356 : memref<10000x128xf32, #tpu.memory_space<hbm>>) dst(%dma_wait3A_346 : memref<64x128xf32, #tpu.memory_space<vmem>>)
      %dma_wait3A_357 = arith.constant 3 : i32
      %dma_wait3A_358 = arith.constant 192 : i32
      %dma_wait3A_359 = arith.constant 0 : i32
      %dma_wait3A_360 = tpu.memref_slice %arg11[%dma_wait3A_358, %dma_wait3A_359] : memref<256x128xf32, #tpu.memory_space<vmem>> -> memref<64x128xf32, #tpu.memory_space<vmem>>
      %dma_wait3A_361 = arith.constant 64 : i32
      %dma_wait3A_362 = tpu.memref_slice %arg7[%dma_wait3A_357, %dma_wait3A_361] : memref<8x128xi32, #tpu.memory_space<vmem>> -> memref<1x64xi32, #tpu.memory_space<vmem>>
      %dma_wait3A_363 = tpu.memref_squeeze %dma_wait3A_362 : memref<1x64xi32, #tpu.memory_space<vmem>> -> memref<64xi32, #tpu.memory_space<vmem>>
      %dma_wait3A_364 = arith.constant 0 : i32
      %dma_wait3A_365 = arith.constant 0 : i32
      %dma_wait3A_366 = tpu.memref_slice %arg2[%arg0, %dma_wait3A_364, %dma_wait3A_365] : memref<2x10000x128xf32, #tpu.memory_space<hbm>> -> memref<1x10000x128xf32, #tpu.memory_space<hbm>>
      %dma_wait3A_367 = tpu.memref_squeeze %dma_wait3A_366 : memref<1x10000x128xf32, #tpu.memory_space<hbm>> -> memref<10000x128xf32, #tpu.memory_space<hbm>>
      %dma_wait3A_368 = arith.constant 0 : i32
      %dma_wait3A_369 = arith.constant 0 : i32
      %dma_wait3A_370 = tpu.memref_slice %dma_wait3A_367[%dma_wait3A_368, %dma_wait3A_369] : memref<10000x128xf32, #tpu.memory_space<hbm>> -> memref<10000x128xf32, #tpu.memory_space<hbm>>
      tpu.wait_indirect_dma semaphore(%arg16 : memref<!tpu.dma_semaphore, #tpu.memory_space<semaphore_mem>>) src(%dma_wait3A_370 : memref<10000x128xf32, #tpu.memory_space<hbm>>) dst(%dma_wait3A_360 : memref<64x128xf32, #tpu.memory_space<vmem>>)
      %dma_start3A_371 = arith.constant 3 : i32
      %dma_start3A_372 = arith.constant 128 : i32
      %dma_start3A_373 = arith.constant 0 : i32
      %dma_start3A_374 = tpu.memref_slice %arg11[%dma_start3A_372, %dma_start3A_373] : memref<256x128xf32, #tpu.memory_space<vmem>> -> memref<128x128xf32, #tpu.memory_space<vmem>>
      %dma_start3A_375 = arith.constant 0 : i32
      %dma_start3A_376 = tpu.memref_slice %arg8[%dma_start3A_371, %dma_start3A_375] : memref<8x128xi32, #tpu.memory_space<vmem>> -> memref<1x128xi32, #tpu.memory_space<vmem>>
      %dma_start3A_377 = tpu.memref_squeeze %dma_start3A_376 : memref<1x128xi32, #tpu.memory_space<vmem>> -> memref<128xi32, #tpu.memory_space<vmem>>
      %dma_start3A_378 = arith.constant 0 : i32
      %dma_start3A_379 = arith.constant 0 : i32
      %dma_start3A_380 = tpu.memref_slice %arg12[%dma_start3A_378, %dma_start3A_379] : memref<10048x128xf32, #tpu.memory_space<vmem_shared>> -> memref<10048x128xf32, #tpu.memory_space<vmem_shared>>
      tpu.enqueue_indirect_dma source(%dma_start3A_374 : memref<128x128xf32, #tpu.memory_space<vmem>>) target(%dma_start3A_380 : memref<10048x128xf32, #tpu.memory_space<vmem_shared>>) offsets(%dma_start3A_377 : memref<128xi32, #tpu.memory_space<vmem>>) semaphore(%arg18 : memref<!tpu.dma_semaphore, #tpu.memory_space<semaphore_mem>>) {add = true}
      %dma_wait3A_381 = arith.constant 3 : i32
      %dma_wait3A_382 = arith.constant 128 : i32
      %dma_wait3A_383 = arith.constant 0 : i32
      %dma_wait3A_384 = tpu.memref_slice %arg11[%dma_wait3A_382, %dma_wait3A_383] : memref<256x128xf32, #tpu.memory_space<vmem>> -> memref<128x128xf32, #tpu.memory_space<vmem>>
      %dma_wait3A_385 = arith.constant 0 : i32
      %dma_wait3A_386 = tpu.memref_slice %arg8[%dma_wait3A_381, %dma_wait3A_385] : memref<8x128xi32, #tpu.memory_space<vmem>> -> memref<1x128xi32, #tpu.memory_space<vmem>>
      %dma_wait3A_387 = tpu.memref_squeeze %dma_wait3A_386 : memref<1x128xi32, #tpu.memory_space<vmem>> -> memref<128xi32, #tpu.memory_space<vmem>>
      %dma_wait3A_388 = arith.constant 0 : i32
      %dma_wait3A_389 = arith.constant 0 : i32
      %dma_wait3A_390 = tpu.memref_slice %arg12[%dma_wait3A_388, %dma_wait3A_389] : memref<10048x128xf32, #tpu.memory_space<vmem_shared>> -> memref<10048x128xf32, #tpu.memory_space<vmem_shared>>
      tpu.wait_indirect_dma semaphore(%arg18 : memref<!tpu.dma_semaphore, #tpu.memory_space<semaphore_mem>>) src(%dma_wait3A_384 : memref<128x128xf32, #tpu.memory_space<vmem>>) dst(%dma_wait3A_390 : memref<10048x128xf32, #tpu.memory_space<vmem_shared>>)
      %dma_start3A_391 = arith.constant 5 : i32
      %dma_start3A_392 = arith.constant 128 : i32
      %dma_start3A_393 = arith.constant 0 : i32
      %dma_start3A_394 = tpu.memref_slice %arg11[%dma_start3A_392, %dma_start3A_393] : memref<256x128xf32, #tpu.memory_space<vmem>> -> memref<64x128xf32, #tpu.memory_space<vmem>>
      %dma_start3A_395 = arith.constant 0 : i32
      %dma_start3A_396 = tpu.memref_slice %arg7[%dma_start3A_391, %dma_start3A_395] : memref<8x128xi32, #tpu.memory_space<vmem>> -> memref<1x64xi32, #tpu.memory_space<vmem>>
      %dma_start3A_397 = tpu.memref_squeeze %dma_start3A_396 : memref<1x64xi32, #tpu.memory_space<vmem>> -> memref<64xi32, #tpu.memory_space<vmem>>
      %dma_start3A_398 = arith.constant 0 : i32
      %dma_start3A_399 = arith.constant 0 : i32
      %dma_start3A_400 = tpu.memref_slice %arg2[%arg0, %dma_start3A_398, %dma_start3A_399] : memref<2x10000x128xf32, #tpu.memory_space<hbm>> -> memref<1x10000x128xf32, #tpu.memory_space<hbm>>
      %dma_start3A_401 = tpu.memref_squeeze %dma_start3A_400 : memref<1x10000x128xf32, #tpu.memory_space<hbm>> -> memref<10000x128xf32, #tpu.memory_space<hbm>>
      %dma_start3A_402 = arith.constant 0 : i32
      %dma_start3A_403 = arith.constant 0 : i32
      %dma_start3A_404 = tpu.memref_slice %dma_start3A_401[%dma_start3A_402, %dma_start3A_403] : memref<10000x128xf32, #tpu.memory_space<hbm>> -> memref<10000x128xf32, #tpu.memory_space<hbm>>
      tpu.enqueue_indirect_dma source(%dma_start3A_404 : memref<10000x128xf32, #tpu.memory_space<hbm>>) target(%dma_start3A_394 : memref<64x128xf32, #tpu.memory_space<vmem>>) offsets(%dma_start3A_397 : memref<64xi32, #tpu.memory_space<vmem>>) semaphore(%arg15 : memref<!tpu.dma_semaphore, #tpu.memory_space<semaphore_mem>>)
      %dma_start3A_405 = arith.constant 5 : i32
      %dma_start3A_406 = arith.constant 192 : i32
      %dma_start3A_407 = arith.constant 0 : i32
      %dma_start3A_408 = tpu.memref_slice %arg11[%dma_start3A_406, %dma_start3A_407] : memref<256x128xf32, #tpu.memory_space<vmem>> -> memref<64x128xf32, #tpu.memory_space<vmem>>
      %dma_start3A_409 = arith.constant 64 : i32
      %dma_start3A_410 = tpu.memref_slice %arg7[%dma_start3A_405, %dma_start3A_409] : memref<8x128xi32, #tpu.memory_space<vmem>> -> memref<1x64xi32, #tpu.memory_space<vmem>>
      %dma_start3A_411 = tpu.memref_squeeze %dma_start3A_410 : memref<1x64xi32, #tpu.memory_space<vmem>> -> memref<64xi32, #tpu.memory_space<vmem>>
      %dma_start3A_412 = arith.constant 0 : i32
      %dma_start3A_413 = arith.constant 0 : i32
      %dma_start3A_414 = tpu.memref_slice %arg2[%arg0, %dma_start3A_412, %dma_start3A_413] : memref<2x10000x128xf32, #tpu.memory_space<hbm>> -> memref<1x10000x128xf32, #tpu.memory_space<hbm>>
      %dma_start3A_415 = tpu.memref_squeeze %dma_start3A_414 : memref<1x10000x128xf32, #tpu.memory_space<hbm>> -> memref<10000x128xf32, #tpu.memory_space<hbm>>
      %dma_start3A_416 = arith.constant 0 : i32
      %dma_start3A_417 = arith.constant 0 : i32
      %dma_start3A_418 = tpu.memref_slice %dma_start3A_415[%dma_start3A_416, %dma_start3A_417] : memref<10000x128xf32, #tpu.memory_space<hbm>> -> memref<10000x128xf32, #tpu.memory_space<hbm>>
      tpu.enqueue_indirect_dma source(%dma_start3A_418 : memref<10000x128xf32, #tpu.memory_space<hbm>>) target(%dma_start3A_408 : memref<64x128xf32, #tpu.memory_space<vmem>>) offsets(%dma_start3A_411 : memref<64xi32, #tpu.memory_space<vmem>>) semaphore(%arg16 : memref<!tpu.dma_semaphore, #tpu.memory_space<semaphore_mem>>)
      %dma_wait3A_419 = arith.constant 4 : i32
      %dma_wait3A_420 = arith.constant 0 : i32
      %dma_wait3A_421 = arith.constant 0 : i32
      %dma_wait3A_422 = tpu.memref_slice %arg11[%dma_wait3A_420, %dma_wait3A_421] : memref<256x128xf32, #tpu.memory_space<vmem>> -> memref<64x128xf32, #tpu.memory_space<vmem>>
      %dma_wait3A_423 = arith.constant 0 : i32
      %dma_wait3A_424 = tpu.memref_slice %arg7[%dma_wait3A_419, %dma_wait3A_423] : memref<8x128xi32, #tpu.memory_space<vmem>> -> memref<1x64xi32, #tpu.memory_space<vmem>>
      %dma_wait3A_425 = tpu.memref_squeeze %dma_wait3A_424 : memref<1x64xi32, #tpu.memory_space<vmem>> -> memref<64xi32, #tpu.memory_space<vmem>>
      %dma_wait3A_426 = arith.constant 0 : i32
      %dma_wait3A_427 = arith.constant 0 : i32
      %dma_wait3A_428 = tpu.memref_slice %arg2[%arg0, %dma_wait3A_426, %dma_wait3A_427] : memref<2x10000x128xf32, #tpu.memory_space<hbm>> -> memref<1x10000x128xf32, #tpu.memory_space<hbm>>
      %dma_wait3A_429 = tpu.memref_squeeze %dma_wait3A_428 : memref<1x10000x128xf32, #tpu.memory_space<hbm>> -> memref<10000x128xf32, #tpu.memory_space<hbm>>
      %dma_wait3A_430 = arith.constant 0 : i32
      %dma_wait3A_431 = arith.constant 0 : i32
      %dma_wait3A_432 = tpu.memref_slice %dma_wait3A_429[%dma_wait3A_430, %dma_wait3A_431] : memref<10000x128xf32, #tpu.memory_space<hbm>> -> memref<10000x128xf32, #tpu.memory_space<hbm>>
      tpu.wait_indirect_dma semaphore(%arg13 : memref<!tpu.dma_semaphore, #tpu.memory_space<semaphore_mem>>) src(%dma_wait3A_432 : memref<10000x128xf32, #tpu.memory_space<hbm>>) dst(%dma_wait3A_422 : memref<64x128xf32, #tpu.memory_space<vmem>>)
      %dma_wait3A_433 = arith.constant 4 : i32
      %dma_wait3A_434 = arith.constant 64 : i32
      %dma_wait3A_435 = arith.constant 0 : i32
      %dma_wait3A_436 = tpu.memref_slice %arg11[%dma_wait3A_434, %dma_wait3A_435] : memref<256x128xf32, #tpu.memory_space<vmem>> -> memref<64x128xf32, #tpu.memory_space<vmem>>
      %dma_wait3A_437 = arith.constant 64 : i32
      %dma_wait3A_438 = tpu.memref_slice %arg7[%dma_wait3A_433, %dma_wait3A_437] : memref<8x128xi32, #tpu.memory_space<vmem>> -> memref<1x64xi32, #tpu.memory_space<vmem>>
      %dma_wait3A_439 = tpu.memref_squeeze %dma_wait3A_438 : memref<1x64xi32, #tpu.memory_space<vmem>> -> memref<64xi32, #tpu.memory_space<vmem>>
      %dma_wait3A_440 = arith.constant 0 : i32
      %dma_wait3A_441 = arith.constant 0 : i32
      %dma_wait3A_442 = tpu.memref_slice %arg2[%arg0, %dma_wait3A_440, %dma_wait3A_441] : memref<2x10000x128xf32, #tpu.memory_space<hbm>> -> memref<1x10000x128xf32, #tpu.memory_space<hbm>>
      %dma_wait3A_443 = tpu.memref_squeeze %dma_wait3A_442 : memref<1x10000x128xf32, #tpu.memory_space<hbm>> -> memref<10000x128xf32, #tpu.memory_space<hbm>>
      %dma_wait3A_444 = arith.constant 0 : i32
      %dma_wait3A_445 = arith.constant 0 : i32
      %dma_wait3A_446 = tpu.memref_slice %dma_wait3A_443[%dma_wait3A_444, %dma_wait3A_445] : memref<10000x128xf32, #tpu.memory_space<hbm>> -> memref<10000x128xf32, #tpu.memory_space<hbm>>
      tpu.wait_indirect_dma semaphore(%arg14 : memref<!tpu.dma_semaphore, #tpu.memory_space<semaphore_mem>>) src(%dma_wait3A_446 : memref<10000x128xf32, #tpu.memory_space<hbm>>) dst(%dma_wait3A_436 : memref<64x128xf32, #tpu.memory_space<vmem>>)
      %dma_start3A_447 = arith.constant 4 : i32
      %dma_start3A_448 = arith.constant 0 : i32
      %dma_start3A_449 = arith.constant 0 : i32
      %dma_start3A_450 = tpu.memref_slice %arg11[%dma_start3A_448, %dma_start3A_449] : memref<256x128xf32, #tpu.memory_space<vmem>> -> memref<128x128xf32, #tpu.memory_space<vmem>>
      %dma_start3A_451 = arith.constant 0 : i32
      %dma_start3A_452 = tpu.memref_slice %arg8[%dma_start3A_447, %dma_start3A_451] : memref<8x128xi32, #tpu.memory_space<vmem>> -> memref<1x128xi32, #tpu.memory_space<vmem>>
      %dma_start3A_453 = tpu.memref_squeeze %dma_start3A_452 : memref<1x128xi32, #tpu.memory_space<vmem>> -> memref<128xi32, #tpu.memory_space<vmem>>
      %dma_start3A_454 = arith.constant 0 : i32
      %dma_start3A_455 = arith.constant 0 : i32
      %dma_start3A_456 = tpu.memref_slice %arg12[%dma_start3A_454, %dma_start3A_455] : memref<10048x128xf32, #tpu.memory_space<vmem_shared>> -> memref<10048x128xf32, #tpu.memory_space<vmem_shared>>
      tpu.enqueue_indirect_dma source(%dma_start3A_450 : memref<128x128xf32, #tpu.memory_space<vmem>>) target(%dma_start3A_456 : memref<10048x128xf32, #tpu.memory_space<vmem_shared>>) offsets(%dma_start3A_453 : memref<128xi32, #tpu.memory_space<vmem>>) semaphore(%arg17 : memref<!tpu.dma_semaphore, #tpu.memory_space<semaphore_mem>>) {add = true}
      %dma_wait3A_457 = arith.constant 4 : i32
      %dma_wait3A_458 = arith.constant 0 : i32
      %dma_wait3A_459 = arith.constant 0 : i32
      %dma_wait3A_460 = tpu.memref_slice %arg11[%dma_wait3A_458, %dma_wait3A_459] : memref<256x128xf32, #tpu.memory_space<vmem>> -> memref<128x128xf32, #tpu.memory_space<vmem>>
      %dma_wait3A_461 = arith.constant 0 : i32
      %dma_wait3A_462 = tpu.memref_slice %arg8[%dma_wait3A_457, %dma_wait3A_461] : memref<8x128xi32, #tpu.memory_space<vmem>> -> memref<1x128xi32, #tpu.memory_space<vmem>>
      %dma_wait3A_463 = tpu.memref_squeeze %dma_wait3A_462 : memref<1x128xi32, #tpu.memory_space<vmem>> -> memref<128xi32, #tpu.memory_space<vmem>>
      %dma_wait3A_464 = arith.constant 0 : i32
      %dma_wait3A_465 = arith.constant 0 : i32
      %dma_wait3A_466 = tpu.memref_slice %arg12[%dma_wait3A_464, %dma_wait3A_465] : memref<10048x128xf32, #tpu.memory_space<vmem_shared>> -> memref<10048x128xf32, #tpu.memory_space<vmem_shared>>
      tpu.wait_indirect_dma semaphore(%arg17 : memref<!tpu.dma_semaphore, #tpu.memory_space<semaphore_mem>>) src(%dma_wait3A_460 : memref<128x128xf32, #tpu.memory_space<vmem>>) dst(%dma_wait3A_466 : memref<10048x128xf32, #tpu.memory_space<vmem_shared>>)
      %dma_start3A_467 = arith.constant 6 : i32
      %dma_start3A_468 = arith.constant 0 : i32
      %dma_start3A_469 = arith.constant 0 : i32
      %dma_start3A_470 = tpu.memref_slice %arg11[%dma_start3A_468, %dma_start3A_469] : memref<256x128xf32, #tpu.memory_space<vmem>> -> memref<64x128xf32, #tpu.memory_space<vmem>>
      %dma_start3A_471 = arith.constant 0 : i32
      %dma_start3A_472 = tpu.memref_slice %arg7[%dma_start3A_467, %dma_start3A_471] : memref<8x128xi32, #tpu.memory_space<vmem>> -> memref<1x64xi32, #tpu.memory_space<vmem>>
      %dma_start3A_473 = tpu.memref_squeeze %dma_start3A_472 : memref<1x64xi32, #tpu.memory_space<vmem>> -> memref<64xi32, #tpu.memory_space<vmem>>
      %dma_start3A_474 = arith.constant 0 : i32
      %dma_start3A_475 = arith.constant 0 : i32
      %dma_start3A_476 = tpu.memref_slice %arg2[%arg0, %dma_start3A_474, %dma_start3A_475] : memref<2x10000x128xf32, #tpu.memory_space<hbm>> -> memref<1x10000x128xf32, #tpu.memory_space<hbm>>
      %dma_start3A_477 = tpu.memref_squeeze %dma_start3A_476 : memref<1x10000x128xf32, #tpu.memory_space<hbm>> -> memref<10000x128xf32, #tpu.memory_space<hbm>>
      %dma_start3A_478 = arith.constant 0 : i32
      %dma_start3A_479 = arith.constant 0 : i32
      %dma_start3A_480 = tpu.memref_slice %dma_start3A_477[%dma_start3A_478, %dma_start3A_479] : memref<10000x128xf32, #tpu.memory_space<hbm>> -> memref<10000x128xf32, #tpu.memory_space<hbm>>
      tpu.enqueue_indirect_dma source(%dma_start3A_480 : memref<10000x128xf32, #tpu.memory_space<hbm>>) target(%dma_start3A_470 : memref<64x128xf32, #tpu.memory_space<vmem>>) offsets(%dma_start3A_473 : memref<64xi32, #tpu.memory_space<vmem>>) semaphore(%arg13 : memref<!tpu.dma_semaphore, #tpu.memory_space<semaphore_mem>>)
      %dma_start3A_481 = arith.constant 6 : i32
      %dma_start3A_482 = arith.constant 64 : i32
      %dma_start3A_483 = arith.constant 0 : i32
      %dma_start3A_484 = tpu.memref_slice %arg11[%dma_start3A_482, %dma_start3A_483] : memref<256x128xf32, #tpu.memory_space<vmem>> -> memref<64x128xf32, #tpu.memory_space<vmem>>
      %dma_start3A_485 = arith.constant 64 : i32
      %dma_start3A_486 = tpu.memref_slice %arg7[%dma_start3A_481, %dma_start3A_485] : memref<8x128xi32, #tpu.memory_space<vmem>> -> memref<1x64xi32, #tpu.memory_space<vmem>>
      %dma_start3A_487 = tpu.memref_squeeze %dma_start3A_486 : memref<1x64xi32, #tpu.memory_space<vmem>> -> memref<64xi32, #tpu.memory_space<vmem>>
      %dma_start3A_488 = arith.constant 0 : i32
      %dma_start3A_489 = arith.constant 0 : i32
      %dma_start3A_490 = tpu.memref_slice %arg2[%arg0, %dma_start3A_488, %dma_start3A_489] : memref<2x10000x128xf32, #tpu.memory_space<hbm>> -> memref<1x10000x128xf32, #tpu.memory_space<hbm>>
      %dma_start3A_491 = tpu.memref_squeeze %dma_start3A_490 : memref<1x10000x128xf32, #tpu.memory_space<hbm>> -> memref<10000x128xf32, #tpu.memory_space<hbm>>
      %dma_start3A_492 = arith.constant 0 : i32
      %dma_start3A_493 = arith.constant 0 : i32
      %dma_start3A_494 = tpu.memref_slice %dma_start3A_491[%dma_start3A_492, %dma_start3A_493] : memref<10000x128xf32, #tpu.memory_space<hbm>> -> memref<10000x128xf32, #tpu.memory_space<hbm>>
      tpu.enqueue_indirect_dma source(%dma_start3A_494 : memref<10000x128xf32, #tpu.memory_space<hbm>>) target(%dma_start3A_484 : memref<64x128xf32, #tpu.memory_space<vmem>>) offsets(%dma_start3A_487 : memref<64xi32, #tpu.memory_space<vmem>>) semaphore(%arg14 : memref<!tpu.dma_semaphore, #tpu.memory_space<semaphore_mem>>)
      %dma_wait3A_495 = arith.constant 5 : i32
      %dma_wait3A_496 = arith.constant 128 : i32
      %dma_wait3A_497 = arith.constant 0 : i32
      %dma_wait3A_498 = tpu.memref_slice %arg11[%dma_wait3A_496, %dma_wait3A_497] : memref<256x128xf32, #tpu.memory_space<vmem>> -> memref<64x128xf32, #tpu.memory_space<vmem>>
      %dma_wait3A_499 = arith.constant 0 : i32
      %dma_wait3A_500 = tpu.memref_slice %arg7[%dma_wait3A_495, %dma_wait3A_499] : memref<8x128xi32, #tpu.memory_space<vmem>> -> memref<1x64xi32, #tpu.memory_space<vmem>>
      %dma_wait3A_501 = tpu.memref_squeeze %dma_wait3A_500 : memref<1x64xi32, #tpu.memory_space<vmem>> -> memref<64xi32, #tpu.memory_space<vmem>>
      %dma_wait3A_502 = arith.constant 0 : i32
      %dma_wait3A_503 = arith.constant 0 : i32
      %dma_wait3A_504 = tpu.memref_slice %arg2[%arg0, %dma_wait3A_502, %dma_wait3A_503] : memref<2x10000x128xf32, #tpu.memory_space<hbm>> -> memref<1x10000x128xf32, #tpu.memory_space<hbm>>
      %dma_wait3A_505 = tpu.memref_squeeze %dma_wait3A_504 : memref<1x10000x128xf32, #tpu.memory_space<hbm>> -> memref<10000x128xf32, #tpu.memory_space<hbm>>
      %dma_wait3A_506 = arith.constant 0 : i32
      %dma_wait3A_507 = arith.constant 0 : i32
      %dma_wait3A_508 = tpu.memref_slice %dma_wait3A_505[%dma_wait3A_506, %dma_wait3A_507] : memref<10000x128xf32, #tpu.memory_space<hbm>> -> memref<10000x128xf32, #tpu.memory_space<hbm>>
      tpu.wait_indirect_dma semaphore(%arg15 : memref<!tpu.dma_semaphore, #tpu.memory_space<semaphore_mem>>) src(%dma_wait3A_508 : memref<10000x128xf32, #tpu.memory_space<hbm>>) dst(%dma_wait3A_498 : memref<64x128xf32, #tpu.memory_space<vmem>>)
      %dma_wait3A_509 = arith.constant 5 : i32
      %dma_wait3A_510 = arith.constant 192 : i32
      %dma_wait3A_511 = arith.constant 0 : i32
      %dma_wait3A_512 = tpu.memref_slice %arg11[%dma_wait3A_510, %dma_wait3A_511] : memref<256x128xf32, #tpu.memory_space<vmem>> -> memref<64x128xf32, #tpu.memory_space<vmem>>
      %dma_wait3A_513 = arith.constant 64 : i32
      %dma_wait3A_514 = tpu.memref_slice %arg7[%dma_wait3A_509, %dma_wait3A_513] : memref<8x128xi32, #tpu.memory_space<vmem>> -> memref<1x64xi32, #tpu.memory_space<vmem>>
      %dma_wait3A_515 = tpu.memref_squeeze %dma_wait3A_514 : memref<1x64xi32, #tpu.memory_space<vmem>> -> memref<64xi32, #tpu.memory_space<vmem>>
      %dma_wait3A_516 = arith.constant 0 : i32
      %dma_wait3A_517 = arith.constant 0 : i32
      %dma_wait3A_518 = tpu.memref_slice %arg2[%arg0, %dma_wait3A_516, %dma_wait3A_517] : memref<2x10000x128xf32, #tpu.memory_space<hbm>> -> memref<1x10000x128xf32, #tpu.memory_space<hbm>>
      %dma_wait3A_519 = tpu.memref_squeeze %dma_wait3A_518 : memref<1x10000x128xf32, #tpu.memory_space<hbm>> -> memref<10000x128xf32, #tpu.memory_space<hbm>>
      %dma_wait3A_520 = arith.constant 0 : i32
      %dma_wait3A_521 = arith.constant 0 : i32
      %dma_wait3A_522 = tpu.memref_slice %dma_wait3A_519[%dma_wait3A_520, %dma_wait3A_521] : memref<10000x128xf32, #tpu.memory_space<hbm>> -> memref<10000x128xf32, #tpu.memory_space<hbm>>
      tpu.wait_indirect_dma semaphore(%arg16 : memref<!tpu.dma_semaphore, #tpu.memory_space<semaphore_mem>>) src(%dma_wait3A_522 : memref<10000x128xf32, #tpu.memory_space<hbm>>) dst(%dma_wait3A_512 : memref<64x128xf32, #tpu.memory_space<vmem>>)
      %dma_start3A_523 = arith.constant 5 : i32
      %dma_start3A_524 = arith.constant 128 : i32
      %dma_start3A_525 = arith.constant 0 : i32
      %dma_start3A_526 = tpu.memref_slice %arg11[%dma_start3A_524, %dma_start3A_525] : memref<256x128xf32, #tpu.memory_space<vmem>> -> memref<128x128xf32, #tpu.memory_space<vmem>>
      %dma_start3A_527 = arith.constant 0 : i32
      %dma_start3A_528 = tpu.memref_slice %arg8[%dma_start3A_523, %dma_start3A_527] : memref<8x128xi32, #tpu.memory_space<vmem>> -> memref<1x128xi32, #tpu.memory_space<vmem>>
      %dma_start3A_529 = tpu.memref_squeeze %dma_start3A_528 : memref<1x128xi32, #tpu.memory_space<vmem>> -> memref<128xi32, #tpu.memory_space<vmem>>
      %dma_start3A_530 = arith.constant 0 : i32
      %dma_start3A_531 = arith.constant 0 : i32
      %dma_start3A_532 = tpu.memref_slice %arg12[%dma_start3A_530, %dma_start3A_531] : memref<10048x128xf32, #tpu.memory_space<vmem_shared>> -> memref<10048x128xf32, #tpu.memory_space<vmem_shared>>
      tpu.enqueue_indirect_dma source(%dma_start3A_526 : memref<128x128xf32, #tpu.memory_space<vmem>>) target(%dma_start3A_532 : memref<10048x128xf32, #tpu.memory_space<vmem_shared>>) offsets(%dma_start3A_529 : memref<128xi32, #tpu.memory_space<vmem>>) semaphore(%arg18 : memref<!tpu.dma_semaphore, #tpu.memory_space<semaphore_mem>>) {add = true}
      %dma_wait3A_533 = arith.constant 5 : i32
      %dma_wait3A_534 = arith.constant 128 : i32
      %dma_wait3A_535 = arith.constant 0 : i32
      %dma_wait3A_536 = tpu.memref_slice %arg11[%dma_wait3A_534, %dma_wait3A_535] : memref<256x128xf32, #tpu.memory_space<vmem>> -> memref<128x128xf32, #tpu.memory_space<vmem>>
      %dma_wait3A_537 = arith.constant 0 : i32
      %dma_wait3A_538 = tpu.memref_slice %arg8[%dma_wait3A_533, %dma_wait3A_537] : memref<8x128xi32, #tpu.memory_space<vmem>> -> memref<1x128xi32, #tpu.memory_space<vmem>>
      %dma_wait3A_539 = tpu.memref_squeeze %dma_wait3A_538 : memref<1x128xi32, #tpu.memory_space<vmem>> -> memref<128xi32, #tpu.memory_space<vmem>>
      %dma_wait3A_540 = arith.constant 0 : i32
      %dma_wait3A_541 = arith.constant 0 : i32
      %dma_wait3A_542 = tpu.memref_slice %arg12[%dma_wait3A_540, %dma_wait3A_541] : memref<10048x128xf32, #tpu.memory_space<vmem_shared>> -> memref<10048x128xf32, #tpu.memory_space<vmem_shared>>
      tpu.wait_indirect_dma semaphore(%arg18 : memref<!tpu.dma_semaphore, #tpu.memory_space<semaphore_mem>>) src(%dma_wait3A_536 : memref<128x128xf32, #tpu.memory_space<vmem>>) dst(%dma_wait3A_542 : memref<10048x128xf32, #tpu.memory_space<vmem_shared>>)
      %dma_start3A_543 = arith.constant 7 : i32
      %dma_start3A_544 = arith.constant 128 : i32
      %dma_start3A_545 = arith.constant 0 : i32
      %dma_start3A_546 = tpu.memref_slice %arg11[%dma_start3A_544, %dma_start3A_545] : memref<256x128xf32, #tpu.memory_space<vmem>> -> memref<64x128xf32, #tpu.memory_space<vmem>>
      %dma_start3A_547 = arith.constant 0 : i32
      %dma_start3A_548 = tpu.memref_slice %arg7[%dma_start3A_543, %dma_start3A_547] : memref<8x128xi32, #tpu.memory_space<vmem>> -> memref<1x64xi32, #tpu.memory_space<vmem>>
      %dma_start3A_549 = tpu.memref_squeeze %dma_start3A_548 : memref<1x64xi32, #tpu.memory_space<vmem>> -> memref<64xi32, #tpu.memory_space<vmem>>
      %dma_start3A_550 = arith.constant 0 : i32
      %dma_start3A_551 = arith.constant 0 : i32
      %dma_start3A_552 = tpu.memref_slice %arg2[%arg0, %dma_start3A_550, %dma_start3A_551] : memref<2x10000x128xf32, #tpu.memory_space<hbm>> -> memref<1x10000x128xf32, #tpu.memory_space<hbm>>
      %dma_start3A_553 = tpu.memref_squeeze %dma_start3A_552 : memref<1x10000x128xf32, #tpu.memory_space<hbm>> -> memref<10000x128xf32, #tpu.memory_space<hbm>>
      %dma_start3A_554 = arith.constant 0 : i32
      %dma_start3A_555 = arith.constant 0 : i32
      %dma_start3A_556 = tpu.memref_slice %dma_start3A_553[%dma_start3A_554, %dma_start3A_555] : memref<10000x128xf32, #tpu.memory_space<hbm>> -> memref<10000x128xf32, #tpu.memory_space<hbm>>
      tpu.enqueue_indirect_dma source(%dma_start3A_556 : memref<10000x128xf32, #tpu.memory_space<hbm>>) target(%dma_start3A_546 : memref<64x128xf32, #tpu.memory_space<vmem>>) offsets(%dma_start3A_549 : memref<64xi32, #tpu.memory_space<vmem>>) semaphore(%arg15 : memref<!tpu.dma_semaphore, #tpu.memory_space<semaphore_mem>>)
      %dma_start3A_557 = arith.constant 7 : i32
      %dma_start3A_558 = arith.constant 192 : i32
      %dma_start3A_559 = arith.constant 0 : i32
      %dma_start3A_560 = tpu.memref_slice %arg11[%dma_start3A_558, %dma_start3A_559] : memref<256x128xf32, #tpu.memory_space<vmem>> -> memref<64x128xf32, #tpu.memory_space<vmem>>
      %dma_start3A_561 = arith.constant 64 : i32
      %dma_start3A_562 = tpu.memref_slice %arg7[%dma_start3A_557, %dma_start3A_561] : memref<8x128xi32, #tpu.memory_space<vmem>> -> memref<1x64xi32, #tpu.memory_space<vmem>>
      %dma_start3A_563 = tpu.memref_squeeze %dma_start3A_562 : memref<1x64xi32, #tpu.memory_space<vmem>> -> memref<64xi32, #tpu.memory_space<vmem>>
      %dma_start3A_564 = arith.constant 0 : i32
      %dma_start3A_565 = arith.constant 0 : i32
      %dma_start3A_566 = tpu.memref_slice %arg2[%arg0, %dma_start3A_564, %dma_start3A_565] : memref<2x10000x128xf32, #tpu.memory_space<hbm>> -> memref<1x10000x128xf32, #tpu.memory_space<hbm>>
      %dma_start3A_567 = tpu.memref_squeeze %dma_start3A_566 : memref<1x10000x128xf32, #tpu.memory_space<hbm>> -> memref<10000x128xf32, #tpu.memory_space<hbm>>
      %dma_start3A_568 = arith.constant 0 : i32
      %dma_start3A_569 = arith.constant 0 : i32
      %dma_start3A_570 = tpu.memref_slice %dma_start3A_567[%dma_start3A_568, %dma_start3A_569] : memref<10000x128xf32, #tpu.memory_space<hbm>> -> memref<10000x128xf32, #tpu.memory_space<hbm>>
      tpu.enqueue_indirect_dma source(%dma_start3A_570 : memref<10000x128xf32, #tpu.memory_space<hbm>>) target(%dma_start3A_560 : memref<64x128xf32, #tpu.memory_space<vmem>>) offsets(%dma_start3A_563 : memref<64xi32, #tpu.memory_space<vmem>>) semaphore(%arg16 : memref<!tpu.dma_semaphore, #tpu.memory_space<semaphore_mem>>)
      %dma_wait3A_571 = arith.constant 6 : i32
      %dma_wait3A_572 = arith.constant 0 : i32
      %dma_wait3A_573 = arith.constant 0 : i32
      %dma_wait3A_574 = tpu.memref_slice %arg11[%dma_wait3A_572, %dma_wait3A_573] : memref<256x128xf32, #tpu.memory_space<vmem>> -> memref<64x128xf32, #tpu.memory_space<vmem>>
      %dma_wait3A_575 = arith.constant 0 : i32
      %dma_wait3A_576 = tpu.memref_slice %arg7[%dma_wait3A_571, %dma_wait3A_575] : memref<8x128xi32, #tpu.memory_space<vmem>> -> memref<1x64xi32, #tpu.memory_space<vmem>>
      %dma_wait3A_577 = tpu.memref_squeeze %dma_wait3A_576 : memref<1x64xi32, #tpu.memory_space<vmem>> -> memref<64xi32, #tpu.memory_space<vmem>>
      %dma_wait3A_578 = arith.constant 0 : i32
      %dma_wait3A_579 = arith.constant 0 : i32
      %dma_wait3A_580 = tpu.memref_slice %arg2[%arg0, %dma_wait3A_578, %dma_wait3A_579] : memref<2x10000x128xf32, #tpu.memory_space<hbm>> -> memref<1x10000x128xf32, #tpu.memory_space<hbm>>
      %dma_wait3A_581 = tpu.memref_squeeze %dma_wait3A_580 : memref<1x10000x128xf32, #tpu.memory_space<hbm>> -> memref<10000x128xf32, #tpu.memory_space<hbm>>
      %dma_wait3A_582 = arith.constant 0 : i32
      %dma_wait3A_583 = arith.constant 0 : i32
      %dma_wait3A_584 = tpu.memref_slice %dma_wait3A_581[%dma_wait3A_582, %dma_wait3A_583] : memref<10000x128xf32, #tpu.memory_space<hbm>> -> memref<10000x128xf32, #tpu.memory_space<hbm>>
      tpu.wait_indirect_dma semaphore(%arg13 : memref<!tpu.dma_semaphore, #tpu.memory_space<semaphore_mem>>) src(%dma_wait3A_584 : memref<10000x128xf32, #tpu.memory_space<hbm>>) dst(%dma_wait3A_574 : memref<64x128xf32, #tpu.memory_space<vmem>>)
      %dma_wait3A_585 = arith.constant 6 : i32
      %dma_wait3A_586 = arith.constant 64 : i32
      %dma_wait3A_587 = arith.constant 0 : i32
      %dma_wait3A_588 = tpu.memref_slice %arg11[%dma_wait3A_586, %dma_wait3A_587] : memref<256x128xf32, #tpu.memory_space<vmem>> -> memref<64x128xf32, #tpu.memory_space<vmem>>
      %dma_wait3A_589 = arith.constant 64 : i32
      %dma_wait3A_590 = tpu.memref_slice %arg7[%dma_wait3A_585, %dma_wait3A_589] : memref<8x128xi32, #tpu.memory_space<vmem>> -> memref<1x64xi32, #tpu.memory_space<vmem>>
      %dma_wait3A_591 = tpu.memref_squeeze %dma_wait3A_590 : memref<1x64xi32, #tpu.memory_space<vmem>> -> memref<64xi32, #tpu.memory_space<vmem>>
      %dma_wait3A_592 = arith.constant 0 : i32
      %dma_wait3A_593 = arith.constant 0 : i32
      %dma_wait3A_594 = tpu.memref_slice %arg2[%arg0, %dma_wait3A_592, %dma_wait3A_593] : memref<2x10000x128xf32, #tpu.memory_space<hbm>> -> memref<1x10000x128xf32, #tpu.memory_space<hbm>>
      %dma_wait3A_595 = tpu.memref_squeeze %dma_wait3A_594 : memref<1x10000x128xf32, #tpu.memory_space<hbm>> -> memref<10000x128xf32, #tpu.memory_space<hbm>>
      %dma_wait3A_596 = arith.constant 0 : i32
      %dma_wait3A_597 = arith.constant 0 : i32
      %dma_wait3A_598 = tpu.memref_slice %dma_wait3A_595[%dma_wait3A_596, %dma_wait3A_597] : memref<10000x128xf32, #tpu.memory_space<hbm>> -> memref<10000x128xf32, #tpu.memory_space<hbm>>
      tpu.wait_indirect_dma semaphore(%arg14 : memref<!tpu.dma_semaphore, #tpu.memory_space<semaphore_mem>>) src(%dma_wait3A_598 : memref<10000x128xf32, #tpu.memory_space<hbm>>) dst(%dma_wait3A_588 : memref<64x128xf32, #tpu.memory_space<vmem>>)
      %dma_start3A_599 = arith.constant 6 : i32
      %dma_start3A_600 = arith.constant 0 : i32
      %dma_start3A_601 = arith.constant 0 : i32
      %dma_start3A_602 = tpu.memref_slice %arg11[%dma_start3A_600, %dma_start3A_601] : memref<256x128xf32, #tpu.memory_space<vmem>> -> memref<128x128xf32, #tpu.memory_space<vmem>>
      %dma_start3A_603 = arith.constant 0 : i32
      %dma_start3A_604 = tpu.memref_slice %arg8[%dma_start3A_599, %dma_start3A_603] : memref<8x128xi32, #tpu.memory_space<vmem>> -> memref<1x128xi32, #tpu.memory_space<vmem>>
      %dma_start3A_605 = tpu.memref_squeeze %dma_start3A_604 : memref<1x128xi32, #tpu.memory_space<vmem>> -> memref<128xi32, #tpu.memory_space<vmem>>
      %dma_start3A_606 = arith.constant 0 : i32
      %dma_start3A_607 = arith.constant 0 : i32
      %dma_start3A_608 = tpu.memref_slice %arg12[%dma_start3A_606, %dma_start3A_607] : memref<10048x128xf32, #tpu.memory_space<vmem_shared>> -> memref<10048x128xf32, #tpu.memory_space<vmem_shared>>
      tpu.enqueue_indirect_dma source(%dma_start3A_602 : memref<128x128xf32, #tpu.memory_space<vmem>>) target(%dma_start3A_608 : memref<10048x128xf32, #tpu.memory_space<vmem_shared>>) offsets(%dma_start3A_605 : memref<128xi32, #tpu.memory_space<vmem>>) semaphore(%arg17 : memref<!tpu.dma_semaphore, #tpu.memory_space<semaphore_mem>>) {add = true}
      %dma_wait3A_609 = arith.constant 7 : i32
      %dma_wait3A_610 = arith.constant 128 : i32
      %dma_wait3A_611 = arith.constant 0 : i32
      %dma_wait3A_612 = tpu.memref_slice %arg11[%dma_wait3A_610, %dma_wait3A_611] : memref<256x128xf32, #tpu.memory_space<vmem>> -> memref<64x128xf32, #tpu.memory_space<vmem>>
      %dma_wait3A_613 = arith.constant 0 : i32
      %dma_wait3A_614 = tpu.memref_slice %arg7[%dma_wait3A_609, %dma_wait3A_613] : memref<8x128xi32, #tpu.memory_space<vmem>> -> memref<1x64xi32, #tpu.memory_space<vmem>>
      %dma_wait3A_615 = tpu.memref_squeeze %dma_wait3A_614 : memref<1x64xi32, #tpu.memory_space<vmem>> -> memref<64xi32, #tpu.memory_space<vmem>>
      %dma_wait3A_616 = arith.constant 0 : i32
      %dma_wait3A_617 = arith.constant 0 : i32
      %dma_wait3A_618 = tpu.memref_slice %arg2[%arg0, %dma_wait3A_616, %dma_wait3A_617] : memref<2x10000x128xf32, #tpu.memory_space<hbm>> -> memref<1x10000x128xf32, #tpu.memory_space<hbm>>
      %dma_wait3A_619 = tpu.memref_squeeze %dma_wait3A_618 : memref<1x10000x128xf32, #tpu.memory_space<hbm>> -> memref<10000x128xf32, #tpu.memory_space<hbm>>
      %dma_wait3A_620 = arith.constant 0 : i32
      %dma_wait3A_621 = arith.constant 0 : i32
      %dma_wait3A_622 = tpu.memref_slice %dma_wait3A_619[%dma_wait3A_620, %dma_wait3A_621] : memref<10000x128xf32, #tpu.memory_space<hbm>> -> memref<10000x128xf32, #tpu.memory_space<hbm>>
      tpu.wait_indirect_dma semaphore(%arg15 : memref<!tpu.dma_semaphore, #tpu.memory_space<semaphore_mem>>) src(%dma_wait3A_622 : memref<10000x128xf32, #tpu.memory_space<hbm>>) dst(%dma_wait3A_612 : memref<64x128xf32, #tpu.memory_space<vmem>>)
      %dma_wait3A_623 = arith.constant 7 : i32
      %dma_wait3A_624 = arith.constant 192 : i32
      %dma_wait3A_625 = arith.constant 0 : i32
      %dma_wait3A_626 = tpu.memref_slice %arg11[%dma_wait3A_624, %dma_wait3A_625] : memref<256x128xf32, #tpu.memory_space<vmem>> -> memref<64x128xf32, #tpu.memory_space<vmem>>
      %dma_wait3A_627 = arith.constant 64 : i32
      %dma_wait3A_628 = tpu.memref_slice %arg7[%dma_wait3A_623, %dma_wait3A_627] : memref<8x128xi32, #tpu.memory_space<vmem>> -> memref<1x64xi32, #tpu.memory_space<vmem>>
      %dma_wait3A_629 = tpu.memref_squeeze %dma_wait3A_628 : memref<1x64xi32, #tpu.memory_space<vmem>> -> memref<64xi32, #tpu.memory_space<vmem>>
      %dma_wait3A_630 = arith.constant 0 : i32
      %dma_wait3A_631 = arith.constant 0 : i32
      %dma_wait3A_632 = tpu.memref_slice %arg2[%arg0, %dma_wait3A_630, %dma_wait3A_631] : memref<2x10000x128xf32, #tpu.memory_space<hbm>> -> memref<1x10000x128xf32, #tpu.memory_space<hbm>>
      %dma_wait3A_633 = tpu.memref_squeeze %dma_wait3A_632 : memref<1x10000x128xf32, #tpu.memory_space<hbm>> -> memref<10000x128xf32, #tpu.memory_space<hbm>>
      %dma_wait3A_634 = arith.constant 0 : i32
      %dma_wait3A_635 = arith.constant 0 : i32
      %dma_wait3A_636 = tpu.memref_slice %dma_wait3A_633[%dma_wait3A_634, %dma_wait3A_635] : memref<10000x128xf32, #tpu.memory_space<hbm>> -> memref<10000x128xf32, #tpu.memory_space<hbm>>
      tpu.wait_indirect_dma semaphore(%arg16 : memref<!tpu.dma_semaphore, #tpu.memory_space<semaphore_mem>>) src(%dma_wait3A_636 : memref<10000x128xf32, #tpu.memory_space<hbm>>) dst(%dma_wait3A_626 : memref<64x128xf32, #tpu.memory_space<vmem>>)
      %dma_start3A_637 = arith.constant 7 : i32
      %dma_start3A_638 = arith.constant 128 : i32
      %dma_start3A_639 = arith.constant 0 : i32
      %dma_start3A_640 = tpu.memref_slice %arg11[%dma_start3A_638, %dma_start3A_639] : memref<256x128xf32, #tpu.memory_space<vmem>> -> memref<128x128xf32, #tpu.memory_space<vmem>>
      %dma_start3A_641 = arith.constant 0 : i32
      %dma_start3A_642 = tpu.memref_slice %arg8[%dma_start3A_637, %dma_start3A_641] : memref<8x128xi32, #tpu.memory_space<vmem>> -> memref<1x128xi32, #tpu.memory_space<vmem>>
      %dma_start3A_643 = tpu.memref_squeeze %dma_start3A_642 : memref<1x128xi32, #tpu.memory_space<vmem>> -> memref<128xi32, #tpu.memory_space<vmem>>
      %dma_start3A_644 = arith.constant 0 : i32
      %dma_start3A_645 = arith.constant 0 : i32
      %dma_start3A_646 = tpu.memref_slice %arg12[%dma_start3A_644, %dma_start3A_645] : memref<10048x128xf32, #tpu.memory_space<vmem_shared>> -> memref<10048x128xf32, #tpu.memory_space<vmem_shared>>
      tpu.enqueue_indirect_dma source(%dma_start3A_640 : memref<128x128xf32, #tpu.memory_space<vmem>>) target(%dma_start3A_646 : memref<10048x128xf32, #tpu.memory_space<vmem_shared>>) offsets(%dma_start3A_643 : memref<128xi32, #tpu.memory_space<vmem>>) semaphore(%arg18 : memref<!tpu.dma_semaphore, #tpu.memory_space<semaphore_mem>>) {add = true}
      %dma_wait3A_647 = arith.constant 6 : i32
      %dma_wait3A_648 = arith.constant 0 : i32
      %dma_wait3A_649 = arith.constant 0 : i32
      %dma_wait3A_650 = tpu.memref_slice %arg11[%dma_wait3A_648, %dma_wait3A_649] : memref<256x128xf32, #tpu.memory_space<vmem>> -> memref<128x128xf32, #tpu.memory_space<vmem>>
      %dma_wait3A_651 = arith.constant 0 : i32
      %dma_wait3A_652 = tpu.memref_slice %arg8[%dma_wait3A_647, %dma_wait3A_651] : memref<8x128xi32, #tpu.memory_space<vmem>> -> memref<1x128xi32, #tpu.memory_space<vmem>>
      %dma_wait3A_653 = tpu.memref_squeeze %dma_wait3A_652 : memref<1x128xi32, #tpu.memory_space<vmem>> -> memref<128xi32, #tpu.memory_space<vmem>>
      %dma_wait3A_654 = arith.constant 0 : i32
      %dma_wait3A_655 = arith.constant 0 : i32
      %dma_wait3A_656 = tpu.memref_slice %arg12[%dma_wait3A_654, %dma_wait3A_655] : memref<10048x128xf32, #tpu.memory_space<vmem_shared>> -> memref<10048x128xf32, #tpu.memory_space<vmem_shared>>
      tpu.wait_indirect_dma semaphore(%arg17 : memref<!tpu.dma_semaphore, #tpu.memory_space<semaphore_mem>>) src(%dma_wait3A_650 : memref<128x128xf32, #tpu.memory_space<vmem>>) dst(%dma_wait3A_656 : memref<10048x128xf32, #tpu.memory_space<vmem_shared>>)
      %dma_wait3A_657 = arith.constant 7 : i32
      %dma_wait3A_658 = arith.constant 128 : i32
      %dma_wait3A_659 = arith.constant 0 : i32
      %dma_wait3A_660 = tpu.memref_slice %arg11[%dma_wait3A_658, %dma_wait3A_659] : memref<256x128xf32, #tpu.memory_space<vmem>> -> memref<128x128xf32, #tpu.memory_space<vmem>>
      %dma_wait3A_661 = arith.constant 0 : i32
      %dma_wait3A_662 = tpu.memref_slice %arg8[%dma_wait3A_657, %dma_wait3A_661] : memref<8x128xi32, #tpu.memory_space<vmem>> -> memref<1x128xi32, #tpu.memory_space<vmem>>
      %dma_wait3A_663 = tpu.memref_squeeze %dma_wait3A_662 : memref<1x128xi32, #tpu.memory_space<vmem>> -> memref<128xi32, #tpu.memory_space<vmem>>
      %dma_wait3A_664 = arith.constant 0 : i32
      %dma_wait3A_665 = arith.constant 0 : i32
      %dma_wait3A_666 = tpu.memref_slice %arg12[%dma_wait3A_664, %dma_wait3A_665] : memref<10048x128xf32, #tpu.memory_space<vmem_shared>> -> memref<10048x128xf32, #tpu.memory_space<vmem_shared>>
      tpu.wait_indirect_dma semaphore(%arg18 : memref<!tpu.dma_semaphore, #tpu.memory_space<semaphore_mem>>) src(%dma_wait3A_660 : memref<128x128xf32, #tpu.memory_space<vmem>>) dst(%dma_wait3A_666 : memref<10048x128xf32, #tpu.memory_space<vmem_shared>>)
      %add3A_667 = arith.constant 1 : i32
      %add3A_668 = arith.addi %mul3A_35, %add3A_667 : i32
      %mul3A_669 = arith.constant 8 : i32
      %mul3A_670 = arith.muli %add3A_668, %mul3A_669 : i32
      %add3A_671 = arith.addi %mul3A_8, %mul3A_670 : i32
      %dma_wait3A_672 = arith.constant 0 : i32
      %dma_wait3A_673 = tpu.memref_slice %arg4[%add3A_671, %dma_wait3A_672] : memref<1280x128xi32, #tpu.memory_space<hbm>> -> memref<8x128xi32, #tpu.memory_space<hbm>>
      %dma_wait3A_674 = arith.constant 0 : i32
      %dma_wait3A_675 = tpu.memref_slice %arg4[%add3A_671, %dma_wait3A_674] : memref<1280x128xi32, #tpu.memory_space<hbm>> -> memref<8x128xi32, #tpu.memory_space<hbm>>
      tpu.wait_dma2 semaphore(%arg20 : memref<!tpu.dma_semaphore, #tpu.memory_space<semaphore_mem>>) src(%dma_wait3A_675 : memref<8x128xi32, #tpu.memory_space<hbm>>) dst(%arg9 : memref<8x128xi32, #tpu.memory_space<vmem>>)
      %dma_wait3A_676 = arith.constant 0 : i32
      %dma_wait3A_677 = tpu.memref_slice %arg5[%add3A_671, %dma_wait3A_676] : memref<1280x128xi32, #tpu.memory_space<hbm>> -> memref<8x128xi32, #tpu.memory_space<hbm>>
      %dma_wait3A_678 = arith.constant 0 : i32
      %dma_wait3A_679 = tpu.memref_slice %arg5[%add3A_671, %dma_wait3A_678] : memref<1280x128xi32, #tpu.memory_space<hbm>> -> memref<8x128xi32, #tpu.memory_space<hbm>>
      tpu.wait_dma2 semaphore(%arg20 : memref<!tpu.dma_semaphore, #tpu.memory_space<semaphore_mem>>) src(%dma_wait3A_679 : memref<8x128xi32, #tpu.memory_space<hbm>>) dst(%arg10 : memref<8x128xi32, #tpu.memory_space<vmem>>)
      %lt3A_680 = arith.constant 4 : i32
      %lt3A_681 = arith.cmpi slt, %scan3A_33, %lt3A_680 : i32
      %convert_element_type3A_682 = arith.extui %lt3A_681 : i1 to i32
      %cond3A_683 = arith.constant 0 : i32
      %cond3A_684 = arith.cmpi ne, %convert_element_type3A_682, %cond3A_683 : i32
      scf.if %cond3A_684 {
        %add3A_1295 = arith.constant 2 : i32
        %add3A_1296 = arith.addi %mul3A_35, %add3A_1295 : i32
        %mul3A_1297 = arith.constant 8 : i32
        %mul3A_1298 = arith.muli %add3A_1296, %mul3A_1297 : i32
        %add3A_1299 = arith.addi %mul3A_8, %mul3A_1298 : i32
        %dma_start3A_1300 = arith.constant 0 : i32
        %dma_start3A_1301 = tpu.memref_slice %arg4[%add3A_1299, %dma_start3A_1300] : memref<1280x128xi32, #tpu.memory_space<hbm>> -> memref<8x128xi32, #tpu.memory_space<hbm>>
        %dma_start3A_1302 = arith.constant 0 : i32
        %dma_start3A_1303 = tpu.memref_slice %arg4[%add3A_1299, %dma_start3A_1302] : memref<1280x128xi32, #tpu.memory_space<hbm>> -> memref<8x128xi32, #tpu.memory_space<hbm>>
        tpu.enqueue_dma source(%dma_start3A_1303 : memref<8x128xi32, #tpu.memory_space<hbm>>) target(%arg7 : memref<8x128xi32, #tpu.memory_space<vmem>>) target_semaphore(%arg19 : memref<!tpu.dma_semaphore, #tpu.memory_space<semaphore_mem>>)
        %dma_start3A_1304 = arith.constant 0 : i32
        %dma_start3A_1305 = tpu.memref_slice %arg5[%add3A_1299, %dma_start3A_1304] : memref<1280x128xi32, #tpu.memory_space<hbm>> -> memref<8x128xi32, #tpu.memory_space<hbm>>
        %dma_start3A_1306 = arith.constant 0 : i32
        %dma_start3A_1307 = tpu.memref_slice %arg5[%add3A_1299, %dma_start3A_1306] : memref<1280x128xi32, #tpu.memory_space<hbm>> -> memref<8x128xi32, #tpu.memory_space<hbm>>
        tpu.enqueue_dma source(%dma_start3A_1307 : memref<8x128xi32, #tpu.memory_space<hbm>>) target(%arg8 : memref<8x128xi32, #tpu.memory_space<vmem>>) target_semaphore(%arg19 : memref<!tpu.dma_semaphore, #tpu.memory_space<semaphore_mem>>)
      } else {
      }
      %add3A_685 = arith.constant 1 : i32
      %add3A_686 = arith.addi %mul3A_35, %add3A_685 : i32
      %dma_start3A_687 = arith.constant 0 : i32
      %dma_start3A_688 = arith.constant 0 : i32
      %dma_start3A_689 = arith.constant 0 : i32
      %dma_start3A_690 = tpu.memref_slice %arg11[%dma_start3A_688, %dma_start3A_689] : memref<256x128xf32, #tpu.memory_space<vmem>> -> memref<64x128xf32, #tpu.memory_space<vmem>>
      %dma_start3A_691 = arith.constant 0 : i32
      %dma_start3A_692 = tpu.memref_slice %arg9[%dma_start3A_687, %dma_start3A_691] : memref<8x128xi32, #tpu.memory_space<vmem>> -> memref<1x64xi32, #tpu.memory_space<vmem>>
      %dma_start3A_693 = tpu.memref_squeeze %dma_start3A_692 : memref<1x64xi32, #tpu.memory_space<vmem>> -> memref<64xi32, #tpu.memory_space<vmem>>
      %dma_start3A_694 = arith.constant 0 : i32
      %dma_start3A_695 = arith.constant 0 : i32
      %dma_start3A_696 = tpu.memref_slice %arg2[%arg0, %dma_start3A_694, %dma_start3A_695] : memref<2x10000x128xf32, #tpu.memory_space<hbm>> -> memref<1x10000x128xf32, #tpu.memory_space<hbm>>
      %dma_start3A_697 = tpu.memref_squeeze %dma_start3A_696 : memref<1x10000x128xf32, #tpu.memory_space<hbm>> -> memref<10000x128xf32, #tpu.memory_space<hbm>>
      %dma_start3A_698 = arith.constant 0 : i32
      %dma_start3A_699 = arith.constant 0 : i32
      %dma_start3A_700 = tpu.memref_slice %dma_start3A_697[%dma_start3A_698, %dma_start3A_699] : memref<10000x128xf32, #tpu.memory_space<hbm>> -> memref<10000x128xf32, #tpu.memory_space<hbm>>
      tpu.enqueue_indirect_dma source(%dma_start3A_700 : memref<10000x128xf32, #tpu.memory_space<hbm>>) target(%dma_start3A_690 : memref<64x128xf32, #tpu.memory_space<vmem>>) offsets(%dma_start3A_693 : memref<64xi32, #tpu.memory_space<vmem>>) semaphore(%arg13 : memref<!tpu.dma_semaphore, #tpu.memory_space<semaphore_mem>>)
      %dma_start3A_701 = arith.constant 0 : i32
      %dma_start3A_702 = arith.constant 64 : i32
      %dma_start3A_703 = arith.constant 0 : i32
      %dma_start3A_704 = tpu.memref_slice %arg11[%dma_start3A_702, %dma_start3A_703] : memref<256x128xf32, #tpu.memory_space<vmem>> -> memref<64x128xf32, #tpu.memory_space<vmem>>
      %dma_start3A_705 = arith.constant 64 : i32
      %dma_start3A_706 = tpu.memref_slice %arg9[%dma_start3A_701, %dma_start3A_705] : memref<8x128xi32, #tpu.memory_space<vmem>> -> memref<1x64xi32, #tpu.memory_space<vmem>>
      %dma_start3A_707 = tpu.memref_squeeze %dma_start3A_706 : memref<1x64xi32, #tpu.memory_space<vmem>> -> memref<64xi32, #tpu.memory_space<vmem>>
      %dma_start3A_708 = arith.constant 0 : i32
      %dma_start3A_709 = arith.constant 0 : i32
      %dma_start3A_710 = tpu.memref_slice %arg2[%arg0, %dma_start3A_708, %dma_start3A_709] : memref<2x10000x128xf32, #tpu.memory_space<hbm>> -> memref<1x10000x128xf32, #tpu.memory_space<hbm>>
      %dma_start3A_711 = tpu.memref_squeeze %dma_start3A_710 : memref<1x10000x128xf32, #tpu.memory_space<hbm>> -> memref<10000x128xf32, #tpu.memory_space<hbm>>
      %dma_start3A_712 = arith.constant 0 : i32
      %dma_start3A_713 = arith.constant 0 : i32
      %dma_start3A_714 = tpu.memref_slice %dma_start3A_711[%dma_start3A_712, %dma_start3A_713] : memref<10000x128xf32, #tpu.memory_space<hbm>> -> memref<10000x128xf32, #tpu.memory_space<hbm>>
      tpu.enqueue_indirect_dma source(%dma_start3A_714 : memref<10000x128xf32, #tpu.memory_space<hbm>>) target(%dma_start3A_704 : memref<64x128xf32, #tpu.memory_space<vmem>>) offsets(%dma_start3A_707 : memref<64xi32, #tpu.memory_space<vmem>>) semaphore(%arg14 : memref<!tpu.dma_semaphore, #tpu.memory_space<semaphore_mem>>)
      %dma_start3A_715 = arith.constant 1 : i32
      %dma_start3A_716 = arith.constant 128 : i32
      %dma_start3A_717 = arith.constant 0 : i32
      %dma_start3A_718 = tpu.memref_slice %arg11[%dma_start3A_716, %dma_start3A_717] : memref<256x128xf32, #tpu.memory_space<vmem>> -> memref<64x128xf32, #tpu.memory_space<vmem>>
      %dma_start3A_719 = arith.constant 0 : i32
      %dma_start3A_720 = tpu.memref_slice %arg9[%dma_start3A_715, %dma_start3A_719] : memref<8x128xi32, #tpu.memory_space<vmem>> -> memref<1x64xi32, #tpu.memory_space<vmem>>
      %dma_start3A_721 = tpu.memref_squeeze %dma_start3A_720 : memref<1x64xi32, #tpu.memory_space<vmem>> -> memref<64xi32, #tpu.memory_space<vmem>>
      %dma_start3A_722 = arith.constant 0 : i32
      %dma_start3A_723 = arith.constant 0 : i32
      %dma_start3A_724 = tpu.memref_slice %arg2[%arg0, %dma_start3A_722, %dma_start3A_723] : memref<2x10000x128xf32, #tpu.memory_space<hbm>> -> memref<1x10000x128xf32, #tpu.memory_space<hbm>>
      %dma_start3A_725 = tpu.memref_squeeze %dma_start3A_724 : memref<1x10000x128xf32, #tpu.memory_space<hbm>> -> memref<10000x128xf32, #tpu.memory_space<hbm>>
      %dma_start3A_726 = arith.constant 0 : i32
      %dma_start3A_727 = arith.constant 0 : i32
      %dma_start3A_728 = tpu.memref_slice %dma_start3A_725[%dma_start3A_726, %dma_start3A_727] : memref<10000x128xf32, #tpu.memory_space<hbm>> -> memref<10000x128xf32, #tpu.memory_space<hbm>>
      tpu.enqueue_indirect_dma source(%dma_start3A_728 : memref<10000x128xf32, #tpu.memory_space<hbm>>) target(%dma_start3A_718 : memref<64x128xf32, #tpu.memory_space<vmem>>) offsets(%dma_start3A_721 : memref<64xi32, #tpu.memory_space<vmem>>) semaphore(%arg15 : memref<!tpu.dma_semaphore, #tpu.memory_space<semaphore_mem>>)
      %dma_start3A_729 = arith.constant 1 : i32
      %dma_start3A_730 = arith.constant 192 : i32
      %dma_start3A_731 = arith.constant 0 : i32
      %dma_start3A_732 = tpu.memref_slice %arg11[%dma_start3A_730, %dma_start3A_731] : memref<256x128xf32, #tpu.memory_space<vmem>> -> memref<64x128xf32, #tpu.memory_space<vmem>>
      %dma_start3A_733 = arith.constant 64 : i32
      %dma_start3A_734 = tpu.memref_slice %arg9[%dma_start3A_729, %dma_start3A_733] : memref<8x128xi32, #tpu.memory_space<vmem>> -> memref<1x64xi32, #tpu.memory_space<vmem>>
      %dma_start3A_735 = tpu.memref_squeeze %dma_start3A_734 : memref<1x64xi32, #tpu.memory_space<vmem>> -> memref<64xi32, #tpu.memory_space<vmem>>
      %dma_start3A_736 = arith.constant 0 : i32
      %dma_start3A_737 = arith.constant 0 : i32
      %dma_start3A_738 = tpu.memref_slice %arg2[%arg0, %dma_start3A_736, %dma_start3A_737] : memref<2x10000x128xf32, #tpu.memory_space<hbm>> -> memref<1x10000x128xf32, #tpu.memory_space<hbm>>
      %dma_start3A_739 = tpu.memref_squeeze %dma_start3A_738 : memref<1x10000x128xf32, #tpu.memory_space<hbm>> -> memref<10000x128xf32, #tpu.memory_space<hbm>>
      %dma_start3A_740 = arith.constant 0 : i32
      %dma_start3A_741 = arith.constant 0 : i32
      %dma_start3A_742 = tpu.memref_slice %dma_start3A_739[%dma_start3A_740, %dma_start3A_741] : memref<10000x128xf32, #tpu.memory_space<hbm>> -> memref<10000x128xf32, #tpu.memory_space<hbm>>
      tpu.enqueue_indirect_dma source(%dma_start3A_742 : memref<10000x128xf32, #tpu.memory_space<hbm>>) target(%dma_start3A_732 : memref<64x128xf32, #tpu.memory_space<vmem>>) offsets(%dma_start3A_735 : memref<64xi32, #tpu.memory_space<vmem>>) semaphore(%arg16 : memref<!tpu.dma_semaphore, #tpu.memory_space<semaphore_mem>>)
      %dma_wait3A_743 = arith.constant 0 : i32
      %dma_wait3A_744 = arith.constant 0 : i32
      %dma_wait3A_745 = arith.constant 0 : i32
      %dma_wait3A_746 = tpu.memref_slice %arg11[%dma_wait3A_744, %dma_wait3A_745] : memref<256x128xf32, #tpu.memory_space<vmem>> -> memref<64x128xf32, #tpu.memory_space<vmem>>
      %dma_wait3A_747 = arith.constant 0 : i32
      %dma_wait3A_748 = tpu.memref_slice %arg9[%dma_wait3A_743, %dma_wait3A_747] : memref<8x128xi32, #tpu.memory_space<vmem>> -> memref<1x64xi32, #tpu.memory_space<vmem>>
      %dma_wait3A_749 = tpu.memref_squeeze %dma_wait3A_748 : memref<1x64xi32, #tpu.memory_space<vmem>> -> memref<64xi32, #tpu.memory_space<vmem>>
      %dma_wait3A_750 = arith.constant 0 : i32
      %dma_wait3A_751 = arith.constant 0 : i32
      %dma_wait3A_752 = tpu.memref_slice %arg2[%arg0, %dma_wait3A_750, %dma_wait3A_751] : memref<2x10000x128xf32, #tpu.memory_space<hbm>> -> memref<1x10000x128xf32, #tpu.memory_space<hbm>>
      %dma_wait3A_753 = tpu.memref_squeeze %dma_wait3A_752 : memref<1x10000x128xf32, #tpu.memory_space<hbm>> -> memref<10000x128xf32, #tpu.memory_space<hbm>>
      %dma_wait3A_754 = arith.constant 0 : i32
      %dma_wait3A_755 = arith.constant 0 : i32
      %dma_wait3A_756 = tpu.memref_slice %dma_wait3A_753[%dma_wait3A_754, %dma_wait3A_755] : memref<10000x128xf32, #tpu.memory_space<hbm>> -> memref<10000x128xf32, #tpu.memory_space<hbm>>
      tpu.wait_indirect_dma semaphore(%arg13 : memref<!tpu.dma_semaphore, #tpu.memory_space<semaphore_mem>>) src(%dma_wait3A_756 : memref<10000x128xf32, #tpu.memory_space<hbm>>) dst(%dma_wait3A_746 : memref<64x128xf32, #tpu.memory_space<vmem>>)
      %dma_wait3A_757 = arith.constant 0 : i32
      %dma_wait3A_758 = arith.constant 64 : i32
      %dma_wait3A_759 = arith.constant 0 : i32
      %dma_wait3A_760 = tpu.memref_slice %arg11[%dma_wait3A_758, %dma_wait3A_759] : memref<256x128xf32, #tpu.memory_space<vmem>> -> memref<64x128xf32, #tpu.memory_space<vmem>>
      %dma_wait3A_761 = arith.constant 64 : i32
      %dma_wait3A_762 = tpu.memref_slice %arg9[%dma_wait3A_757, %dma_wait3A_761] : memref<8x128xi32, #tpu.memory_space<vmem>> -> memref<1x64xi32, #tpu.memory_space<vmem>>
      %dma_wait3A_763 = tpu.memref_squeeze %dma_wait3A_762 : memref<1x64xi32, #tpu.memory_space<vmem>> -> memref<64xi32, #tpu.memory_space<vmem>>
      %dma_wait3A_764 = arith.constant 0 : i32
      %dma_wait3A_765 = arith.constant 0 : i32
      %dma_wait3A_766 = tpu.memref_slice %arg2[%arg0, %dma_wait3A_764, %dma_wait3A_765] : memref<2x10000x128xf32, #tpu.memory_space<hbm>> -> memref<1x10000x128xf32, #tpu.memory_space<hbm>>
      %dma_wait3A_767 = tpu.memref_squeeze %dma_wait3A_766 : memref<1x10000x128xf32, #tpu.memory_space<hbm>> -> memref<10000x128xf32, #tpu.memory_space<hbm>>
      %dma_wait3A_768 = arith.constant 0 : i32
      %dma_wait3A_769 = arith.constant 0 : i32
      %dma_wait3A_770 = tpu.memref_slice %dma_wait3A_767[%dma_wait3A_768, %dma_wait3A_769] : memref<10000x128xf32, #tpu.memory_space<hbm>> -> memref<10000x128xf32, #tpu.memory_space<hbm>>
      tpu.wait_indirect_dma semaphore(%arg14 : memref<!tpu.dma_semaphore, #tpu.memory_space<semaphore_mem>>) src(%dma_wait3A_770 : memref<10000x128xf32, #tpu.memory_space<hbm>>) dst(%dma_wait3A_760 : memref<64x128xf32, #tpu.memory_space<vmem>>)
      %dma_start3A_771 = arith.constant 0 : i32
      %dma_start3A_772 = arith.constant 0 : i32
      %dma_start3A_773 = arith.constant 0 : i32
      %dma_start3A_774 = tpu.memref_slice %arg11[%dma_start3A_772, %dma_start3A_773] : memref<256x128xf32, #tpu.memory_space<vmem>> -> memref<128x128xf32, #tpu.memory_space<vmem>>
      %dma_start3A_775 = arith.constant 0 : i32
      %dma_start3A_776 = tpu.memref_slice %arg10[%dma_start3A_771, %dma_start3A_775] : memref<8x128xi32, #tpu.memory_space<vmem>> -> memref<1x128xi32, #tpu.memory_space<vmem>>
      %dma_start3A_777 = tpu.memref_squeeze %dma_start3A_776 : memref<1x128xi32, #tpu.memory_space<vmem>> -> memref<128xi32, #tpu.memory_space<vmem>>
      %dma_start3A_778 = arith.constant 0 : i32
      %dma_start3A_779 = arith.constant 0 : i32
      %dma_start3A_780 = tpu.memref_slice %arg12[%dma_start3A_778, %dma_start3A_779] : memref<10048x128xf32, #tpu.memory_space<vmem_shared>> -> memref<10048x128xf32, #tpu.memory_space<vmem_shared>>
      tpu.enqueue_indirect_dma source(%dma_start3A_774 : memref<128x128xf32, #tpu.memory_space<vmem>>) target(%dma_start3A_780 : memref<10048x128xf32, #tpu.memory_space<vmem_shared>>) offsets(%dma_start3A_777 : memref<128xi32, #tpu.memory_space<vmem>>) semaphore(%arg17 : memref<!tpu.dma_semaphore, #tpu.memory_space<semaphore_mem>>) {add = true}
      %dma_wait3A_781 = arith.constant 0 : i32
      %dma_wait3A_782 = arith.constant 0 : i32
      %dma_wait3A_783 = arith.constant 0 : i32
      %dma_wait3A_784 = tpu.memref_slice %arg11[%dma_wait3A_782, %dma_wait3A_783] : memref<256x128xf32, #tpu.memory_space<vmem>> -> memref<128x128xf32, #tpu.memory_space<vmem>>
      %dma_wait3A_785 = arith.constant 0 : i32
      %dma_wait3A_786 = tpu.memref_slice %arg10[%dma_wait3A_781, %dma_wait3A_785] : memref<8x128xi32, #tpu.memory_space<vmem>> -> memref<1x128xi32, #tpu.memory_space<vmem>>
      %dma_wait3A_787 = tpu.memref_squeeze %dma_wait3A_786 : memref<1x128xi32, #tpu.memory_space<vmem>> -> memref<128xi32, #tpu.memory_space<vmem>>
      %dma_wait3A_788 = arith.constant 0 : i32
      %dma_wait3A_789 = arith.constant 0 : i32
      %dma_wait3A_790 = tpu.memref_slice %arg12[%dma_wait3A_788, %dma_wait3A_789] : memref<10048x128xf32, #tpu.memory_space<vmem_shared>> -> memref<10048x128xf32, #tpu.memory_space<vmem_shared>>
      tpu.wait_indirect_dma semaphore(%arg17 : memref<!tpu.dma_semaphore, #tpu.memory_space<semaphore_mem>>) src(%dma_wait3A_784 : memref<128x128xf32, #tpu.memory_space<vmem>>) dst(%dma_wait3A_790 : memref<10048x128xf32, #tpu.memory_space<vmem_shared>>)
      %dma_start3A_791 = arith.constant 2 : i32
      %dma_start3A_792 = arith.constant 0 : i32
      %dma_start3A_793 = arith.constant 0 : i32
      %dma_start3A_794 = tpu.memref_slice %arg11[%dma_start3A_792, %dma_start3A_793] : memref<256x128xf32, #tpu.memory_space<vmem>> -> memref<64x128xf32, #tpu.memory_space<vmem>>
      %dma_start3A_795 = arith.constant 0 : i32
      %dma_start3A_796 = tpu.memref_slice %arg9[%dma_start3A_791, %dma_start3A_795] : memref<8x128xi32, #tpu.memory_space<vmem>> -> memref<1x64xi32, #tpu.memory_space<vmem>>
      %dma_start3A_797 = tpu.memref_squeeze %dma_start3A_796 : memref<1x64xi32, #tpu.memory_space<vmem>> -> memref<64xi32, #tpu.memory_space<vmem>>
      %dma_start3A_798 = arith.constant 0 : i32
      %dma_start3A_799 = arith.constant 0 : i32
      %dma_start3A_800 = tpu.memref_slice %arg2[%arg0, %dma_start3A_798, %dma_start3A_799] : memref<2x10000x128xf32, #tpu.memory_space<hbm>> -> memref<1x10000x128xf32, #tpu.memory_space<hbm>>
      %dma_start3A_801 = tpu.memref_squeeze %dma_start3A_800 : memref<1x10000x128xf32, #tpu.memory_space<hbm>> -> memref<10000x128xf32, #tpu.memory_space<hbm>>
      %dma_start3A_802 = arith.constant 0 : i32
      %dma_start3A_803 = arith.constant 0 : i32
      %dma_start3A_804 = tpu.memref_slice %dma_start3A_801[%dma_start3A_802, %dma_start3A_803] : memref<10000x128xf32, #tpu.memory_space<hbm>> -> memref<10000x128xf32, #tpu.memory_space<hbm>>
      tpu.enqueue_indirect_dma source(%dma_start3A_804 : memref<10000x128xf32, #tpu.memory_space<hbm>>) target(%dma_start3A_794 : memref<64x128xf32, #tpu.memory_space<vmem>>) offsets(%dma_start3A_797 : memref<64xi32, #tpu.memory_space<vmem>>) semaphore(%arg13 : memref<!tpu.dma_semaphore, #tpu.memory_space<semaphore_mem>>)
      %dma_start3A_805 = arith.constant 2 : i32
      %dma_start3A_806 = arith.constant 64 : i32
      %dma_start3A_807 = arith.constant 0 : i32
      %dma_start3A_808 = tpu.memref_slice %arg11[%dma_start3A_806, %dma_start3A_807] : memref<256x128xf32, #tpu.memory_space<vmem>> -> memref<64x128xf32, #tpu.memory_space<vmem>>
      %dma_start3A_809 = arith.constant 64 : i32
      %dma_start3A_810 = tpu.memref_slice %arg9[%dma_start3A_805, %dma_start3A_809] : memref<8x128xi32, #tpu.memory_space<vmem>> -> memref<1x64xi32, #tpu.memory_space<vmem>>
      %dma_start3A_811 = tpu.memref_squeeze %dma_start3A_810 : memref<1x64xi32, #tpu.memory_space<vmem>> -> memref<64xi32, #tpu.memory_space<vmem>>
      %dma_start3A_812 = arith.constant 0 : i32
      %dma_start3A_813 = arith.constant 0 : i32
      %dma_start3A_814 = tpu.memref_slice %arg2[%arg0, %dma_start3A_812, %dma_start3A_813] : memref<2x10000x128xf32, #tpu.memory_space<hbm>> -> memref<1x10000x128xf32, #tpu.memory_space<hbm>>
      %dma_start3A_815 = tpu.memref_squeeze %dma_start3A_814 : memref<1x10000x128xf32, #tpu.memory_space<hbm>> -> memref<10000x128xf32, #tpu.memory_space<hbm>>
      %dma_start3A_816 = arith.constant 0 : i32
      %dma_start3A_817 = arith.constant 0 : i32
      %dma_start3A_818 = tpu.memref_slice %dma_start3A_815[%dma_start3A_816, %dma_start3A_817] : memref<10000x128xf32, #tpu.memory_space<hbm>> -> memref<10000x128xf32, #tpu.memory_space<hbm>>
      tpu.enqueue_indirect_dma source(%dma_start3A_818 : memref<10000x128xf32, #tpu.memory_space<hbm>>) target(%dma_start3A_808 : memref<64x128xf32, #tpu.memory_space<vmem>>) offsets(%dma_start3A_811 : memref<64xi32, #tpu.memory_space<vmem>>) semaphore(%arg14 : memref<!tpu.dma_semaphore, #tpu.memory_space<semaphore_mem>>)
      %dma_wait3A_819 = arith.constant 1 : i32
      %dma_wait3A_820 = arith.constant 128 : i32
      %dma_wait3A_821 = arith.constant 0 : i32
      %dma_wait3A_822 = tpu.memref_slice %arg11[%dma_wait3A_820, %dma_wait3A_821] : memref<256x128xf32, #tpu.memory_space<vmem>> -> memref<64x128xf32, #tpu.memory_space<vmem>>
      %dma_wait3A_823 = arith.constant 0 : i32
      %dma_wait3A_824 = tpu.memref_slice %arg9[%dma_wait3A_819, %dma_wait3A_823] : memref<8x128xi32, #tpu.memory_space<vmem>> -> memref<1x64xi32, #tpu.memory_space<vmem>>
      %dma_wait3A_825 = tpu.memref_squeeze %dma_wait3A_824 : memref<1x64xi32, #tpu.memory_space<vmem>> -> memref<64xi32, #tpu.memory_space<vmem>>
      %dma_wait3A_826 = arith.constant 0 : i32
      %dma_wait3A_827 = arith.constant 0 : i32
      %dma_wait3A_828 = tpu.memref_slice %arg2[%arg0, %dma_wait3A_826, %dma_wait3A_827] : memref<2x10000x128xf32, #tpu.memory_space<hbm>> -> memref<1x10000x128xf32, #tpu.memory_space<hbm>>
      %dma_wait3A_829 = tpu.memref_squeeze %dma_wait3A_828 : memref<1x10000x128xf32, #tpu.memory_space<hbm>> -> memref<10000x128xf32, #tpu.memory_space<hbm>>
      %dma_wait3A_830 = arith.constant 0 : i32
      %dma_wait3A_831 = arith.constant 0 : i32
      %dma_wait3A_832 = tpu.memref_slice %dma_wait3A_829[%dma_wait3A_830, %dma_wait3A_831] : memref<10000x128xf32, #tpu.memory_space<hbm>> -> memref<10000x128xf32, #tpu.memory_space<hbm>>
      tpu.wait_indirect_dma semaphore(%arg15 : memref<!tpu.dma_semaphore, #tpu.memory_space<semaphore_mem>>) src(%dma_wait3A_832 : memref<10000x128xf32, #tpu.memory_space<hbm>>) dst(%dma_wait3A_822 : memref<64x128xf32, #tpu.memory_space<vmem>>)
      %dma_wait3A_833 = arith.constant 1 : i32
      %dma_wait3A_834 = arith.constant 192 : i32
      %dma_wait3A_835 = arith.constant 0 : i32
      %dma_wait3A_836 = tpu.memref_slice %arg11[%dma_wait3A_834, %dma_wait3A_835] : memref<256x128xf32, #tpu.memory_space<vmem>> -> memref<64x128xf32, #tpu.memory_space<vmem>>
      %dma_wait3A_837 = arith.constant 64 : i32
      %dma_wait3A_838 = tpu.memref_slice %arg9[%dma_wait3A_833, %dma_wait3A_837] : memref<8x128xi32, #tpu.memory_space<vmem>> -> memref<1x64xi32, #tpu.memory_space<vmem>>
      %dma_wait3A_839 = tpu.memref_squeeze %dma_wait3A_838 : memref<1x64xi32, #tpu.memory_space<vmem>> -> memref<64xi32, #tpu.memory_space<vmem>>
      %dma_wait3A_840 = arith.constant 0 : i32
      %dma_wait3A_841 = arith.constant 0 : i32
      %dma_wait3A_842 = tpu.memref_slice %arg2[%arg0, %dma_wait3A_840, %dma_wait3A_841] : memref<2x10000x128xf32, #tpu.memory_space<hbm>> -> memref<1x10000x128xf32, #tpu.memory_space<hbm>>
      %dma_wait3A_843 = tpu.memref_squeeze %dma_wait3A_842 : memref<1x10000x128xf32, #tpu.memory_space<hbm>> -> memref<10000x128xf32, #tpu.memory_space<hbm>>
      %dma_wait3A_844 = arith.constant 0 : i32
      %dma_wait3A_845 = arith.constant 0 : i32
      %dma_wait3A_846 = tpu.memref_slice %dma_wait3A_843[%dma_wait3A_844, %dma_wait3A_845] : memref<10000x128xf32, #tpu.memory_space<hbm>> -> memref<10000x128xf32, #tpu.memory_space<hbm>>
      tpu.wait_indirect_dma semaphore(%arg16 : memref<!tpu.dma_semaphore, #tpu.memory_space<semaphore_mem>>) src(%dma_wait3A_846 : memref<10000x128xf32, #tpu.memory_space<hbm>>) dst(%dma_wait3A_836 : memref<64x128xf32, #tpu.memory_space<vmem>>)
      %dma_start3A_847 = arith.constant 1 : i32
      %dma_start3A_848 = arith.constant 128 : i32
      %dma_start3A_849 = arith.constant 0 : i32
      %dma_start3A_850 = tpu.memref_slice %arg11[%dma_start3A_848, %dma_start3A_849] : memref<256x128xf32, #tpu.memory_space<vmem>> -> memref<128x128xf32, #tpu.memory_space<vmem>>
      %dma_start3A_851 = arith.constant 0 : i32
      %dma_start3A_852 = tpu.memref_slice %arg10[%dma_start3A_847, %dma_start3A_851] : memref<8x128xi32, #tpu.memory_space<vmem>> -> memref<1x128xi32, #tpu.memory_space<vmem>>
      %dma_start3A_853 = tpu.memref_squeeze %dma_start3A_852 : memref<1x128xi32, #tpu.memory_space<vmem>> -> memref<128xi32, #tpu.memory_space<vmem>>
      %dma_start3A_854 = arith.constant 0 : i32
      %dma_start3A_855 = arith.constant 0 : i32
      %dma_start3A_856 = tpu.memref_slice %arg12[%dma_start3A_854, %dma_start3A_855] : memref<10048x128xf32, #tpu.memory_space<vmem_shared>> -> memref<10048x128xf32, #tpu.memory_space<vmem_shared>>
      tpu.enqueue_indirect_dma source(%dma_start3A_850 : memref<128x128xf32, #tpu.memory_space<vmem>>) target(%dma_start3A_856 : memref<10048x128xf32, #tpu.memory_space<vmem_shared>>) offsets(%dma_start3A_853 : memref<128xi32, #tpu.memory_space<vmem>>) semaphore(%arg18 : memref<!tpu.dma_semaphore, #tpu.memory_space<semaphore_mem>>) {add = true}
      %dma_wait3A_857 = arith.constant 1 : i32
      %dma_wait3A_858 = arith.constant 128 : i32
      %dma_wait3A_859 = arith.constant 0 : i32
      %dma_wait3A_860 = tpu.memref_slice %arg11[%dma_wait3A_858, %dma_wait3A_859] : memref<256x128xf32, #tpu.memory_space<vmem>> -> memref<128x128xf32, #tpu.memory_space<vmem>>
      %dma_wait3A_861 = arith.constant 0 : i32
      %dma_wait3A_862 = tpu.memref_slice %arg10[%dma_wait3A_857, %dma_wait3A_861] : memref<8x128xi32, #tpu.memory_space<vmem>> -> memref<1x128xi32, #tpu.memory_space<vmem>>
      %dma_wait3A_863 = tpu.memref_squeeze %dma_wait3A_862 : memref<1x128xi32, #tpu.memory_space<vmem>> -> memref<128xi32, #tpu.memory_space<vmem>>
      %dma_wait3A_864 = arith.constant 0 : i32
      %dma_wait3A_865 = arith.constant 0 : i32
      %dma_wait3A_866 = tpu.memref_slice %arg12[%dma_wait3A_864, %dma_wait3A_865] : memref<10048x128xf32, #tpu.memory_space<vmem_shared>> -> memref<10048x128xf32, #tpu.memory_space<vmem_shared>>
      tpu.wait_indirect_dma semaphore(%arg18 : memref<!tpu.dma_semaphore, #tpu.memory_space<semaphore_mem>>) src(%dma_wait3A_860 : memref<128x128xf32, #tpu.memory_space<vmem>>) dst(%dma_wait3A_866 : memref<10048x128xf32, #tpu.memory_space<vmem_shared>>)
      %dma_start3A_867 = arith.constant 3 : i32
      %dma_start3A_868 = arith.constant 128 : i32
      %dma_start3A_869 = arith.constant 0 : i32
      %dma_start3A_870 = tpu.memref_slice %arg11[%dma_start3A_868, %dma_start3A_869] : memref<256x128xf32, #tpu.memory_space<vmem>> -> memref<64x128xf32, #tpu.memory_space<vmem>>
      %dma_start3A_871 = arith.constant 0 : i32
      %dma_start3A_872 = tpu.memref_slice %arg9[%dma_start3A_867, %dma_start3A_871] : memref<8x128xi32, #tpu.memory_space<vmem>> -> memref<1x64xi32, #tpu.memory_space<vmem>>
      %dma_start3A_873 = tpu.memref_squeeze %dma_start3A_872 : memref<1x64xi32, #tpu.memory_space<vmem>> -> memref<64xi32, #tpu.memory_space<vmem>>
      %dma_start3A_874 = arith.constant 0 : i32
      %dma_start3A_875 = arith.constant 0 : i32
      %dma_start3A_876 = tpu.memref_slice %arg2[%arg0, %dma_start3A_874, %dma_start3A_875] : memref<2x10000x128xf32, #tpu.memory_space<hbm>> -> memref<1x10000x128xf32, #tpu.memory_space<hbm>>
      %dma_start3A_877 = tpu.memref_squeeze %dma_start3A_876 : memref<1x10000x128xf32, #tpu.memory_space<hbm>> -> memref<10000x128xf32, #tpu.memory_space<hbm>>
      %dma_start3A_878 = arith.constant 0 : i32
      %dma_start3A_879 = arith.constant 0 : i32
      %dma_start3A_880 = tpu.memref_slice %dma_start3A_877[%dma_start3A_878, %dma_start3A_879] : memref<10000x128xf32, #tpu.memory_space<hbm>> -> memref<10000x128xf32, #tpu.memory_space<hbm>>
      tpu.enqueue_indirect_dma source(%dma_start3A_880 : memref<10000x128xf32, #tpu.memory_space<hbm>>) target(%dma_start3A_870 : memref<64x128xf32, #tpu.memory_space<vmem>>) offsets(%dma_start3A_873 : memref<64xi32, #tpu.memory_space<vmem>>) semaphore(%arg15 : memref<!tpu.dma_semaphore, #tpu.memory_space<semaphore_mem>>)
      %dma_start3A_881 = arith.constant 3 : i32
      %dma_start3A_882 = arith.constant 192 : i32
      %dma_start3A_883 = arith.constant 0 : i32
      %dma_start3A_884 = tpu.memref_slice %arg11[%dma_start3A_882, %dma_start3A_883] : memref<256x128xf32, #tpu.memory_space<vmem>> -> memref<64x128xf32, #tpu.memory_space<vmem>>
      %dma_start3A_885 = arith.constant 64 : i32
      %dma_start3A_886 = tpu.memref_slice %arg9[%dma_start3A_881, %dma_start3A_885] : memref<8x128xi32, #tpu.memory_space<vmem>> -> memref<1x64xi32, #tpu.memory_space<vmem>>
      %dma_start3A_887 = tpu.memref_squeeze %dma_start3A_886 : memref<1x64xi32, #tpu.memory_space<vmem>> -> memref<64xi32, #tpu.memory_space<vmem>>
      %dma_start3A_888 = arith.constant 0 : i32
      %dma_start3A_889 = arith.constant 0 : i32
      %dma_start3A_890 = tpu.memref_slice %arg2[%arg0, %dma_start3A_888, %dma_start3A_889] : memref<2x10000x128xf32, #tpu.memory_space<hbm>> -> memref<1x10000x128xf32, #tpu.memory_space<hbm>>
      %dma_start3A_891 = tpu.memref_squeeze %dma_start3A_890 : memref<1x10000x128xf32, #tpu.memory_space<hbm>> -> memref<10000x128xf32, #tpu.memory_space<hbm>>
      %dma_start3A_892 = arith.constant 0 : i32
      %dma_start3A_893 = arith.constant 0 : i32
      %dma_start3A_894 = tpu.memref_slice %dma_start3A_891[%dma_start3A_892, %dma_start3A_893] : memref<10000x128xf32, #tpu.memory_space<hbm>> -> memref<10000x128xf32, #tpu.memory_space<hbm>>
      tpu.enqueue_indirect_dma source(%dma_start3A_894 : memref<10000x128xf32, #tpu.memory_space<hbm>>) target(%dma_start3A_884 : memref<64x128xf32, #tpu.memory_space<vmem>>) offsets(%dma_start3A_887 : memref<64xi32, #tpu.memory_space<vmem>>) semaphore(%arg16 : memref<!tpu.dma_semaphore, #tpu.memory_space<semaphore_mem>>)
      %dma_wait3A_895 = arith.constant 2 : i32
      %dma_wait3A_896 = arith.constant 0 : i32
      %dma_wait3A_897 = arith.constant 0 : i32
      %dma_wait3A_898 = tpu.memref_slice %arg11[%dma_wait3A_896, %dma_wait3A_897] : memref<256x128xf32, #tpu.memory_space<vmem>> -> memref<64x128xf32, #tpu.memory_space<vmem>>
      %dma_wait3A_899 = arith.constant 0 : i32
      %dma_wait3A_900 = tpu.memref_slice %arg9[%dma_wait3A_895, %dma_wait3A_899] : memref<8x128xi32, #tpu.memory_space<vmem>> -> memref<1x64xi32, #tpu.memory_space<vmem>>
      %dma_wait3A_901 = tpu.memref_squeeze %dma_wait3A_900 : memref<1x64xi32, #tpu.memory_space<vmem>> -> memref<64xi32, #tpu.memory_space<vmem>>
      %dma_wait3A_902 = arith.constant 0 : i32
      %dma_wait3A_903 = arith.constant 0 : i32
      %dma_wait3A_904 = tpu.memref_slice %arg2[%arg0, %dma_wait3A_902, %dma_wait3A_903] : memref<2x10000x128xf32, #tpu.memory_space<hbm>> -> memref<1x10000x128xf32, #tpu.memory_space<hbm>>
      %dma_wait3A_905 = tpu.memref_squeeze %dma_wait3A_904 : memref<1x10000x128xf32, #tpu.memory_space<hbm>> -> memref<10000x128xf32, #tpu.memory_space<hbm>>
      %dma_wait3A_906 = arith.constant 0 : i32
      %dma_wait3A_907 = arith.constant 0 : i32
      %dma_wait3A_908 = tpu.memref_slice %dma_wait3A_905[%dma_wait3A_906, %dma_wait3A_907] : memref<10000x128xf32, #tpu.memory_space<hbm>> -> memref<10000x128xf32, #tpu.memory_space<hbm>>
      tpu.wait_indirect_dma semaphore(%arg13 : memref<!tpu.dma_semaphore, #tpu.memory_space<semaphore_mem>>) src(%dma_wait3A_908 : memref<10000x128xf32, #tpu.memory_space<hbm>>) dst(%dma_wait3A_898 : memref<64x128xf32, #tpu.memory_space<vmem>>)
      %dma_wait3A_909 = arith.constant 2 : i32
      %dma_wait3A_910 = arith.constant 64 : i32
      %dma_wait3A_911 = arith.constant 0 : i32
      %dma_wait3A_912 = tpu.memref_slice %arg11[%dma_wait3A_910, %dma_wait3A_911] : memref<256x128xf32, #tpu.memory_space<vmem>> -> memref<64x128xf32, #tpu.memory_space<vmem>>
      %dma_wait3A_913 = arith.constant 64 : i32
      %dma_wait3A_914 = tpu.memref_slice %arg9[%dma_wait3A_909, %dma_wait3A_913] : memref<8x128xi32, #tpu.memory_space<vmem>> -> memref<1x64xi32, #tpu.memory_space<vmem>>
      %dma_wait3A_915 = tpu.memref_squeeze %dma_wait3A_914 : memref<1x64xi32, #tpu.memory_space<vmem>> -> memref<64xi32, #tpu.memory_space<vmem>>
      %dma_wait3A_916 = arith.constant 0 : i32
      %dma_wait3A_917 = arith.constant 0 : i32
      %dma_wait3A_918 = tpu.memref_slice %arg2[%arg0, %dma_wait3A_916, %dma_wait3A_917] : memref<2x10000x128xf32, #tpu.memory_space<hbm>> -> memref<1x10000x128xf32, #tpu.memory_space<hbm>>
      %dma_wait3A_919 = tpu.memref_squeeze %dma_wait3A_918 : memref<1x10000x128xf32, #tpu.memory_space<hbm>> -> memref<10000x128xf32, #tpu.memory_space<hbm>>
      %dma_wait3A_920 = arith.constant 0 : i32
      %dma_wait3A_921 = arith.constant 0 : i32
      %dma_wait3A_922 = tpu.memref_slice %dma_wait3A_919[%dma_wait3A_920, %dma_wait3A_921] : memref<10000x128xf32, #tpu.memory_space<hbm>> -> memref<10000x128xf32, #tpu.memory_space<hbm>>
      tpu.wait_indirect_dma semaphore(%arg14 : memref<!tpu.dma_semaphore, #tpu.memory_space<semaphore_mem>>) src(%dma_wait3A_922 : memref<10000x128xf32, #tpu.memory_space<hbm>>) dst(%dma_wait3A_912 : memref<64x128xf32, #tpu.memory_space<vmem>>)
      %dma_start3A_923 = arith.constant 2 : i32
      %dma_start3A_924 = arith.constant 0 : i32
      %dma_start3A_925 = arith.constant 0 : i32
      %dma_start3A_926 = tpu.memref_slice %arg11[%dma_start3A_924, %dma_start3A_925] : memref<256x128xf32, #tpu.memory_space<vmem>> -> memref<128x128xf32, #tpu.memory_space<vmem>>
      %dma_start3A_927 = arith.constant 0 : i32
      %dma_start3A_928 = tpu.memref_slice %arg10[%dma_start3A_923, %dma_start3A_927] : memref<8x128xi32, #tpu.memory_space<vmem>> -> memref<1x128xi32, #tpu.memory_space<vmem>>
      %dma_start3A_929 = tpu.memref_squeeze %dma_start3A_928 : memref<1x128xi32, #tpu.memory_space<vmem>> -> memref<128xi32, #tpu.memory_space<vmem>>
      %dma_start3A_930 = arith.constant 0 : i32
      %dma_start3A_931 = arith.constant 0 : i32
      %dma_start3A_932 = tpu.memref_slice %arg12[%dma_start3A_930, %dma_start3A_931] : memref<10048x128xf32, #tpu.memory_space<vmem_shared>> -> memref<10048x128xf32, #tpu.memory_space<vmem_shared>>
      tpu.enqueue_indirect_dma source(%dma_start3A_926 : memref<128x128xf32, #tpu.memory_space<vmem>>) target(%dma_start3A_932 : memref<10048x128xf32, #tpu.memory_space<vmem_shared>>) offsets(%dma_start3A_929 : memref<128xi32, #tpu.memory_space<vmem>>) semaphore(%arg17 : memref<!tpu.dma_semaphore, #tpu.memory_space<semaphore_mem>>) {add = true}
      %dma_wait3A_933 = arith.constant 2 : i32
      %dma_wait3A_934 = arith.constant 0 : i32
      %dma_wait3A_935 = arith.constant 0 : i32
      %dma_wait3A_936 = tpu.memref_slice %arg11[%dma_wait3A_934, %dma_wait3A_935] : memref<256x128xf32, #tpu.memory_space<vmem>> -> memref<128x128xf32, #tpu.memory_space<vmem>>
      %dma_wait3A_937 = arith.constant 0 : i32
      %dma_wait3A_938 = tpu.memref_slice %arg10[%dma_wait3A_933, %dma_wait3A_937] : memref<8x128xi32, #tpu.memory_space<vmem>> -> memref<1x128xi32, #tpu.memory_space<vmem>>
      %dma_wait3A_939 = tpu.memref_squeeze %dma_wait3A_938 : memref<1x128xi32, #tpu.memory_space<vmem>> -> memref<128xi32, #tpu.memory_space<vmem>>
      %dma_wait3A_940 = arith.constant 0 : i32
      %dma_wait3A_941 = arith.constant 0 : i32
      %dma_wait3A_942 = tpu.memref_slice %arg12[%dma_wait3A_940, %dma_wait3A_941] : memref<10048x128xf32, #tpu.memory_space<vmem_shared>> -> memref<10048x128xf32, #tpu.memory_space<vmem_shared>>
      tpu.wait_indirect_dma semaphore(%arg17 : memref<!tpu.dma_semaphore, #tpu.memory_space<semaphore_mem>>) src(%dma_wait3A_936 : memref<128x128xf32, #tpu.memory_space<vmem>>) dst(%dma_wait3A_942 : memref<10048x128xf32, #tpu.memory_space<vmem_shared>>)
      %dma_start3A_943 = arith.constant 4 : i32
      %dma_start3A_944 = arith.constant 0 : i32
      %dma_start3A_945 = arith.constant 0 : i32
      %dma_start3A_946 = tpu.memref_slice %arg11[%dma_start3A_944, %dma_start3A_945] : memref<256x128xf32, #tpu.memory_space<vmem>> -> memref<64x128xf32, #tpu.memory_space<vmem>>
      %dma_start3A_947 = arith.constant 0 : i32
      %dma_start3A_948 = tpu.memref_slice %arg9[%dma_start3A_943, %dma_start3A_947] : memref<8x128xi32, #tpu.memory_space<vmem>> -> memref<1x64xi32, #tpu.memory_space<vmem>>
      %dma_start3A_949 = tpu.memref_squeeze %dma_start3A_948 : memref<1x64xi32, #tpu.memory_space<vmem>> -> memref<64xi32, #tpu.memory_space<vmem>>
      %dma_start3A_950 = arith.constant 0 : i32
      %dma_start3A_951 = arith.constant 0 : i32
      %dma_start3A_952 = tpu.memref_slice %arg2[%arg0, %dma_start3A_950, %dma_start3A_951] : memref<2x10000x128xf32, #tpu.memory_space<hbm>> -> memref<1x10000x128xf32, #tpu.memory_space<hbm>>
      %dma_start3A_953 = tpu.memref_squeeze %dma_start3A_952 : memref<1x10000x128xf32, #tpu.memory_space<hbm>> -> memref<10000x128xf32, #tpu.memory_space<hbm>>
      %dma_start3A_954 = arith.constant 0 : i32
      %dma_start3A_955 = arith.constant 0 : i32
      %dma_start3A_956 = tpu.memref_slice %dma_start3A_953[%dma_start3A_954, %dma_start3A_955] : memref<10000x128xf32, #tpu.memory_space<hbm>> -> memref<10000x128xf32, #tpu.memory_space<hbm>>
      tpu.enqueue_indirect_dma source(%dma_start3A_956 : memref<10000x128xf32, #tpu.memory_space<hbm>>) target(%dma_start3A_946 : memref<64x128xf32, #tpu.memory_space<vmem>>) offsets(%dma_start3A_949 : memref<64xi32, #tpu.memory_space<vmem>>) semaphore(%arg13 : memref<!tpu.dma_semaphore, #tpu.memory_space<semaphore_mem>>)
      %dma_start3A_957 = arith.constant 4 : i32
      %dma_start3A_958 = arith.constant 64 : i32
      %dma_start3A_959 = arith.constant 0 : i32
      %dma_start3A_960 = tpu.memref_slice %arg11[%dma_start3A_958, %dma_start3A_959] : memref<256x128xf32, #tpu.memory_space<vmem>> -> memref<64x128xf32, #tpu.memory_space<vmem>>
      %dma_start3A_961 = arith.constant 64 : i32
      %dma_start3A_962 = tpu.memref_slice %arg9[%dma_start3A_957, %dma_start3A_961] : memref<8x128xi32, #tpu.memory_space<vmem>> -> memref<1x64xi32, #tpu.memory_space<vmem>>
      %dma_start3A_963 = tpu.memref_squeeze %dma_start3A_962 : memref<1x64xi32, #tpu.memory_space<vmem>> -> memref<64xi32, #tpu.memory_space<vmem>>
      %dma_start3A_964 = arith.constant 0 : i32
      %dma_start3A_965 = arith.constant 0 : i32
      %dma_start3A_966 = tpu.memref_slice %arg2[%arg0, %dma_start3A_964, %dma_start3A_965] : memref<2x10000x128xf32, #tpu.memory_space<hbm>> -> memref<1x10000x128xf32, #tpu.memory_space<hbm>>
      %dma_start3A_967 = tpu.memref_squeeze %dma_start3A_966 : memref<1x10000x128xf32, #tpu.memory_space<hbm>> -> memref<10000x128xf32, #tpu.memory_space<hbm>>
      %dma_start3A_968 = arith.constant 0 : i32
      %dma_start3A_969 = arith.constant 0 : i32
      %dma_start3A_970 = tpu.memref_slice %dma_start3A_967[%dma_start3A_968, %dma_start3A_969] : memref<10000x128xf32, #tpu.memory_space<hbm>> -> memref<10000x128xf32, #tpu.memory_space<hbm>>
      tpu.enqueue_indirect_dma source(%dma_start3A_970 : memref<10000x128xf32, #tpu.memory_space<hbm>>) target(%dma_start3A_960 : memref<64x128xf32, #tpu.memory_space<vmem>>) offsets(%dma_start3A_963 : memref<64xi32, #tpu.memory_space<vmem>>) semaphore(%arg14 : memref<!tpu.dma_semaphore, #tpu.memory_space<semaphore_mem>>)
      %dma_wait3A_971 = arith.constant 3 : i32
      %dma_wait3A_972 = arith.constant 128 : i32
      %dma_wait3A_973 = arith.constant 0 : i32
      %dma_wait3A_974 = tpu.memref_slice %arg11[%dma_wait3A_972, %dma_wait3A_973] : memref<256x128xf32, #tpu.memory_space<vmem>> -> memref<64x128xf32, #tpu.memory_space<vmem>>
      %dma_wait3A_975 = arith.constant 0 : i32
      %dma_wait3A_976 = tpu.memref_slice %arg9[%dma_wait3A_971, %dma_wait3A_975] : memref<8x128xi32, #tpu.memory_space<vmem>> -> memref<1x64xi32, #tpu.memory_space<vmem>>
      %dma_wait3A_977 = tpu.memref_squeeze %dma_wait3A_976 : memref<1x64xi32, #tpu.memory_space<vmem>> -> memref<64xi32, #tpu.memory_space<vmem>>
      %dma_wait3A_978 = arith.constant 0 : i32
      %dma_wait3A_979 = arith.constant 0 : i32
      %dma_wait3A_980 = tpu.memref_slice %arg2[%arg0, %dma_wait3A_978, %dma_wait3A_979] : memref<2x10000x128xf32, #tpu.memory_space<hbm>> -> memref<1x10000x128xf32, #tpu.memory_space<hbm>>
      %dma_wait3A_981 = tpu.memref_squeeze %dma_wait3A_980 : memref<1x10000x128xf32, #tpu.memory_space<hbm>> -> memref<10000x128xf32, #tpu.memory_space<hbm>>
      %dma_wait3A_982 = arith.constant 0 : i32
      %dma_wait3A_983 = arith.constant 0 : i32
      %dma_wait3A_984 = tpu.memref_slice %dma_wait3A_981[%dma_wait3A_982, %dma_wait3A_983] : memref<10000x128xf32, #tpu.memory_space<hbm>> -> memref<10000x128xf32, #tpu.memory_space<hbm>>
      tpu.wait_indirect_dma semaphore(%arg15 : memref<!tpu.dma_semaphore, #tpu.memory_space<semaphore_mem>>) src(%dma_wait3A_984 : memref<10000x128xf32, #tpu.memory_space<hbm>>) dst(%dma_wait3A_974 : memref<64x128xf32, #tpu.memory_space<vmem>>)
      %dma_wait3A_985 = arith.constant 3 : i32
      %dma_wait3A_986 = arith.constant 192 : i32
      %dma_wait3A_987 = arith.constant 0 : i32
      %dma_wait3A_988 = tpu.memref_slice %arg11[%dma_wait3A_986, %dma_wait3A_987] : memref<256x128xf32, #tpu.memory_space<vmem>> -> memref<64x128xf32, #tpu.memory_space<vmem>>
      %dma_wait3A_989 = arith.constant 64 : i32
      %dma_wait3A_990 = tpu.memref_slice %arg9[%dma_wait3A_985, %dma_wait3A_989] : memref<8x128xi32, #tpu.memory_space<vmem>> -> memref<1x64xi32, #tpu.memory_space<vmem>>
      %dma_wait3A_991 = tpu.memref_squeeze %dma_wait3A_990 : memref<1x64xi32, #tpu.memory_space<vmem>> -> memref<64xi32, #tpu.memory_space<vmem>>
      %dma_wait3A_992 = arith.constant 0 : i32
      %dma_wait3A_993 = arith.constant 0 : i32
      %dma_wait3A_994 = tpu.memref_slice %arg2[%arg0, %dma_wait3A_992, %dma_wait3A_993] : memref<2x10000x128xf32, #tpu.memory_space<hbm>> -> memref<1x10000x128xf32, #tpu.memory_space<hbm>>
      %dma_wait3A_995 = tpu.memref_squeeze %dma_wait3A_994 : memref<1x10000x128xf32, #tpu.memory_space<hbm>> -> memref<10000x128xf32, #tpu.memory_space<hbm>>
      %dma_wait3A_996 = arith.constant 0 : i32
      %dma_wait3A_997 = arith.constant 0 : i32
      %dma_wait3A_998 = tpu.memref_slice %dma_wait3A_995[%dma_wait3A_996, %dma_wait3A_997] : memref<10000x128xf32, #tpu.memory_space<hbm>> -> memref<10000x128xf32, #tpu.memory_space<hbm>>
      tpu.wait_indirect_dma semaphore(%arg16 : memref<!tpu.dma_semaphore, #tpu.memory_space<semaphore_mem>>) src(%dma_wait3A_998 : memref<10000x128xf32, #tpu.memory_space<hbm>>) dst(%dma_wait3A_988 : memref<64x128xf32, #tpu.memory_space<vmem>>)
      %dma_start3A_999 = arith.constant 3 : i32
      %dma_start3A_1000 = arith.constant 128 : i32
      %dma_start3A_1001 = arith.constant 0 : i32
      %dma_start3A_1002 = tpu.memref_slice %arg11[%dma_start3A_1000, %dma_start3A_1001] : memref<256x128xf32, #tpu.memory_space<vmem>> -> memref<128x128xf32, #tpu.memory_space<vmem>>
      %dma_start3A_1003 = arith.constant 0 : i32
      %dma_start3A_1004 = tpu.memref_slice %arg10[%dma_start3A_999, %dma_start3A_1003] : memref<8x128xi32, #tpu.memory_space<vmem>> -> memref<1x128xi32, #tpu.memory_space<vmem>>
      %dma_start3A_1005 = tpu.memref_squeeze %dma_start3A_1004 : memref<1x128xi32, #tpu.memory_space<vmem>> -> memref<128xi32, #tpu.memory_space<vmem>>
      %dma_start3A_1006 = arith.constant 0 : i32
      %dma_start3A_1007 = arith.constant 0 : i32
      %dma_start3A_1008 = tpu.memref_slice %arg12[%dma_start3A_1006, %dma_start3A_1007] : memref<10048x128xf32, #tpu.memory_space<vmem_shared>> -> memref<10048x128xf32, #tpu.memory_space<vmem_shared>>
      tpu.enqueue_indirect_dma source(%dma_start3A_1002 : memref<128x128xf32, #tpu.memory_space<vmem>>) target(%dma_start3A_1008 : memref<10048x128xf32, #tpu.memory_space<vmem_shared>>) offsets(%dma_start3A_1005 : memref<128xi32, #tpu.memory_space<vmem>>) semaphore(%arg18 : memref<!tpu.dma_semaphore, #tpu.memory_space<semaphore_mem>>) {add = true}
      %dma_wait3A_1009 = arith.constant 3 : i32
      %dma_wait3A_1010 = arith.constant 128 : i32
      %dma_wait3A_1011 = arith.constant 0 : i32
      %dma_wait3A_1012 = tpu.memref_slice %arg11[%dma_wait3A_1010, %dma_wait3A_1011] : memref<256x128xf32, #tpu.memory_space<vmem>> -> memref<128x128xf32, #tpu.memory_space<vmem>>
      %dma_wait3A_1013 = arith.constant 0 : i32
      %dma_wait3A_1014 = tpu.memref_slice %arg10[%dma_wait3A_1009, %dma_wait3A_1013] : memref<8x128xi32, #tpu.memory_space<vmem>> -> memref<1x128xi32, #tpu.memory_space<vmem>>
      %dma_wait3A_1015 = tpu.memref_squeeze %dma_wait3A_1014 : memref<1x128xi32, #tpu.memory_space<vmem>> -> memref<128xi32, #tpu.memory_space<vmem>>
      %dma_wait3A_1016 = arith.constant 0 : i32
      %dma_wait3A_1017 = arith.constant 0 : i32
      %dma_wait3A_1018 = tpu.memref_slice %arg12[%dma_wait3A_1016, %dma_wait3A_1017] : memref<10048x128xf32, #tpu.memory_space<vmem_shared>> -> memref<10048x128xf32, #tpu.memory_space<vmem_shared>>
      tpu.wait_indirect_dma semaphore(%arg18 : memref<!tpu.dma_semaphore, #tpu.memory_space<semaphore_mem>>) src(%dma_wait3A_1012 : memref<128x128xf32, #tpu.memory_space<vmem>>) dst(%dma_wait3A_1018 : memref<10048x128xf32, #tpu.memory_space<vmem_shared>>)
      %dma_start3A_1019 = arith.constant 5 : i32
      %dma_start3A_1020 = arith.constant 128 : i32
      %dma_start3A_1021 = arith.constant 0 : i32
      %dma_start3A_1022 = tpu.memref_slice %arg11[%dma_start3A_1020, %dma_start3A_1021] : memref<256x128xf32, #tpu.memory_space<vmem>> -> memref<64x128xf32, #tpu.memory_space<vmem>>
      %dma_start3A_1023 = arith.constant 0 : i32
      %dma_start3A_1024 = tpu.memref_slice %arg9[%dma_start3A_1019, %dma_start3A_1023] : memref<8x128xi32, #tpu.memory_space<vmem>> -> memref<1x64xi32, #tpu.memory_space<vmem>>
      %dma_start3A_1025 = tpu.memref_squeeze %dma_start3A_1024 : memref<1x64xi32, #tpu.memory_space<vmem>> -> memref<64xi32, #tpu.memory_space<vmem>>
      %dma_start3A_1026 = arith.constant 0 : i32
      %dma_start3A_1027 = arith.constant 0 : i32
      %dma_start3A_1028 = tpu.memref_slice %arg2[%arg0, %dma_start3A_1026, %dma_start3A_1027] : memref<2x10000x128xf32, #tpu.memory_space<hbm>> -> memref<1x10000x128xf32, #tpu.memory_space<hbm>>
      %dma_start3A_1029 = tpu.memref_squeeze %dma_start3A_1028 : memref<1x10000x128xf32, #tpu.memory_space<hbm>> -> memref<10000x128xf32, #tpu.memory_space<hbm>>
      %dma_start3A_1030 = arith.constant 0 : i32
      %dma_start3A_1031 = arith.constant 0 : i32
      %dma_start3A_1032 = tpu.memref_slice %dma_start3A_1029[%dma_start3A_1030, %dma_start3A_1031] : memref<10000x128xf32, #tpu.memory_space<hbm>> -> memref<10000x128xf32, #tpu.memory_space<hbm>>
      tpu.enqueue_indirect_dma source(%dma_start3A_1032 : memref<10000x128xf32, #tpu.memory_space<hbm>>) target(%dma_start3A_1022 : memref<64x128xf32, #tpu.memory_space<vmem>>) offsets(%dma_start3A_1025 : memref<64xi32, #tpu.memory_space<vmem>>) semaphore(%arg15 : memref<!tpu.dma_semaphore, #tpu.memory_space<semaphore_mem>>)
      %dma_start3A_1033 = arith.constant 5 : i32
      %dma_start3A_1034 = arith.constant 192 : i32
      %dma_start3A_1035 = arith.constant 0 : i32
      %dma_start3A_1036 = tpu.memref_slice %arg11[%dma_start3A_1034, %dma_start3A_1035] : memref<256x128xf32, #tpu.memory_space<vmem>> -> memref<64x128xf32, #tpu.memory_space<vmem>>
      %dma_start3A_1037 = arith.constant 64 : i32
      %dma_start3A_1038 = tpu.memref_slice %arg9[%dma_start3A_1033, %dma_start3A_1037] : memref<8x128xi32, #tpu.memory_space<vmem>> -> memref<1x64xi32, #tpu.memory_space<vmem>>
      %dma_start3A_1039 = tpu.memref_squeeze %dma_start3A_1038 : memref<1x64xi32, #tpu.memory_space<vmem>> -> memref<64xi32, #tpu.memory_space<vmem>>
      %dma_start3A_1040 = arith.constant 0 : i32
      %dma_start3A_1041 = arith.constant 0 : i32
      %dma_start3A_1042 = tpu.memref_slice %arg2[%arg0, %dma_start3A_1040, %dma_start3A_1041] : memref<2x10000x128xf32, #tpu.memory_space<hbm>> -> memref<1x10000x128xf32, #tpu.memory_space<hbm>>
      %dma_start3A_1043 = tpu.memref_squeeze %dma_start3A_1042 : memref<1x10000x128xf32, #tpu.memory_space<hbm>> -> memref<10000x128xf32, #tpu.memory_space<hbm>>
      %dma_start3A_1044 = arith.constant 0 : i32
      %dma_start3A_1045 = arith.constant 0 : i32
      %dma_start3A_1046 = tpu.memref_slice %dma_start3A_1043[%dma_start3A_1044, %dma_start3A_1045] : memref<10000x128xf32, #tpu.memory_space<hbm>> -> memref<10000x128xf32, #tpu.memory_space<hbm>>
      tpu.enqueue_indirect_dma source(%dma_start3A_1046 : memref<10000x128xf32, #tpu.memory_space<hbm>>) target(%dma_start3A_1036 : memref<64x128xf32, #tpu.memory_space<vmem>>) offsets(%dma_start3A_1039 : memref<64xi32, #tpu.memory_space<vmem>>) semaphore(%arg16 : memref<!tpu.dma_semaphore, #tpu.memory_space<semaphore_mem>>)
      %dma_wait3A_1047 = arith.constant 4 : i32
      %dma_wait3A_1048 = arith.constant 0 : i32
      %dma_wait3A_1049 = arith.constant 0 : i32
      %dma_wait3A_1050 = tpu.memref_slice %arg11[%dma_wait3A_1048, %dma_wait3A_1049] : memref<256x128xf32, #tpu.memory_space<vmem>> -> memref<64x128xf32, #tpu.memory_space<vmem>>
      %dma_wait3A_1051 = arith.constant 0 : i32
      %dma_wait3A_1052 = tpu.memref_slice %arg9[%dma_wait3A_1047, %dma_wait3A_1051] : memref<8x128xi32, #tpu.memory_space<vmem>> -> memref<1x64xi32, #tpu.memory_space<vmem>>
      %dma_wait3A_1053 = tpu.memref_squeeze %dma_wait3A_1052 : memref<1x64xi32, #tpu.memory_space<vmem>> -> memref<64xi32, #tpu.memory_space<vmem>>
      %dma_wait3A_1054 = arith.constant 0 : i32
      %dma_wait3A_1055 = arith.constant 0 : i32
      %dma_wait3A_1056 = tpu.memref_slice %arg2[%arg0, %dma_wait3A_1054, %dma_wait3A_1055] : memref<2x10000x128xf32, #tpu.memory_space<hbm>> -> memref<1x10000x128xf32, #tpu.memory_space<hbm>>
      %dma_wait3A_1057 = tpu.memref_squeeze %dma_wait3A_1056 : memref<1x10000x128xf32, #tpu.memory_space<hbm>> -> memref<10000x128xf32, #tpu.memory_space<hbm>>
      %dma_wait3A_1058 = arith.constant 0 : i32
      %dma_wait3A_1059 = arith.constant 0 : i32
      %dma_wait3A_1060 = tpu.memref_slice %dma_wait3A_1057[%dma_wait3A_1058, %dma_wait3A_1059] : memref<10000x128xf32, #tpu.memory_space<hbm>> -> memref<10000x128xf32, #tpu.memory_space<hbm>>
      tpu.wait_indirect_dma semaphore(%arg13 : memref<!tpu.dma_semaphore, #tpu.memory_space<semaphore_mem>>) src(%dma_wait3A_1060 : memref<10000x128xf32, #tpu.memory_space<hbm>>) dst(%dma_wait3A_1050 : memref<64x128xf32, #tpu.memory_space<vmem>>)
      %dma_wait3A_1061 = arith.constant 4 : i32
      %dma_wait3A_1062 = arith.constant 64 : i32
      %dma_wait3A_1063 = arith.constant 0 : i32
      %dma_wait3A_1064 = tpu.memref_slice %arg11[%dma_wait3A_1062, %dma_wait3A_1063] : memref<256x128xf32, #tpu.memory_space<vmem>> -> memref<64x128xf32, #tpu.memory_space<vmem>>
      %dma_wait3A_1065 = arith.constant 64 : i32
      %dma_wait3A_1066 = tpu.memref_slice %arg9[%dma_wait3A_1061, %dma_wait3A_1065] : memref<8x128xi32, #tpu.memory_space<vmem>> -> memref<1x64xi32, #tpu.memory_space<vmem>>
      %dma_wait3A_1067 = tpu.memref_squeeze %dma_wait3A_1066 : memref<1x64xi32, #tpu.memory_space<vmem>> -> memref<64xi32, #tpu.memory_space<vmem>>
      %dma_wait3A_1068 = arith.constant 0 : i32
      %dma_wait3A_1069 = arith.constant 0 : i32
      %dma_wait3A_1070 = tpu.memref_slice %arg2[%arg0, %dma_wait3A_1068, %dma_wait3A_1069] : memref<2x10000x128xf32, #tpu.memory_space<hbm>> -> memref<1x10000x128xf32, #tpu.memory_space<hbm>>
      %dma_wait3A_1071 = tpu.memref_squeeze %dma_wait3A_1070 : memref<1x10000x128xf32, #tpu.memory_space<hbm>> -> memref<10000x128xf32, #tpu.memory_space<hbm>>
      %dma_wait3A_1072 = arith.constant 0 : i32
      %dma_wait3A_1073 = arith.constant 0 : i32
      %dma_wait3A_1074 = tpu.memref_slice %dma_wait3A_1071[%dma_wait3A_1072, %dma_wait3A_1073] : memref<10000x128xf32, #tpu.memory_space<hbm>> -> memref<10000x128xf32, #tpu.memory_space<hbm>>
      tpu.wait_indirect_dma semaphore(%arg14 : memref<!tpu.dma_semaphore, #tpu.memory_space<semaphore_mem>>) src(%dma_wait3A_1074 : memref<10000x128xf32, #tpu.memory_space<hbm>>) dst(%dma_wait3A_1064 : memref<64x128xf32, #tpu.memory_space<vmem>>)
      %dma_start3A_1075 = arith.constant 4 : i32
      %dma_start3A_1076 = arith.constant 0 : i32
      %dma_start3A_1077 = arith.constant 0 : i32
      %dma_start3A_1078 = tpu.memref_slice %arg11[%dma_start3A_1076, %dma_start3A_1077] : memref<256x128xf32, #tpu.memory_space<vmem>> -> memref<128x128xf32, #tpu.memory_space<vmem>>
      %dma_start3A_1079 = arith.constant 0 : i32
      %dma_start3A_1080 = tpu.memref_slice %arg10[%dma_start3A_1075, %dma_start3A_1079] : memref<8x128xi32, #tpu.memory_space<vmem>> -> memref<1x128xi32, #tpu.memory_space<vmem>>
      %dma_start3A_1081 = tpu.memref_squeeze %dma_start3A_1080 : memref<1x128xi32, #tpu.memory_space<vmem>> -> memref<128xi32, #tpu.memory_space<vmem>>
      %dma_start3A_1082 = arith.constant 0 : i32
      %dma_start3A_1083 = arith.constant 0 : i32
      %dma_start3A_1084 = tpu.memref_slice %arg12[%dma_start3A_1082, %dma_start3A_1083] : memref<10048x128xf32, #tpu.memory_space<vmem_shared>> -> memref<10048x128xf32, #tpu.memory_space<vmem_shared>>
      tpu.enqueue_indirect_dma source(%dma_start3A_1078 : memref<128x128xf32, #tpu.memory_space<vmem>>) target(%dma_start3A_1084 : memref<10048x128xf32, #tpu.memory_space<vmem_shared>>) offsets(%dma_start3A_1081 : memref<128xi32, #tpu.memory_space<vmem>>) semaphore(%arg17 : memref<!tpu.dma_semaphore, #tpu.memory_space<semaphore_mem>>) {add = true}
      %dma_wait3A_1085 = arith.constant 4 : i32
      %dma_wait3A_1086 = arith.constant 0 : i32
      %dma_wait3A_1087 = arith.constant 0 : i32
      %dma_wait3A_1088 = tpu.memref_slice %arg11[%dma_wait3A_1086, %dma_wait3A_1087] : memref<256x128xf32, #tpu.memory_space<vmem>> -> memref<128x128xf32, #tpu.memory_space<vmem>>
      %dma_wait3A_1089 = arith.constant 0 : i32
      %dma_wait3A_1090 = tpu.memref_slice %arg10[%dma_wait3A_1085, %dma_wait3A_1089] : memref<8x128xi32, #tpu.memory_space<vmem>> -> memref<1x128xi32, #tpu.memory_space<vmem>>
      %dma_wait3A_1091 = tpu.memref_squeeze %dma_wait3A_1090 : memref<1x128xi32, #tpu.memory_space<vmem>> -> memref<128xi32, #tpu.memory_space<vmem>>
      %dma_wait3A_1092 = arith.constant 0 : i32
      %dma_wait3A_1093 = arith.constant 0 : i32
      %dma_wait3A_1094 = tpu.memref_slice %arg12[%dma_wait3A_1092, %dma_wait3A_1093] : memref<10048x128xf32, #tpu.memory_space<vmem_shared>> -> memref<10048x128xf32, #tpu.memory_space<vmem_shared>>
      tpu.wait_indirect_dma semaphore(%arg17 : memref<!tpu.dma_semaphore, #tpu.memory_space<semaphore_mem>>) src(%dma_wait3A_1088 : memref<128x128xf32, #tpu.memory_space<vmem>>) dst(%dma_wait3A_1094 : memref<10048x128xf32, #tpu.memory_space<vmem_shared>>)
      %dma_start3A_1095 = arith.constant 6 : i32
      %dma_start3A_1096 = arith.constant 0 : i32
      %dma_start3A_1097 = arith.constant 0 : i32
      %dma_start3A_1098 = tpu.memref_slice %arg11[%dma_start3A_1096, %dma_start3A_1097] : memref<256x128xf32, #tpu.memory_space<vmem>> -> memref<64x128xf32, #tpu.memory_space<vmem>>
      %dma_start3A_1099 = arith.constant 0 : i32
      %dma_start3A_1100 = tpu.memref_slice %arg9[%dma_start3A_1095, %dma_start3A_1099] : memref<8x128xi32, #tpu.memory_space<vmem>> -> memref<1x64xi32, #tpu.memory_space<vmem>>
      %dma_start3A_1101 = tpu.memref_squeeze %dma_start3A_1100 : memref<1x64xi32, #tpu.memory_space<vmem>> -> memref<64xi32, #tpu.memory_space<vmem>>
      %dma_start3A_1102 = arith.constant 0 : i32
      %dma_start3A_1103 = arith.constant 0 : i32
      %dma_start3A_1104 = tpu.memref_slice %arg2[%arg0, %dma_start3A_1102, %dma_start3A_1103] : memref<2x10000x128xf32, #tpu.memory_space<hbm>> -> memref<1x10000x128xf32, #tpu.memory_space<hbm>>
      %dma_start3A_1105 = tpu.memref_squeeze %dma_start3A_1104 : memref<1x10000x128xf32, #tpu.memory_space<hbm>> -> memref<10000x128xf32, #tpu.memory_space<hbm>>
      %dma_start3A_1106 = arith.constant 0 : i32
      %dma_start3A_1107 = arith.constant 0 : i32
      %dma_start3A_1108 = tpu.memref_slice %dma_start3A_1105[%dma_start3A_1106, %dma_start3A_1107] : memref<10000x128xf32, #tpu.memory_space<hbm>> -> memref<10000x128xf32, #tpu.memory_space<hbm>>
      tpu.enqueue_indirect_dma source(%dma_start3A_1108 : memref<10000x128xf32, #tpu.memory_space<hbm>>) target(%dma_start3A_1098 : memref<64x128xf32, #tpu.memory_space<vmem>>) offsets(%dma_start3A_1101 : memref<64xi32, #tpu.memory_space<vmem>>) semaphore(%arg13 : memref<!tpu.dma_semaphore, #tpu.memory_space<semaphore_mem>>)
      %dma_start3A_1109 = arith.constant 6 : i32
      %dma_start3A_1110 = arith.constant 64 : i32
      %dma_start3A_1111 = arith.constant 0 : i32
      %dma_start3A_1112 = tpu.memref_slice %arg11[%dma_start3A_1110, %dma_start3A_1111] : memref<256x128xf32, #tpu.memory_space<vmem>> -> memref<64x128xf32, #tpu.memory_space<vmem>>
      %dma_start3A_1113 = arith.constant 64 : i32
      %dma_start3A_1114 = tpu.memref_slice %arg9[%dma_start3A_1109, %dma_start3A_1113] : memref<8x128xi32, #tpu.memory_space<vmem>> -> memref<1x64xi32, #tpu.memory_space<vmem>>
      %dma_start3A_1115 = tpu.memref_squeeze %dma_start3A_1114 : memref<1x64xi32, #tpu.memory_space<vmem>> -> memref<64xi32, #tpu.memory_space<vmem>>
      %dma_start3A_1116 = arith.constant 0 : i32
      %dma_start3A_1117 = arith.constant 0 : i32
      %dma_start3A_1118 = tpu.memref_slice %arg2[%arg0, %dma_start3A_1116, %dma_start3A_1117] : memref<2x10000x128xf32, #tpu.memory_space<hbm>> -> memref<1x10000x128xf32, #tpu.memory_space<hbm>>
      %dma_start3A_1119 = tpu.memref_squeeze %dma_start3A_1118 : memref<1x10000x128xf32, #tpu.memory_space<hbm>> -> memref<10000x128xf32, #tpu.memory_space<hbm>>
      %dma_start3A_1120 = arith.constant 0 : i32
      %dma_start3A_1121 = arith.constant 0 : i32
      %dma_start3A_1122 = tpu.memref_slice %dma_start3A_1119[%dma_start3A_1120, %dma_start3A_1121] : memref<10000x128xf32, #tpu.memory_space<hbm>> -> memref<10000x128xf32, #tpu.memory_space<hbm>>
      tpu.enqueue_indirect_dma source(%dma_start3A_1122 : memref<10000x128xf32, #tpu.memory_space<hbm>>) target(%dma_start3A_1112 : memref<64x128xf32, #tpu.memory_space<vmem>>) offsets(%dma_start3A_1115 : memref<64xi32, #tpu.memory_space<vmem>>) semaphore(%arg14 : memref<!tpu.dma_semaphore, #tpu.memory_space<semaphore_mem>>)
      %dma_wait3A_1123 = arith.constant 5 : i32
      %dma_wait3A_1124 = arith.constant 128 : i32
      %dma_wait3A_1125 = arith.constant 0 : i32
      %dma_wait3A_1126 = tpu.memref_slice %arg11[%dma_wait3A_1124, %dma_wait3A_1125] : memref<256x128xf32, #tpu.memory_space<vmem>> -> memref<64x128xf32, #tpu.memory_space<vmem>>
      %dma_wait3A_1127 = arith.constant 0 : i32
      %dma_wait3A_1128 = tpu.memref_slice %arg9[%dma_wait3A_1123, %dma_wait3A_1127] : memref<8x128xi32, #tpu.memory_space<vmem>> -> memref<1x64xi32, #tpu.memory_space<vmem>>
      %dma_wait3A_1129 = tpu.memref_squeeze %dma_wait3A_1128 : memref<1x64xi32, #tpu.memory_space<vmem>> -> memref<64xi32, #tpu.memory_space<vmem>>
      %dma_wait3A_1130 = arith.constant 0 : i32
      %dma_wait3A_1131 = arith.constant 0 : i32
      %dma_wait3A_1132 = tpu.memref_slice %arg2[%arg0, %dma_wait3A_1130, %dma_wait3A_1131] : memref<2x10000x128xf32, #tpu.memory_space<hbm>> -> memref<1x10000x128xf32, #tpu.memory_space<hbm>>
      %dma_wait3A_1133 = tpu.memref_squeeze %dma_wait3A_1132 : memref<1x10000x128xf32, #tpu.memory_space<hbm>> -> memref<10000x128xf32, #tpu.memory_space<hbm>>
      %dma_wait3A_1134 = arith.constant 0 : i32
      %dma_wait3A_1135 = arith.constant 0 : i32
      %dma_wait3A_1136 = tpu.memref_slice %dma_wait3A_1133[%dma_wait3A_1134, %dma_wait3A_1135] : memref<10000x128xf32, #tpu.memory_space<hbm>> -> memref<10000x128xf32, #tpu.memory_space<hbm>>
      tpu.wait_indirect_dma semaphore(%arg15 : memref<!tpu.dma_semaphore, #tpu.memory_space<semaphore_mem>>) src(%dma_wait3A_1136 : memref<10000x128xf32, #tpu.memory_space<hbm>>) dst(%dma_wait3A_1126 : memref<64x128xf32, #tpu.memory_space<vmem>>)
      %dma_wait3A_1137 = arith.constant 5 : i32
      %dma_wait3A_1138 = arith.constant 192 : i32
      %dma_wait3A_1139 = arith.constant 0 : i32
      %dma_wait3A_1140 = tpu.memref_slice %arg11[%dma_wait3A_1138, %dma_wait3A_1139] : memref<256x128xf32, #tpu.memory_space<vmem>> -> memref<64x128xf32, #tpu.memory_space<vmem>>
      %dma_wait3A_1141 = arith.constant 64 : i32
      %dma_wait3A_1142 = tpu.memref_slice %arg9[%dma_wait3A_1137, %dma_wait3A_1141] : memref<8x128xi32, #tpu.memory_space<vmem>> -> memref<1x64xi32, #tpu.memory_space<vmem>>
      %dma_wait3A_1143 = tpu.memref_squeeze %dma_wait3A_1142 : memref<1x64xi32, #tpu.memory_space<vmem>> -> memref<64xi32, #tpu.memory_space<vmem>>
      %dma_wait3A_1144 = arith.constant 0 : i32
      %dma_wait3A_1145 = arith.constant 0 : i32
      %dma_wait3A_1146 = tpu.memref_slice %arg2[%arg0, %dma_wait3A_1144, %dma_wait3A_1145] : memref<2x10000x128xf32, #tpu.memory_space<hbm>> -> memref<1x10000x128xf32, #tpu.memory_space<hbm>>
      %dma_wait3A_1147 = tpu.memref_squeeze %dma_wait3A_1146 : memref<1x10000x128xf32, #tpu.memory_space<hbm>> -> memref<10000x128xf32, #tpu.memory_space<hbm>>
      %dma_wait3A_1148 = arith.constant 0 : i32
      %dma_wait3A_1149 = arith.constant 0 : i32
      %dma_wait3A_1150 = tpu.memref_slice %dma_wait3A_1147[%dma_wait3A_1148, %dma_wait3A_1149] : memref<10000x128xf32, #tpu.memory_space<hbm>> -> memref<10000x128xf32, #tpu.memory_space<hbm>>
      tpu.wait_indirect_dma semaphore(%arg16 : memref<!tpu.dma_semaphore, #tpu.memory_space<semaphore_mem>>) src(%dma_wait3A_1150 : memref<10000x128xf32, #tpu.memory_space<hbm>>) dst(%dma_wait3A_1140 : memref<64x128xf32, #tpu.memory_space<vmem>>)
      %dma_start3A_1151 = arith.constant 5 : i32
      %dma_start3A_1152 = arith.constant 128 : i32
      %dma_start3A_1153 = arith.constant 0 : i32
      %dma_start3A_1154 = tpu.memref_slice %arg11[%dma_start3A_1152, %dma_start3A_1153] : memref<256x128xf32, #tpu.memory_space<vmem>> -> memref<128x128xf32, #tpu.memory_space<vmem>>
      %dma_start3A_1155 = arith.constant 0 : i32
      %dma_start3A_1156 = tpu.memref_slice %arg10[%dma_start3A_1151, %dma_start3A_1155] : memref<8x128xi32, #tpu.memory_space<vmem>> -> memref<1x128xi32, #tpu.memory_space<vmem>>
      %dma_start3A_1157 = tpu.memref_squeeze %dma_start3A_1156 : memref<1x128xi32, #tpu.memory_space<vmem>> -> memref<128xi32, #tpu.memory_space<vmem>>
      %dma_start3A_1158 = arith.constant 0 : i32
      %dma_start3A_1159 = arith.constant 0 : i32
      %dma_start3A_1160 = tpu.memref_slice %arg12[%dma_start3A_1158, %dma_start3A_1159] : memref<10048x128xf32, #tpu.memory_space<vmem_shared>> -> memref<10048x128xf32, #tpu.memory_space<vmem_shared>>
      tpu.enqueue_indirect_dma source(%dma_start3A_1154 : memref<128x128xf32, #tpu.memory_space<vmem>>) target(%dma_start3A_1160 : memref<10048x128xf32, #tpu.memory_space<vmem_shared>>) offsets(%dma_start3A_1157 : memref<128xi32, #tpu.memory_space<vmem>>) semaphore(%arg18 : memref<!tpu.dma_semaphore, #tpu.memory_space<semaphore_mem>>) {add = true}
      %dma_wait3A_1161 = arith.constant 5 : i32
      %dma_wait3A_1162 = arith.constant 128 : i32
      %dma_wait3A_1163 = arith.constant 0 : i32
      %dma_wait3A_1164 = tpu.memref_slice %arg11[%dma_wait3A_1162, %dma_wait3A_1163] : memref<256x128xf32, #tpu.memory_space<vmem>> -> memref<128x128xf32, #tpu.memory_space<vmem>>
      %dma_wait3A_1165 = arith.constant 0 : i32
      %dma_wait3A_1166 = tpu.memref_slice %arg10[%dma_wait3A_1161, %dma_wait3A_1165] : memref<8x128xi32, #tpu.memory_space<vmem>> -> memref<1x128xi32, #tpu.memory_space<vmem>>
      %dma_wait3A_1167 = tpu.memref_squeeze %dma_wait3A_1166 : memref<1x128xi32, #tpu.memory_space<vmem>> -> memref<128xi32, #tpu.memory_space<vmem>>
      %dma_wait3A_1168 = arith.constant 0 : i32
      %dma_wait3A_1169 = arith.constant 0 : i32
      %dma_wait3A_1170 = tpu.memref_slice %arg12[%dma_wait3A_1168, %dma_wait3A_1169] : memref<10048x128xf32, #tpu.memory_space<vmem_shared>> -> memref<10048x128xf32, #tpu.memory_space<vmem_shared>>
      tpu.wait_indirect_dma semaphore(%arg18 : memref<!tpu.dma_semaphore, #tpu.memory_space<semaphore_mem>>) src(%dma_wait3A_1164 : memref<128x128xf32, #tpu.memory_space<vmem>>) dst(%dma_wait3A_1170 : memref<10048x128xf32, #tpu.memory_space<vmem_shared>>)
      %dma_start3A_1171 = arith.constant 7 : i32
      %dma_start3A_1172 = arith.constant 128 : i32
      %dma_start3A_1173 = arith.constant 0 : i32
      %dma_start3A_1174 = tpu.memref_slice %arg11[%dma_start3A_1172, %dma_start3A_1173] : memref<256x128xf32, #tpu.memory_space<vmem>> -> memref<64x128xf32, #tpu.memory_space<vmem>>
      %dma_start3A_1175 = arith.constant 0 : i32
      %dma_start3A_1176 = tpu.memref_slice %arg9[%dma_start3A_1171, %dma_start3A_1175] : memref<8x128xi32, #tpu.memory_space<vmem>> -> memref<1x64xi32, #tpu.memory_space<vmem>>
      %dma_start3A_1177 = tpu.memref_squeeze %dma_start3A_1176 : memref<1x64xi32, #tpu.memory_space<vmem>> -> memref<64xi32, #tpu.memory_space<vmem>>
      %dma_start3A_1178 = arith.constant 0 : i32
      %dma_start3A_1179 = arith.constant 0 : i32
      %dma_start3A_1180 = tpu.memref_slice %arg2[%arg0, %dma_start3A_1178, %dma_start3A_1179] : memref<2x10000x128xf32, #tpu.memory_space<hbm>> -> memref<1x10000x128xf32, #tpu.memory_space<hbm>>
      %dma_start3A_1181 = tpu.memref_squeeze %dma_start3A_1180 : memref<1x10000x128xf32, #tpu.memory_space<hbm>> -> memref<10000x128xf32, #tpu.memory_space<hbm>>
      %dma_start3A_1182 = arith.constant 0 : i32
      %dma_start3A_1183 = arith.constant 0 : i32
      %dma_start3A_1184 = tpu.memref_slice %dma_start3A_1181[%dma_start3A_1182, %dma_start3A_1183] : memref<10000x128xf32, #tpu.memory_space<hbm>> -> memref<10000x128xf32, #tpu.memory_space<hbm>>
      tpu.enqueue_indirect_dma source(%dma_start3A_1184 : memref<10000x128xf32, #tpu.memory_space<hbm>>) target(%dma_start3A_1174 : memref<64x128xf32, #tpu.memory_space<vmem>>) offsets(%dma_start3A_1177 : memref<64xi32, #tpu.memory_space<vmem>>) semaphore(%arg15 : memref<!tpu.dma_semaphore, #tpu.memory_space<semaphore_mem>>)
      %dma_start3A_1185 = arith.constant 7 : i32
      %dma_start3A_1186 = arith.constant 192 : i32
      %dma_start3A_1187 = arith.constant 0 : i32
      %dma_start3A_1188 = tpu.memref_slice %arg11[%dma_start3A_1186, %dma_start3A_1187] : memref<256x128xf32, #tpu.memory_space<vmem>> -> memref<64x128xf32, #tpu.memory_space<vmem>>
      %dma_start3A_1189 = arith.constant 64 : i32
      %dma_start3A_1190 = tpu.memref_slice %arg9[%dma_start3A_1185, %dma_start3A_1189] : memref<8x128xi32, #tpu.memory_space<vmem>> -> memref<1x64xi32, #tpu.memory_space<vmem>>
      %dma_start3A_1191 = tpu.memref_squeeze %dma_start3A_1190 : memref<1x64xi32, #tpu.memory_space<vmem>> -> memref<64xi32, #tpu.memory_space<vmem>>
      %dma_start3A_1192 = arith.constant 0 : i32
      %dma_start3A_1193 = arith.constant 0 : i32
      %dma_start3A_1194 = tpu.memref_slice %arg2[%arg0, %dma_start3A_1192, %dma_start3A_1193] : memref<2x10000x128xf32, #tpu.memory_space<hbm>> -> memref<1x10000x128xf32, #tpu.memory_space<hbm>>
      %dma_start3A_1195 = tpu.memref_squeeze %dma_start3A_1194 : memref<1x10000x128xf32, #tpu.memory_space<hbm>> -> memref<10000x128xf32, #tpu.memory_space<hbm>>
      %dma_start3A_1196 = arith.constant 0 : i32
      %dma_start3A_1197 = arith.constant 0 : i32
      %dma_start3A_1198 = tpu.memref_slice %dma_start3A_1195[%dma_start3A_1196, %dma_start3A_1197] : memref<10000x128xf32, #tpu.memory_space<hbm>> -> memref<10000x128xf32, #tpu.memory_space<hbm>>
      tpu.enqueue_indirect_dma source(%dma_start3A_1198 : memref<10000x128xf32, #tpu.memory_space<hbm>>) target(%dma_start3A_1188 : memref<64x128xf32, #tpu.memory_space<vmem>>) offsets(%dma_start3A_1191 : memref<64xi32, #tpu.memory_space<vmem>>) semaphore(%arg16 : memref<!tpu.dma_semaphore, #tpu.memory_space<semaphore_mem>>)
      %dma_wait3A_1199 = arith.constant 6 : i32
      %dma_wait3A_1200 = arith.constant 0 : i32
      %dma_wait3A_1201 = arith.constant 0 : i32
      %dma_wait3A_1202 = tpu.memref_slice %arg11[%dma_wait3A_1200, %dma_wait3A_1201] : memref<256x128xf32, #tpu.memory_space<vmem>> -> memref<64x128xf32, #tpu.memory_space<vmem>>
      %dma_wait3A_1203 = arith.constant 0 : i32
      %dma_wait3A_1204 = tpu.memref_slice %arg9[%dma_wait3A_1199, %dma_wait3A_1203] : memref<8x128xi32, #tpu.memory_space<vmem>> -> memref<1x64xi32, #tpu.memory_space<vmem>>
      %dma_wait3A_1205 = tpu.memref_squeeze %dma_wait3A_1204 : memref<1x64xi32, #tpu.memory_space<vmem>> -> memref<64xi32, #tpu.memory_space<vmem>>
      %dma_wait3A_1206 = arith.constant 0 : i32
      %dma_wait3A_1207 = arith.constant 0 : i32
      %dma_wait3A_1208 = tpu.memref_slice %arg2[%arg0, %dma_wait3A_1206, %dma_wait3A_1207] : memref<2x10000x128xf32, #tpu.memory_space<hbm>> -> memref<1x10000x128xf32, #tpu.memory_space<hbm>>
      %dma_wait3A_1209 = tpu.memref_squeeze %dma_wait3A_1208 : memref<1x10000x128xf32, #tpu.memory_space<hbm>> -> memref<10000x128xf32, #tpu.memory_space<hbm>>
      %dma_wait3A_1210 = arith.constant 0 : i32
      %dma_wait3A_1211 = arith.constant 0 : i32
      %dma_wait3A_1212 = tpu.memref_slice %dma_wait3A_1209[%dma_wait3A_1210, %dma_wait3A_1211] : memref<10000x128xf32, #tpu.memory_space<hbm>> -> memref<10000x128xf32, #tpu.memory_space<hbm>>
      tpu.wait_indirect_dma semaphore(%arg13 : memref<!tpu.dma_semaphore, #tpu.memory_space<semaphore_mem>>) src(%dma_wait3A_1212 : memref<10000x128xf32, #tpu.memory_space<hbm>>) dst(%dma_wait3A_1202 : memref<64x128xf32, #tpu.memory_space<vmem>>)
      %dma_wait3A_1213 = arith.constant 6 : i32
      %dma_wait3A_1214 = arith.constant 64 : i32
      %dma_wait3A_1215 = arith.constant 0 : i32
      %dma_wait3A_1216 = tpu.memref_slice %arg11[%dma_wait3A_1214, %dma_wait3A_1215] : memref<256x128xf32, #tpu.memory_space<vmem>> -> memref<64x128xf32, #tpu.memory_space<vmem>>
      %dma_wait3A_1217 = arith.constant 64 : i32
      %dma_wait3A_1218 = tpu.memref_slice %arg9[%dma_wait3A_1213, %dma_wait3A_1217] : memref<8x128xi32, #tpu.memory_space<vmem>> -> memref<1x64xi32, #tpu.memory_space<vmem>>
      %dma_wait3A_1219 = tpu.memref_squeeze %dma_wait3A_1218 : memref<1x64xi32, #tpu.memory_space<vmem>> -> memref<64xi32, #tpu.memory_space<vmem>>
      %dma_wait3A_1220 = arith.constant 0 : i32
      %dma_wait3A_1221 = arith.constant 0 : i32
      %dma_wait3A_1222 = tpu.memref_slice %arg2[%arg0, %dma_wait3A_1220, %dma_wait3A_1221] : memref<2x10000x128xf32, #tpu.memory_space<hbm>> -> memref<1x10000x128xf32, #tpu.memory_space<hbm>>
      %dma_wait3A_1223 = tpu.memref_squeeze %dma_wait3A_1222 : memref<1x10000x128xf32, #tpu.memory_space<hbm>> -> memref<10000x128xf32, #tpu.memory_space<hbm>>
      %dma_wait3A_1224 = arith.constant 0 : i32
      %dma_wait3A_1225 = arith.constant 0 : i32
      %dma_wait3A_1226 = tpu.memref_slice %dma_wait3A_1223[%dma_wait3A_1224, %dma_wait3A_1225] : memref<10000x128xf32, #tpu.memory_space<hbm>> -> memref<10000x128xf32, #tpu.memory_space<hbm>>
      tpu.wait_indirect_dma semaphore(%arg14 : memref<!tpu.dma_semaphore, #tpu.memory_space<semaphore_mem>>) src(%dma_wait3A_1226 : memref<10000x128xf32, #tpu.memory_space<hbm>>) dst(%dma_wait3A_1216 : memref<64x128xf32, #tpu.memory_space<vmem>>)
      %dma_start3A_1227 = arith.constant 6 : i32
      %dma_start3A_1228 = arith.constant 0 : i32
      %dma_start3A_1229 = arith.constant 0 : i32
      %dma_start3A_1230 = tpu.memref_slice %arg11[%dma_start3A_1228, %dma_start3A_1229] : memref<256x128xf32, #tpu.memory_space<vmem>> -> memref<128x128xf32, #tpu.memory_space<vmem>>
      %dma_start3A_1231 = arith.constant 0 : i32
      %dma_start3A_1232 = tpu.memref_slice %arg10[%dma_start3A_1227, %dma_start3A_1231] : memref<8x128xi32, #tpu.memory_space<vmem>> -> memref<1x128xi32, #tpu.memory_space<vmem>>
      %dma_start3A_1233 = tpu.memref_squeeze %dma_start3A_1232 : memref<1x128xi32, #tpu.memory_space<vmem>> -> memref<128xi32, #tpu.memory_space<vmem>>
      %dma_start3A_1234 = arith.constant 0 : i32
      %dma_start3A_1235 = arith.constant 0 : i32
      %dma_start3A_1236 = tpu.memref_slice %arg12[%dma_start3A_1234, %dma_start3A_1235] : memref<10048x128xf32, #tpu.memory_space<vmem_shared>> -> memref<10048x128xf32, #tpu.memory_space<vmem_shared>>
      tpu.enqueue_indirect_dma source(%dma_start3A_1230 : memref<128x128xf32, #tpu.memory_space<vmem>>) target(%dma_start3A_1236 : memref<10048x128xf32, #tpu.memory_space<vmem_shared>>) offsets(%dma_start3A_1233 : memref<128xi32, #tpu.memory_space<vmem>>) semaphore(%arg17 : memref<!tpu.dma_semaphore, #tpu.memory_space<semaphore_mem>>) {add = true}
      %dma_wait3A_1237 = arith.constant 7 : i32
      %dma_wait3A_1238 = arith.constant 128 : i32
      %dma_wait3A_1239 = arith.constant 0 : i32
      %dma_wait3A_1240 = tpu.memref_slice %arg11[%dma_wait3A_1238, %dma_wait3A_1239] : memref<256x128xf32, #tpu.memory_space<vmem>> -> memref<64x128xf32, #tpu.memory_space<vmem>>
      %dma_wait3A_1241 = arith.constant 0 : i32
      %dma_wait3A_1242 = tpu.memref_slice %arg9[%dma_wait3A_1237, %dma_wait3A_1241] : memref<8x128xi32, #tpu.memory_space<vmem>> -> memref<1x64xi32, #tpu.memory_space<vmem>>
      %dma_wait3A_1243 = tpu.memref_squeeze %dma_wait3A_1242 : memref<1x64xi32, #tpu.memory_space<vmem>> -> memref<64xi32, #tpu.memory_space<vmem>>
      %dma_wait3A_1244 = arith.constant 0 : i32
      %dma_wait3A_1245 = arith.constant 0 : i32
      %dma_wait3A_1246 = tpu.memref_slice %arg2[%arg0, %dma_wait3A_1244, %dma_wait3A_1245] : memref<2x10000x128xf32, #tpu.memory_space<hbm>> -> memref<1x10000x128xf32, #tpu.memory_space<hbm>>
      %dma_wait3A_1247 = tpu.memref_squeeze %dma_wait3A_1246 : memref<1x10000x128xf32, #tpu.memory_space<hbm>> -> memref<10000x128xf32, #tpu.memory_space<hbm>>
      %dma_wait3A_1248 = arith.constant 0 : i32
      %dma_wait3A_1249 = arith.constant 0 : i32
      %dma_wait3A_1250 = tpu.memref_slice %dma_wait3A_1247[%dma_wait3A_1248, %dma_wait3A_1249] : memref<10000x128xf32, #tpu.memory_space<hbm>> -> memref<10000x128xf32, #tpu.memory_space<hbm>>
      tpu.wait_indirect_dma semaphore(%arg15 : memref<!tpu.dma_semaphore, #tpu.memory_space<semaphore_mem>>) src(%dma_wait3A_1250 : memref<10000x128xf32, #tpu.memory_space<hbm>>) dst(%dma_wait3A_1240 : memref<64x128xf32, #tpu.memory_space<vmem>>)
      %dma_wait3A_1251 = arith.constant 7 : i32
      %dma_wait3A_1252 = arith.constant 192 : i32
      %dma_wait3A_1253 = arith.constant 0 : i32
      %dma_wait3A_1254 = tpu.memref_slice %arg11[%dma_wait3A_1252, %dma_wait3A_1253] : memref<256x128xf32, #tpu.memory_space<vmem>> -> memref<64x128xf32, #tpu.memory_space<vmem>>
      %dma_wait3A_1255 = arith.constant 64 : i32
      %dma_wait3A_1256 = tpu.memref_slice %arg9[%dma_wait3A_1251, %dma_wait3A_1255] : memref<8x128xi32, #tpu.memory_space<vmem>> -> memref<1x64xi32, #tpu.memory_space<vmem>>
      %dma_wait3A_1257 = tpu.memref_squeeze %dma_wait3A_1256 : memref<1x64xi32, #tpu.memory_space<vmem>> -> memref<64xi32, #tpu.memory_space<vmem>>
      %dma_wait3A_1258 = arith.constant 0 : i32
      %dma_wait3A_1259 = arith.constant 0 : i32
      %dma_wait3A_1260 = tpu.memref_slice %arg2[%arg0, %dma_wait3A_1258, %dma_wait3A_1259] : memref<2x10000x128xf32, #tpu.memory_space<hbm>> -> memref<1x10000x128xf32, #tpu.memory_space<hbm>>
      %dma_wait3A_1261 = tpu.memref_squeeze %dma_wait3A_1260 : memref<1x10000x128xf32, #tpu.memory_space<hbm>> -> memref<10000x128xf32, #tpu.memory_space<hbm>>
      %dma_wait3A_1262 = arith.constant 0 : i32
      %dma_wait3A_1263 = arith.constant 0 : i32
      %dma_wait3A_1264 = tpu.memref_slice %dma_wait3A_1261[%dma_wait3A_1262, %dma_wait3A_1263] : memref<10000x128xf32, #tpu.memory_space<hbm>> -> memref<10000x128xf32, #tpu.memory_space<hbm>>
      tpu.wait_indirect_dma semaphore(%arg16 : memref<!tpu.dma_semaphore, #tpu.memory_space<semaphore_mem>>) src(%dma_wait3A_1264 : memref<10000x128xf32, #tpu.memory_space<hbm>>) dst(%dma_wait3A_1254 : memref<64x128xf32, #tpu.memory_space<vmem>>)
      %dma_start3A_1265 = arith.constant 7 : i32
      %dma_start3A_1266 = arith.constant 128 : i32
      %dma_start3A_1267 = arith.constant 0 : i32
      %dma_start3A_1268 = tpu.memref_slice %arg11[%dma_start3A_1266, %dma_start3A_1267] : memref<256x128xf32, #tpu.memory_space<vmem>> -> memref<128x128xf32, #tpu.memory_space<vmem>>
      %dma_start3A_1269 = arith.constant 0 : i32
      %dma_start3A_1270 = tpu.memref_slice %arg10[%dma_start3A_1265, %dma_start3A_1269] : memref<8x128xi32, #tpu.memory_space<vmem>> -> memref<1x128xi32, #tpu.memory_space<vmem>>
      %dma_start3A_1271 = tpu.memref_squeeze %dma_start3A_1270 : memref<1x128xi32, #tpu.memory_space<vmem>> -> memref<128xi32, #tpu.memory_space<vmem>>
      %dma_start3A_1272 = arith.constant 0 : i32
      %dma_start3A_1273 = arith.constant 0 : i32
      %dma_start3A_1274 = tpu.memref_slice %arg12[%dma_start3A_1272, %dma_start3A_1273] : memref<10048x128xf32, #tpu.memory_space<vmem_shared>> -> memref<10048x128xf32, #tpu.memory_space<vmem_shared>>
      tpu.enqueue_indirect_dma source(%dma_start3A_1268 : memref<128x128xf32, #tpu.memory_space<vmem>>) target(%dma_start3A_1274 : memref<10048x128xf32, #tpu.memory_space<vmem_shared>>) offsets(%dma_start3A_1271 : memref<128xi32, #tpu.memory_space<vmem>>) semaphore(%arg18 : memref<!tpu.dma_semaphore, #tpu.memory_space<semaphore_mem>>) {add = true}
      %dma_wait3A_1275 = arith.constant 6 : i32
      %dma_wait3A_1276 = arith.constant 0 : i32
      %dma_wait3A_1277 = arith.constant 0 : i32
      %dma_wait3A_1278 = tpu.memref_slice %arg11[%dma_wait3A_1276, %dma_wait3A_1277] : memref<256x128xf32, #tpu.memory_space<vmem>> -> memref<128x128xf32, #tpu.memory_space<vmem>>
      %dma_wait3A_1279 = arith.constant 0 : i32
      %dma_wait3A_1280 = tpu.memref_slice %arg10[%dma_wait3A_1275, %dma_wait3A_1279] : memref<8x128xi32, #tpu.memory_space<vmem>> -> memref<1x128xi32, #tpu.memory_space<vmem>>
      %dma_wait3A_1281 = tpu.memref_squeeze %dma_wait3A_1280 : memref<1x128xi32, #tpu.memory_space<vmem>> -> memref<128xi32, #tpu.memory_space<vmem>>
      %dma_wait3A_1282 = arith.constant 0 : i32
      %dma_wait3A_1283 = arith.constant 0 : i32
      %dma_wait3A_1284 = tpu.memref_slice %arg12[%dma_wait3A_1282, %dma_wait3A_1283] : memref<10048x128xf32, #tpu.memory_space<vmem_shared>> -> memref<10048x128xf32, #tpu.memory_space<vmem_shared>>
      tpu.wait_indirect_dma semaphore(%arg17 : memref<!tpu.dma_semaphore, #tpu.memory_space<semaphore_mem>>) src(%dma_wait3A_1278 : memref<128x128xf32, #tpu.memory_space<vmem>>) dst(%dma_wait3A_1284 : memref<10048x128xf32, #tpu.memory_space<vmem_shared>>)
      %dma_wait3A_1285 = arith.constant 7 : i32
      %dma_wait3A_1286 = arith.constant 128 : i32
      %dma_wait3A_1287 = arith.constant 0 : i32
      %dma_wait3A_1288 = tpu.memref_slice %arg11[%dma_wait3A_1286, %dma_wait3A_1287] : memref<256x128xf32, #tpu.memory_space<vmem>> -> memref<128x128xf32, #tpu.memory_space<vmem>>
      %dma_wait3A_1289 = arith.constant 0 : i32
      %dma_wait3A_1290 = tpu.memref_slice %arg10[%dma_wait3A_1285, %dma_wait3A_1289] : memref<8x128xi32, #tpu.memory_space<vmem>> -> memref<1x128xi32, #tpu.memory_space<vmem>>
      %dma_wait3A_1291 = tpu.memref_squeeze %dma_wait3A_1290 : memref<1x128xi32, #tpu.memory_space<vmem>> -> memref<128xi32, #tpu.memory_space<vmem>>
      %dma_wait3A_1292 = arith.constant 0 : i32
      %dma_wait3A_1293 = arith.constant 0 : i32
      %dma_wait3A_1294 = tpu.memref_slice %arg12[%dma_wait3A_1292, %dma_wait3A_1293] : memref<10048x128xf32, #tpu.memory_space<vmem_shared>> -> memref<10048x128xf32, #tpu.memory_space<vmem_shared>>
      tpu.wait_indirect_dma semaphore(%arg18 : memref<!tpu.dma_semaphore, #tpu.memory_space<semaphore_mem>>) src(%dma_wait3A_1288 : memref<128x128xf32, #tpu.memory_space<vmem>>) dst(%dma_wait3A_1294 : memref<10048x128xf32, #tpu.memory_space<vmem_shared>>)
    }
    %scan3A_21 = arith.constant 5 : i32
    %barrier3A_22 = arith.constant 0 : index
    tpu.barrier barrier_id(%barrier3A_22)
    %lt3A_23 = arith.constant 15 : i32
    %lt3A_24 = arith.cmpi slt, %arg1, %lt3A_23 : i32
    %convert_element_type3A_25 = arith.extui %lt3A_24 : i1 to i32
    %cond3A_26 = arith.constant 0 : i32
    %cond3A_27 = arith.cmpi ne, %convert_element_type3A_25, %cond3A_26 : i32
    scf.if %cond3A_27 {
      %mul3A_33 = arith.constant 128 : i32
      %mul3A_34 = arith.muli %arg0, %mul3A_33 : i32
      "tpu.region"() ({
        %run_scoped3A = tpu.sem_alloc : memref<!tpu.dma_semaphore, #tpu.memory_space<semaphore_mem>>
        %dma_start3A_35 = tpu.memref_slice %arg6[%mul3A_0, %mul3A_34] : memref<10000x256xf32, #tpu.memory_space<hbm>> -> memref<640x128xf32, #tpu.memory_space<hbm>>
        %dma_start3A_36 = arith.constant 0 : i32
        %dma_start3A_37 = tpu.memref_slice %arg12[%mul3A_0, %dma_start3A_36] : memref<10048x128xf32, #tpu.memory_space<vmem_shared>> -> memref<640x128xf32, #tpu.memory_space<vmem_shared>>
        tpu.enqueue_dma source(%dma_start3A_37 : memref<640x128xf32, #tpu.memory_space<vmem_shared>>) target(%dma_start3A_35 : memref<640x128xf32, #tpu.memory_space<hbm>>) target_semaphore(%run_scoped3A : memref<!tpu.dma_semaphore, #tpu.memory_space<semaphore_mem>>)
        %dma_wait3A = tpu.memref_slice %arg6[%mul3A_0, %mul3A_34] : memref<10000x256xf32, #tpu.memory_space<hbm>> -> memref<640x128xf32, #tpu.memory_space<hbm>>
        %dma_wait3A_38 = arith.constant 0 : i32
        %dma_wait3A_39 = tpu.memref_slice %arg12[%mul3A_0, %dma_wait3A_38] : memref<10048x128xf32, #tpu.memory_space<vmem_shared>> -> memref<640x128xf32, #tpu.memory_space<vmem_shared>>
        tpu.wait_dma2 semaphore(%run_scoped3A : memref<!tpu.dma_semaphore, #tpu.memory_space<semaphore_mem>>) src(%dma_wait3A_39 : memref<640x128xf32, #tpu.memory_space<vmem_shared>>) dst(%dma_wait3A : memref<640x128xf32, #tpu.memory_space<hbm>>)
        tpu.yield
      }) : () -> ()
    } else {
    }
    %eq3A_28 = arith.constant 15 : i32
    %eq3A_29 = arith.cmpi eq, %arg1, %eq3A_28 : i32
    %convert_element_type3A_30 = arith.extui %eq3A_29 : i1 to i32
    %cond3A_31 = arith.constant 0 : i32
    %cond3A_32 = arith.cmpi ne, %convert_element_type3A_30, %cond3A_31 : i32
    scf.if %cond3A_32 {
      %mul3A_33 = arith.constant 128 : i32
      %mul3A_34 = arith.muli %arg0, %mul3A_33 : i32
      "tpu.region"() ({
        %run_scoped3A = tpu.sem_alloc : memref<!tpu.dma_semaphore, #tpu.memory_space<semaphore_mem>>
        %dma_start3A_35 = arith.constant 9600 : i32
        %dma_start3A_36 = tpu.memref_slice %arg6[%dma_start3A_35, %mul3A_34] : memref<10000x256xf32, #tpu.memory_space<hbm>> -> memref<400x128xf32, #tpu.memory_space<hbm>>
        %dma_start3A_37 = arith.constant 9600 : i32
        %dma_start3A_38 = arith.constant 0 : i32
        %dma_start3A_39 = tpu.memref_slice %arg12[%dma_start3A_37, %dma_start3A_38] : memref<10048x128xf32, #tpu.memory_space<vmem_shared>> -> memref<400x128xf32, #tpu.memory_space<vmem_shared>>
        tpu.enqueue_dma source(%dma_start3A_39 : memref<400x128xf32, #tpu.memory_space<vmem_shared>>) target(%dma_start3A_36 : memref<400x128xf32, #tpu.memory_space<hbm>>) target_semaphore(%run_scoped3A : memref<!tpu.dma_semaphore, #tpu.memory_space<semaphore_mem>>)
        %dma_wait3A = arith.constant 9600 : i32
        %dma_wait3A_40 = tpu.memref_slice %arg6[%dma_wait3A, %mul3A_34] : memref<10000x256xf32, #tpu.memory_space<hbm>> -> memref<400x128xf32, #tpu.memory_space<hbm>>
        %dma_wait3A_41 = arith.constant 9600 : i32
        %dma_wait3A_42 = arith.constant 0 : i32
        %dma_wait3A_43 = tpu.memref_slice %arg12[%dma_wait3A_41, %dma_wait3A_42] : memref<10048x128xf32, #tpu.memory_space<vmem_shared>> -> memref<400x128xf32, #tpu.memory_space<vmem_shared>>
        tpu.wait_dma2 semaphore(%run_scoped3A : memref<!tpu.dma_semaphore, #tpu.memory_space<semaphore_mem>>) src(%dma_wait3A_43 : memref<400x128xf32, #tpu.memory_space<vmem_shared>>) dst(%dma_wait3A_40 : memref<400x128xf32, #tpu.memory_space<hbm>>)
        tpu.yield
      }) : () -> ()
    } else {
    }
    return
  }
}

module attributes {stable_mosaic.version = 14 : i64} {
  func.func @_dense_body(%arg0: i32, %arg1: memref<1000x256xf32, #tpu.memory_space<vmem>>, %arg2: memref<256x256xf32, #tpu.memory_space<vmem>>, %arg3: memref<256x256xf32, #tpu.memory_space<vmem>>, %arg4: memref<1x256xf32, #tpu.memory_space<vmem>>, %arg5: memref<2x1000x128xf32, #tpu.memory_space<vmem>>, %arg6: memref<2x1000x128xf32, #tpu.memory_space<vmem>>) attributes {dimension_semantics = [#tpu.dimension_semantics<arbitrary>], iteration_bounds = array<i64: 10>, scalar_prefetch = 0 : i64, scratch_operands = 0 : i64, tpu.core_type = #tpu.core_type<tc>, window_params = [{transform_indices = @transform_0, window_bounds = array<i64: 1000, 256>}, {pipeline_mode = #tpu.pipeline_mode<synchronous>, transform_indices = @transform_1, window_bounds = array<i64: 256, 256>}, {pipeline_mode = #tpu.pipeline_mode<synchronous>, transform_indices = @transform_2, window_bounds = array<i64: 256, 256>}, {pipeline_mode = #tpu.pipeline_mode<synchronous>, transform_indices = @transform_3, window_bounds = array<i64: 1, 256>}, {transform_indices = @transform_4, window_bounds = array<i64: 2, 1000, 128>}, {transform_indices = @transform_5, window_bounds = array<i64: 2, 1000, 128>}]} {
    %get3A = arith.constant 0 : index
    %get3A_0 = arith.constant 0 : index
    %get3A_1 = vector.load %arg1[%get3A, %get3A_0] : memref<1000x256xf32, #tpu.memory_space<vmem>>, vector<1000x256xf32>
    %get3A_2 = arith.constant 0 : index
    %get3A_3 = arith.constant 0 : index
    %get3A_4 = vector.load %arg2[%get3A_2, %get3A_3] : memref<256x256xf32, #tpu.memory_space<vmem>>, vector<256x256xf32>
    %dot_general3A = arith.constant dense<0.000000e+00> : vector<1000x256xf32>
    %dot_general3A_5 = tpu.matmul %get3A_1, %get3A_4, %dot_general3A {dimension_numbers = #tpu.dot_dimension_numbers<[1], [1], [0], [0], [0, 0, 1, 0], [], []>, transpose_lhs_hint = false} : vector<1000x256xf32>, vector<256x256xf32>, vector<1000x256xf32> -> vector<1000x256xf32>
    %get3A_6 = arith.constant 0 : index
    %get3A_7 = arith.constant 0 : index
    %get3A_8 = vector.load %arg3[%get3A_6, %get3A_7] : memref<256x256xf32, #tpu.memory_space<vmem>>, vector<256x256xf32>
    %dot_general3A_9 = arith.constant dense<0.000000e+00> : vector<1000x256xf32>
    %dot_general3A_10 = tpu.matmul %get3A_1, %get3A_8, %dot_general3A_9 {dimension_numbers = #tpu.dot_dimension_numbers<[1], [1], [0], [0], [0, 0, 1, 0], [], []>, transpose_lhs_hint = false} : vector<1000x256xf32>, vector<256x256xf32>, vector<1000x256xf32> -> vector<1000x256xf32>
    %get3A_11 = arith.constant 0 : index
    %get3A_12 = arith.constant 0 : index
    %get3A_13 = vector.load %arg4[%get3A_11, %get3A_12] : memref<1x256xf32, #tpu.memory_space<vmem>>, vector<1x256xf32>
    %add3A = vector.broadcast %get3A_13 : vector<1x256xf32> to vector<1000x256xf32>
    %add3A_14 = arith.addf %dot_general3A_10, %add3A : vector<1000x256xf32>
    %slice3A = vector.extract_strided_slice %dot_general3A_5 {offsets = [0, 0], sizes = [1000, 128], strides = [1, 1]} : vector<1000x256xf32> to vector<1000x128xf32>
    %swap3A = arith.constant 0 : index
    %swap3A_15 = arith.constant 0 : index
    %swap3A_16 = arith.constant 0 : index
    %swap3A_17 = vector.load %arg5[%swap3A, %swap3A_15, %swap3A_16] : memref<2x1000x128xf32, #tpu.memory_space<vmem>>, vector<1x1000x128xf32>
    %swap3A_18 = vector.shape_cast %swap3A_17 : vector<1x1000x128xf32> to vector<1000x128xf32>
    %swap3A_19 = vector.shape_cast %slice3A : vector<1000x128xf32> to vector<1x1000x128xf32>
    tpu.vector_store %arg5[%swap3A, %swap3A_15, %swap3A_16], %swap3A_19 {strides = array<i32>} : memref<2x1000x128xf32, #tpu.memory_space<vmem>>, vector<1x1000x128xf32>,
    %slice3A_20 = vector.extract_strided_slice %dot_general3A_5 {offsets = [0, 128], sizes = [1000, 128], strides = [1, 1]} : vector<1000x256xf32> to vector<1000x128xf32>
    %swap3A_21 = arith.constant 1 : index
    %swap3A_22 = arith.constant 0 : index
    %swap3A_23 = arith.constant 0 : index
    %swap3A_24 = vector.load %arg5[%swap3A_21, %swap3A_22, %swap3A_23] : memref<2x1000x128xf32, #tpu.memory_space<vmem>>, vector<1x1000x128xf32>
    %swap3A_25 = vector.shape_cast %swap3A_24 : vector<1x1000x128xf32> to vector<1000x128xf32>
    %swap3A_26 = vector.shape_cast %slice3A_20 : vector<1000x128xf32> to vector<1x1000x128xf32>
    tpu.vector_store %arg5[%swap3A_21, %swap3A_22, %swap3A_23], %swap3A_26 {strides = array<i32>} : memref<2x1000x128xf32, #tpu.memory_space<vmem>>, vector<1x1000x128xf32>,
    %slice3A_27 = vector.extract_strided_slice %add3A_14 {offsets = [0, 0], sizes = [1000, 128], strides = [1, 1]} : vector<1000x256xf32> to vector<1000x128xf32>
    %swap3A_28 = arith.constant 0 : index
    %swap3A_29 = arith.constant 0 : index
    %swap3A_30 = arith.constant 0 : index
    %swap3A_31 = vector.load %arg6[%swap3A_28, %swap3A_29, %swap3A_30] : memref<2x1000x128xf32, #tpu.memory_space<vmem>>, vector<1x1000x128xf32>
    %swap3A_32 = vector.shape_cast %swap3A_31 : vector<1x1000x128xf32> to vector<1000x128xf32>
    %swap3A_33 = vector.shape_cast %slice3A_27 : vector<1000x128xf32> to vector<1x1000x128xf32>
    tpu.vector_store %arg6[%swap3A_28, %swap3A_29, %swap3A_30], %swap3A_33 {strides = array<i32>} : memref<2x1000x128xf32, #tpu.memory_space<vmem>>, vector<1x1000x128xf32>,
    %slice3A_34 = vector.extract_strided_slice %add3A_14 {offsets = [0, 128], sizes = [1000, 128], strides = [1, 1]} : vector<1000x256xf32> to vector<1000x128xf32>
    %swap3A_35 = arith.constant 1 : index
    %swap3A_36 = arith.constant 0 : index
    %swap3A_37 = arith.constant 0 : index
    %swap3A_38 = vector.load %arg6[%swap3A_35, %swap3A_36, %swap3A_37] : memref<2x1000x128xf32, #tpu.memory_space<vmem>>, vector<1x1000x128xf32>
    %swap3A_39 = vector.shape_cast %swap3A_38 : vector<1x1000x128xf32> to vector<1000x128xf32>
    %swap3A_40 = vector.shape_cast %slice3A_34 : vector<1000x128xf32> to vector<1x1000x128xf32>
    tpu.vector_store %arg6[%swap3A_35, %swap3A_36, %swap3A_37], %swap3A_40 {strides = array<i32>} : memref<2x1000x128xf32, #tpu.memory_space<vmem>>, vector<1x1000x128xf32>,
    return
  }
  func.func @transform_0(%arg0: i32) -> (i32, i32) {
    %c0_i32 = arith.constant 0 : i32
    %c0_i32_0 = arith.constant 0 : i32
    return %arg0, %c0_i32 : i32, i32
  }
  func.func @transform_1(%arg0: i32) -> (i32, i32) {
    %c0_i32 = arith.constant 0 : i32
    %c0_i32_0 = arith.constant 0 : i32
    %c0_i32_1 = arith.constant 0 : i32
    return %c0_i32, %c0_i32_0 : i32, i32
  }
  func.func @transform_2(%arg0: i32) -> (i32, i32) {
    %c0_i32 = arith.constant 0 : i32
    %c0_i32_0 = arith.constant 0 : i32
    %c0_i32_1 = arith.constant 0 : i32
    return %c0_i32, %c0_i32_0 : i32, i32
  }
  func.func @transform_3(%arg0: i32) -> (i32, i32) {
    %c0_i32 = arith.constant 0 : i32
    %c0_i32_0 = arith.constant 0 : i32
    %c0_i32_1 = arith.constant 0 : i32
    return %c0_i32, %c0_i32_0 : i32, i32
  }
  func.func @transform_4(%arg0: i32) -> (i32, i32, i32) {
    %c0_i32 = arith.constant 0 : i32
    %c0_i32_0 = arith.constant 0 : i32
    %c0_i32_1 = arith.constant 0 : i32
    return %c0_i32, %arg0, %c0_i32_0 : i32, i32, i32
  }
  func.func @transform_5(%arg0: i32) -> (i32, i32, i32) {
    %c0_i32 = arith.constant 0 : i32
    %c0_i32_0 = arith.constant 0 : i32
    %c0_i32_1 = arith.constant 0 : i32
    return %c0_i32, %arg0, %c0_i32_0 : i32, i32, i32
  }
}

</mosaic_0001>

<sc_bundles>
// kernel: kernel.4.cloned.1.call-start
scs
__scs_entry_jumppad:
0x0: {  	(pc) =	sbr.rel $0x88, $3  }
0x1: {  	(tag) =	ssettag $0x0;
	lr =	simm.s32 $0x1  }
0x2: {  	[smem:$0x3F9C] =	sst lr;
	_ =	strace $0xD0000000  }
0x3: {  	_ = 	snop  }
0x4: {  	_ = 	snop  }
0x5: {  	_ = 	snop  }
0x6: {  	_ = 	snop  }
0x7: {  	_ = 	snop  }
__scs_overlays_trampoline_lowered:
0x8: {  	[smem:$0x3FAB] =	sst s0  }
0x9: {  	[smem:$0x3FAC] =	sst s1  }
0xa: {  	[smem:$0x3FAD] =	sst s2  }
0xb: {  	[smem:$0x3FAE] =	sst s3  }
0xc: {  	[smem:$0x3FAF] =	sst s4  }
0xd: {  	[smem:$0x3FB0] =	sst s5  }
0xe: {  	[smem:$0x3FB1] =	sst s6  }
0xf: {  	[smem:$0x3FB2] =	sst s7  }
0x10: {  	[smem:$0x3FB3] =	sst s8  }
0x11: {  	[smem:$0x3FB4] =	sst s9;
	s0 =	simm.s32 @!p0 $0x0  }
0x12: {  	s1 =	sld [smem:$0x3F9A];
	s0 =	simm.s32 @p0 $0x1  }
0x13: {  	[smem:$0x3FB5] =	sst s0;
	s0 =	simm.s32 @!p1 $0x0  }
0x14: {  	s2 =	sld [smem:$0x3F99];
	s0 =	simm.s32 @p1 $0x1  }
0x15: {  	[smem:$0x3FB6] =	sst s0;
	s0 =	simm.s32 @!p2 $0x0  }
0x16: {  	s3 =	sld [smem:$0x3FDB];
	s0 =	simm.s32 @p2 $0x1  }
0x17: {  	s4 =	simm.s32 $0x1BF5;
	[smem:$0x3FB8] =	sst s0  }
0x18: {  	s0 =	sld [smem:$0x3F9B];
	_ =	swait.ge [sflag:s4], $0x0  }
0x19: {  	s7 =	sld [smem:$0x3F9C]  }
0x1a: {  	s8 =	sadd.s32 $0xFFFFE003, lr  }
0x1b: {  	s9 =	sadd.s32 $0xFFFFFEF7, lr;
	s5 =	simm.s32 $0xFFFFFFFF;
	p2 =	slt.u32 s8, $0xFFFFF086  }
0x1c: {  	p1 =	slt.u32 s9, $0xF7A;
	s5 =	simm.s32 @!p2 $0x0  }
0x1d: {  	s5 =	simm.s32 @p1 $0x1;
	p0 =	seq.s32 s7, s2  }
0x1e: {  	s7 =	smul.u32 @!p0 $0xF7A, s2;
	p2 =	seq.s32 @!p0 s5, $0x0  }
0x1f: {  	s9 =	smul.u32 $0xF7A, s1;
	s8 =	simm.s32 @!p0 $0x1BF5;
	p2 =	por !p2, p0  }
0x20: {  	[sflag:s8] =	ssyncset.s32 @!p0 $0xFFFFF086;
	s6 =	sadd.s32 @!p0 s3, s7;
	s7 =	simm.s32 @!p0 $0x108  }
0x21: {  	s3 =	sadd.s32 s3, s9;
	s6 =	sadd.s32 @!p0 $0x88, s6;
	s7 =	simm.s32 @p2 $0x1082  }
0x22: {  	[simem:s7], [sflag:s8] =	dma.local @!p0 [hbm:s6], $0xF7A  }
0x23: {  	s9 =	sor.u32 $0xD0000000, s2;
	s6 =	simm.s32 $0x108;
	_ =	swait.ge @!p0 [sflag:s8], $0x0  }
0x24: {  	s3 =	sadd.s32 $0x88, s3;
	s6 =	simm.s32 @!p1 $0x1082;
	[sflag:s4] =	ssyncset.s32 $0xFFFFF086  }
0x25: {  	[simem:s6], [sflag:s4] =	dma.local [hbm:s3], $0xF7A  }
0x26: {  	[smem:$0x3F9C] =	sst s1;
	(tag) =	ssettag s2;
	_ =	strace s9  }
0x27: {  	s1 =	sld [smem:$0x3FAC]  }
0x28: {  	s2 =	sld [smem:$0x3FAD]  }
0x29: {  	s4 =	sld [smem:$0x3FAF]  }
0x2a: {  	p0 =	seq.s32 s5, $0x0;
	s5 =	sld [smem:$0x3FB0]  }
0x2b: {  	s6 =	sld [smem:$0x3FB1]  }
0x2c: {  	s7 =	sld [smem:$0x3FB2]  }
0x2d: {  	s3 =	simm.s32 $0x108;
	s8 =	sld [smem:$0x3FB3]  }
0x2e: {  	s3 =	simm.s32 @!p0 $0x1082;
	s9 =	sld [smem:$0x3FB4]  }
0x2f: {  	lr =	sadd.s32 s0, s3;
	s0 =	sld [smem:$0x3FAB]  }
0x30: {  	s3 =	sld [smem:$0x3FAE]  }
0x31: {  	[smem:$0x3FB7] =	sst s10  }
0x32: {  	s10 =	sld [smem:$0x3FB5];
	_ =	sdelay $0x3  }
0x33: {  	p0 =	seq.s32 s10, $0x1;
	s10 =	sld [smem:$0x3FB7];
	_ =	sdelay $0x3  }
0x34: {  	[smem:$0x3FB7] =	sst s10  }
0x35: {  	s10 =	sld [smem:$0x3FB6];
	_ =	sdelay $0x3  }
0x36: {  	p1 =	seq.s32 s10, $0x1;
	s10 =	sld [smem:$0x3FB7];
	_ =	sdelay $0x3  }
0x37: {  	[smem:$0x3FB7] =	sst s10  }
0x38: {  	s10 =	sld [smem:$0x3FB8]  }
0x39: {  	_ = 	snop;
	(pc) =	sbr.ind lr, $3  }
0x3a: {  	_ = 	snop  }
0x3b: {  	_ = 	snop  }
0x3c: {  	p2 =	seq.s32 s10, $0x1;
	s10 =	sld [smem:$0x3FB7]  }
0x3d: {  	_ =	shalt  }
0x3e: {  	_ =	shalt  }
0x3f: {  	_ =	shalt  }
0x40: {  	_ =	shalt  }
0x41: {  	_ =	shalt  }
0x42: {  	_ =	shalt  }
0x43: {  	_ =	shalt  }
0x44: {  	_ =	shalt  }
0x45: {  	_ =	shalt  }
0x46: {  	_ =	shalt  }
0x47: {  	_ =	shalt  }
0x48: {  	_ =	shalt  }
0x49: {  	_ =	shalt  }
0x4a: {  	_ =	shalt  }
0x4b: {  	_ =	shalt  }
0x4c: {  	_ =	shalt  }
0x4d: {  	_ =	shalt  }
0x4e: {  	_ =	shalt  }
0x4f: {  	_ =	shalt  }
0x50: {  	_ =	shalt  }
0x51: {  	_ =	shalt  }
0x52: {  	_ =	shalt  }
0x53: {  	_ =	shalt  }
0x54: {  	_ =	shalt  }
0x55: {  	_ =	shalt  }
0x56: {  	_ =	shalt  }
0x57: {  	_ =	shalt  }
0x58: {  	_ =	shalt  }
0x59: {  	_ =	shalt  }
0x5a: {  	_ =	shalt  }
0x5b: {  	_ =	shalt  }
0x5c: {  	_ =	shalt  }
0x5d: {  	_ =	shalt  }
0x5e: {  	_ =	shalt  }
0x5f: {  	_ =	shalt  }
0x60: {  	_ =	shalt  }
0x61: {  	_ =	shalt  }
0x62: {  	_ =	shalt  }
0x63: {  	_ =	shalt  }
0x64: {  	_ =	shalt  }
0x65: {  	_ =	shalt  }
0x66: {  	_ =	shalt  }
0x67: {  	_ =	shalt  }
0x68: {  	_ =	shalt  }
0x69: {  	_ =	shalt  }
0x6a: {  	_ =	shalt  }
0x6b: {  	_ =	shalt  }
0x6c: {  	_ =	shalt  }
0x6d: {  	_ =	shalt  }
0x6e: {  	_ =	shalt  }
0x6f: {  	_ =	shalt  }
0x70: {  	_ =	shalt  }
0x71: {  	_ =	shalt  }
0x72: {  	_ =	shalt  }
0x73: {  	_ =	shalt  }
0x74: {  	_ =	shalt  }
0x75: {  	_ =	shalt  }
0x76: {  	_ =	shalt  }
0x77: {  	_ =	shalt  }
0x78: {  	_ =	shalt  }
0x79: {  	_ =	shalt  }
0x7a: {  	_ =	shalt  }
0x7b: {  	_ =	shalt  }
0x7c: {  	_ =	shalt  }
0x7d: {  	_ =	shalt  }
0x7e: {  	_ =	shalt  }
0x7f: {  	_ =	shalt  }
0x80: {  	_ =	shalt  }
0x81: {  	_ =	shalt  }
0x82: {  	_ =	shalt  }
0x83: {  	_ =	shalt  }
0x84: {  	_ =	shalt  }
0x85: {  	_ =	shalt  }
0x86: {  	_ =	shalt  }
0x87: {  	_ =	shalt  }
.Lfunc_end0:
.L_simem_size_0:
called_computation_lowered:
.L_overlay_start_0:
0x88: {  	s2 =	sld [smem:$0x3FD9]  }
0x89: {  	s3 =	sld [smem:$0x3FFE];
	_ =	sdelay $0x1  }
0x8a: {  	s1 =	srdreg.scid  }
0x8b: {  	s0 =	sand.u32 $0x1, s1  }
0x8c: {  	s17 =	sshll.u32 s0, $0xA;
	s2 =	sadd.s32 s3, s2  }
0x8d: {  	s2 =	sadd.s32 s2, s17  }
0x8e: {  	[smem:$0x3FC3] =	sst s2  }
0x8f: {  	_ = 	snop  }
0x90: {  	s2 =	sld [smem:$0x3FD0];
	(tm) =	ssettm $0x1  }
0x91: {  	s18 =	sld [smem:$0x3FFB];
	_ =	sdelay $0x3  }
0x92: {  	_ =	strace s18  }
0x93: {  	s3 =	sld [smem:$0x3FFC];
	_ =	sdelay $0x3  }
0x94: {  	_ =	strace s3  }
0x95: {  	s3 =	sld [smem:$0x3FFD];
	_ =	sdelay $0x3  }
0x96: {  	_ =	strace s3  }
0x97: {  	_ =	strace $0x8FFFFFFF  }
0x98: {  	s19 =	sld [smem:$0x3FDB];
	_ =	sdelay $0x1  }
0x99: {  	s4 =	simm.s32 $_scs_section_size  }
0x9a: {  	s5 =	simm.s32 $_size__tile_overlayer_lowered;
	s6 =	simm.s32 $_tile_overlayer_lowered  }
0x9b: {  	s22 =	simm.s32 $0x1BFF;
	s21 =	sshll.u32 s6, $0x1;
	s3 =	sadd.s32 s4, s19  }
0x9c: {  	s7 =	simm.s32 $0x0;
	s20 =	sshll.u32 s5, $0x1;
	s5 =	sadd.s32 s21, s3  }
0x9d: {  	[timem:s7], [sflag:s22] =	dma.local [hbm:s5], s20  }
0x9e: {  	_ =	swait.ge [sflag:s22], s20  }
0x9f: {  	s4 =	ssub.s32 $0x0, s20;
	[sflag:s22] =	ssyncset.done $0x0  }
0xa0: {  	[sflag:s22] =	ssyncadd.s32 s4;
	_ =	sdelay $0x1  }
0xa1: {  	s23 =	simm.s32 $0x1B8B  }
0xa2: {  	_ =	swait.ge [sflag:s23], $0x1  }
0xa3: {  	[sflag:s23] =	ssyncset.done $0x0  }
0xa4: {  	s25 =	simm.s32 $0x1B8E;
	s24 =	sld [smem:$0x3FFE];
	[sflag:s23] =	ssyncadd.s32 $0xFFFFFFFF  }
0xa5: {  	s26 =	simm.s32 $execute0_lowered;
	[smem:$0x3FD2] =	sst s25  }
0xa6: {  	s5 =	sshll.u32 s26, $0x1;
	_ =	strace $0x80000046;
	[dreg:$0x1] =	wrdreg $0xFFFFFFFF  }
0xa7: {  	s28 =	simm.s32 $_size_execute0_lowered;
	s3 =	sadd.s32 s3, s5;
	[dreg:$0x0] =	wrdreg $0x0  }
0xa8: {  	s5 =	sshll.u32 s28, $0x1;
	[dreg:$0x2] =	wrdreg s3  }
0xa9: {  	[dreg:$0x3] =	wrdreg s5  }
0xaa: {  	[dreg:$0x4] =	wrdreg $0xC0  }
0xab: {  	_ =	task [dreg:s7], $0x5FFFF  }
0xac: {  	[dreg:$0x1] =	wrdreg $0xFFFFFFFF  }
0xad: {  	[dreg:$0x0] =	wrdreg $0x60  }
0xae: {  	[dreg:$0x2] =	wrdreg s24  }
0xaf: {  	[dreg:$0x3] =	wrdreg s2  }
0xb0: {  	[dreg:$0x4] =	wrdreg $0x90000  }
0xb1: {  	[dreg:$0x5] =	wrdreg $0x9  }
0xb2: {  	_ =	task.clear_ibuf [dreg:s7], $0x6FFFF;
	_ =	strace $0x90000046  }
0xb3: {  	s29 =	simm.s32 $0x9;
	_ =	strace $0x80000048  }
0xb4: {  	_ =	swait.ge [sflag:s29], $0x1  }
0xb5: {  	[sflag:s29] =	ssyncadd.s32 $0xFFFFFFFF  }
0xb6: {  	_ =	strace $0x90000048  }
0xb7: {  	_ =	sfence  }
0xb8: {  	s30 =	sld [smem:$0x0];
	_ =	sdelay $0x2  }
0xb9: {  	s31 =	sshll.u32 s1, $0xD;
	s1 =	sshrl.u32 s1, $0x2  }
0xba: {  	s3 =	sand.u32 $0x4000, s31;
	s1 =	sadd.s32 s1, s30  }
0xbb: {  	s0 =	sor.u32 s3, s0;
	s1 =	sshll.u32 s1, $0x11  }
0xbc: {  	s0 =	sor.u32 s1, s0  }
0xbd: {  	s0 =	sadd.s32 $0x8F2B, s0  }
0xbe: {  	[sflag:s0] =	ssyncadd.remote.s32 $0x1  }
0xbf: {  	_ =	sfence.sel $0xFFFF  }
0xc0: {  	[dreg:$0x0] =	wrdreg $0xFFFFFFFF;
	(pc) =	sbr.abs _section_cstart, $3  }
0xc1: {  	[dreg:$0x1] =	wrdreg $0xFFFFFFFF  }
0xc2: {  	_ =	task.clear_ibuf [dreg:s7], $0x2FFFF;
	_ =	strace $0x9FFFFFFF  }
0xc3: {  	(tm) =	ssettm $0x7FFFFFFF  }
tec
execute0_lowered:
.L_overlay_start_1:
0x0: {  	(tag) =	ssettag $0x1  }
0x1: {  	s4 =	rddreg [dreg:$0x0]  }
0x2: {  	s0 =	rddreg [dreg:$0x1]  }
0x3: {  	s1 =	rddreg [dreg:$0x2];
	s3 =	simm.s32 $0x0  }
0x4: {  	s11 =	simm.s32 $0xC0;
	[smem:$0x7FF] =	sst s3  }
0x5: {  	s14 =	simm.s32 $0x100;
	_ =	strace $0x80000047;
	[dreg:$0x4] =	wrdreg s11  }
0x6: {  	s15 =	simm.s32 $0x140;
	[dreg:$0x5] =	wrdreg s14  }
0x7: {  	s17 =	simm.s32 $0x480;
	[dreg:$0x6] =	wrdreg s15  }
0x8: {  	s18 =	simm.s32 $0x180;
	[dreg:$0x7] =	wrdreg s17  }
0x9: {  	s2 =	srdreg.scid;
	s19 =	simm.s32 $0x1C0;
	[dreg:$0x8] =	wrdreg s18  }
0xa: {  	s13 =	stileid.u32;
	s20 =	simm.s32 $0x500;
	[dreg:$0x9] =	wrdreg s19  }
0xb: {  	s21 =	simm.s32 $0x240;
	s22 =	simm.s32 $0x580;
	[dreg:$0xa] =	wrdreg s20  }
0xc: {  	s23 =	simm.s32 $0x280;
	s24 =	simm.s32 $0x2C0;
	[dreg:$0xc] =	wrdreg s21  }
0xd: {  	s25 =	simm.s32 $0x600;
	s26 =	simm.s32 $0x300;
	[dreg:$0xd] =	wrdreg s22  }
0xe: {  	s28 =	simm.s32 $0x5;
	s29 =	simm.s32 $0x3;
	[dreg:$0xe] =	wrdreg s23  }
0xf: {  	s30 =	simm.s32 $0x4;
	s31 =	simm.s32 $0x6;
	[dreg:$0xf] =	wrdreg s24  }
0x10: {  	s2 =	sand.u32 $0x1, s2;
	s6 =	smul.u32 $0x500, s13;
	[dreg:$0x10] =	wrdreg s25  }
0x11: {  	s7 =	sadd.s32 $0x58C00, s4;
	[dreg:$0x11] =	wrdreg s26;
	s14 =	simm.s32 $0x380  }
0x12: {  	p0 =	seq.s32 s13, $0xF;
	s15 =	simm.s32 $0x3C0;
	[dreg:$0x14] =	wrdreg s14  }
0x13: {  	s5 =	smul.u32 $0x27100, s2;
	s17 =	simm.s32 $0x700;
	[dreg:$0x15] =	wrdreg s15  }
0x14: {  	s10 =	ssub.s32 $0x2, s2;
	s19 =	simm.s32 $0x780;
	[dreg:$0x16] =	wrdreg s17  }
0x15: {  	s16 =	smul.u32 $0x138800, s2;
	s20 =	simm.s32 $0x840;
	[dreg:$0x17] =	wrdreg s19  }
0x16: {  	s11 =	smul.u32 $0x50000, s13;
	s21 =	simm.s32 $0x880;
	[dreg:$0x18] =	wrdreg s20  }
0x17: {  	s18 =	sshll.u32 s2, $0xA;
	s23 =	simm.s32 $0x8C0;
	[dreg:$0x19] =	wrdreg s21  }
0x18: {  	s2 =	sshll.u32 s2, $0x7;
	s24 =	simm.s32 $0x900;
	[dreg:$0x1a] =	wrdreg s23  }
0x19: {  	s25 =	simm.s32 $0x940;
	s26 =	simm.s32 $0xC80;
	[dreg:$0x1b] =	wrdreg s24  }
0x1a: {  	s9 =	sadd.s32 s6, s4;
	s12 =	sshrl.u32 s10, $0x1;
	[dreg:$0x1c] =	wrdreg s25  }
0x1b: {  	[dreg:$0x1d] =	wrdreg s26;
	s14 =	simm.s32 $0xA00;
	s15 =	simm.s32 $0xA40  }
0x1c: {  	s17 =	simm.s32 $0xA80;
	s19 =	simm.s32 $0xE00;
	s20 =	simm.s32 $0xB00  }
0x1d: {  	s21 =	simm.s32 $0xB40;
	s23 =	simm.s32 $0xB80;
	[smem:$0x7F1] =	sst s14  }
0x1e: {  	s24 =	simm.s32 $0xBC0;
	s25 =	simm.s32 $0xF00;
	[smem:$0x7F2] =	sst s15  }
0x1f: {  	s26 =	simm.s32 $0xF80;
	s8 =	sadd.s32 s5, s4;
	[smem:$0x7F4] =	sst s17  }
0x20: {  	s4 =	ssub.s32 s10, s12;
	s10 =	smul.u32 $0x14000, s13;
	[smem:$0x7F6] =	sst s19  }
0x21: {  	s11 =	sshrl.u32 s11, $0x2;
	s12 =	simm.s32 $0x200;
	[smem:$0x7F7] =	sst s20  }
0x22: {  	s6 =	sshrl.u32 s16, $0x3;
	s15 =	simm.s32 $0x400;
	[smem:$0x7F8] =	sst s21  }
0x23: {  	s17 =	simm.s32 $0x800;
	s19 =	simm.s32 $0x40;
	[smem:$0x7FA] =	sst s23  }
0x24: {  	s20 =	simm.s32 $0x1000;
	s21 =	simm.s32 $0x3000;
	[smem:$0x7FB] =	sst s24  }
0x25: {  	s23 =	simm.s32 $0x5000;
	s24 =	simm.s32 $0x7000;
	[smem:$0x7FC] =	sst s25  }
0x26: {  	[smem:$0x7FD] =	sst s26;
	s25 =	simm.s32 $0x1;
	s26 =	simm.s32 $0x2  }
0x27: {  	s5 =	sadd.s32 s11, s1;
	[dreg:$0xb] =	wrdreg s12;
	s12 =	sadd.s32 $0x12C000, s1  }
0x28: {  	s6 =	sadd.s32 s7, s6;
	s11 =	simm.s32 $0x680;
	s8 =	sadd.s32 $0xAA00, s8  }
0x29: {  	s4 =	smax.u32 s4, $0x1;
	s10 =	sadd.s32 s10, s16;
	[dreg:$0x13] =	wrdreg s11  }
0x2a: {  	s6 =	sadd.s32 $0x25800, s6;
	s16 =	smul.u32 $0x28000, s13;
	[smem:$0x7EF] =	sst s4  }
0x2b: {  	s11 =	simm.s32 $0xD00;
	s10 =	sshrl.u32 s10, $0x3;
	[smem:$0x7EC] =	sst s6  }
0x2c: {  	s6 =	sadd.s32 $0x5A00, s9;
	[smem:$0x7F0] =	sst s11;
	s10 =	sadd.s32 s7, s10  }
0x2d: {  	s7 =	sadd.s32 $0xA00, s9;
	s9 =	simm.s32 $0x980;
	[smem:$0x7EB] =	sst s10  }
0x2e: {  	s12 =	sshrl.u32 @p0 s12, $0x3;
	s10 =	simm.s32 $0x340;
	[dreg:$0x1e] =	wrdreg s9  }
0x2f: {  	[dreg:$0x12] =	wrdreg s10;
	s10 =	sor.u32 s18, s16;
	s16 =	simm.s32 $0xD80  }
0x30: {  	s14 =	sshrl.u32 @!p0 s5, $0x3;
	s18 =	simm.s32 $0xAC0;
	[smem:$0x7F3] =	sst s16  }
0x31: {  	s10 =	sshrl.u32 s10, $0x3;
	s16 =	simm.s32 $0x7;
	[smem:$0x7F5] =	sst s18  }
0x32: {  	s18 =	simm.s32 $0xC00;
	s22 =	sadd.s32 s0, s10;
	s0 =	sadd.s32 s2, s0  }
0x33: {  	s10 =	simm.s32 $0x9C0;
	s2 =	sshll.u32 @!p0 s13, $0x6;
	[smem:$0x7ED] =	sst s22  }
0x34: {  	s0 =	sadd.s32 $0x4B000, s0;
	[dreg:$0x1f] =	wrdreg s10;
	s13 =	sor.u32 @!p0 $0x1C09, s2  }
0x35: {  	s22 =	simm.s32 $0xE80;
	s2 =	simm.s32 $0x0;
	[smem:$0x7EE] =	sst s0  }
0x36: {  	[smem:$0x7F9] =	sst s22;
	s22 =	simm.s32 $0x80;
	s0 =	simm.s32 $0x8  }
.LBB2_1:
0x37: {  	s5 =	sld [smem:$0x7EC];
	_ =	sdelay $0x1  }
0x38: {  	s4 =	simm.s32 @p0 $0x1FC9  }
0x39: {  	[spmem:s12], [sflag:s4] =	dma.local @p0 [hbm:s5], $0x1900  }
0x3a: {  	s4 =	simm.s32 @p0 $0x9  }
0x3b: {  	_ =	swait.ge @p0 [sflag:s4], $0x1900  }
0x3c: {  	[sflag:s4] =	ssyncset.done @p0 $0x0  }
0x3d: {  	[sflag:s4] =	ssyncadd.s32 @p0 $0xFFFFE700;
	s4 =	sld [smem:$0x7EB];
	_ =	sdelay $0x2  }
0x3e: {  	[spmem:s14], [sflag:s13] =	dma.local @!p0 [hbm:s4], $0x2800  }
0x3f: {  	s4 =	simm.s32 @!p0 $0x9  }
0x40: {  	_ =	swait.ge @!p0 [sflag:s4], $0x2800  }
0x41: {  	[sflag:s4] =	ssyncset.done @!p0 $0x0  }
0x42: {  	[sflag:s4] =	ssyncadd.s32 @!p0 $0xFFFFD800  }
0x43: {  	[bflag:$0x0] =	sbarrier.arrive $0xFFFF  }
0x44: {  	[tilespmem:s3], [sflag:$0x7] =	stream.linear.gather [hbm4b:s6+s3], $0x400, $0x38;
	[tilespmem:$0x1CA00] =	vst v63  }
0x45: {  	_ = 	snop  }
0x46: {  	[tilespmem:s15], [sflag:$0x7] =	stream.linear.gather [hbm4b:s7+s3], $0x400, $0x38;
	[tilespmem:$0x1CA00] =	vst v63  }
0x47: {  	_ =	swait.ge [sflag:s16], $0x400  }
0x48: {  	[sflag:s16] =	ssyncset.done $0x0  }
0x49: {  	[sflag:s16] =	ssyncadd.s32 $0xFFFFFC00  }
0x4a: {  	_ =	swait.ge [sflag:s16], $0x400  }
0x4b: {  	s10 =	sadd.s32 $0x0, s6;
	[sflag:s16] =	ssyncset.done $0x0  }
0x4c: {  	s11 =	sadd.s32 $0x0, s7;
	s4 =	sadd.s32 $0x80, s10;
	[sflag:s16] =	ssyncadd.s32 $0xFFFFFC00  }
0x4d: {  	[tilespmem:s17], [sflag:$0x8] =	stream.linear.gather [hbm4b:s4+s3], $0x400, $0x38;
	[tilespmem:$0x1CA00] =	vst v63  }
0x4e: {  	s5 =	sadd.s32 $0x80, s11  }
0x4f: {  	[tilespmem:s18], [sflag:$0x8] =	stream.linear.gather [hbm4b:s5+s3], $0x400, $0x38;
	[tilespmem:$0x1CA00] =	vst v63  }
0x50: {  	_ = 	snop  }
0x51: {  	[tilespmem:s20], [sflag:$0x1] =	stream.indirect.gather [hbm4b:s8+s19], $0x80, s3, s19, $0xb8;
	[tilespmem:$0x1CA00] =	vst v63  }
0x52: {  	_ = 	snop  }
0x53: {  	[tilespmem:s21], [sflag:$0x2] =	stream.indirect.gather [hbm4b:s8+s19], $0x80, s19, s19, $0xb8;
	[tilespmem:$0x1CA00] =	vst v63  }
0x54: {  	_ = 	snop  }
0x55: {  	[tilespmem:s23], [sflag:$0x3] =	stream.indirect.gather [hbm4b:s8+s19], $0x80, s22, s19, $0xb8;
	[tilespmem:$0x1CA00] =	vst v63  }
0x56: {  	s9 =	rddreg [dreg:$0x4]  }
0x57: {  	[tilespmem:s24], [sflag:$0x4] =	stream.indirect.gather [hbm4b:s8+s19], $0x80, s9, s19, $0xb8;
	[tilespmem:$0x1CA00] =	vst v63  }
0x58: {  	_ =	swait.ge [sflag:s25], $0x2000  }
0x59: {  	[sflag:s25] =	ssyncset.done $0x0  }
0x5a: {  	[sflag:s25] =	ssyncadd.s32 $0xFFFFE000  }
0x5b: {  	_ =	swait.ge [sflag:s26], $0x2000  }
0x5c: {  	[sflag:s26] =	ssyncset.done $0x0  }
0x5d: {  	[sflag:s26] =	ssyncadd.s32 $0xFFFFE000  }
0x5e: {  	[spmem:s1] =	stream.indirect.scatter.add.f32 [tilespmem:s20], [sflag:$0x5], $0x80, s15, s22, $0xb8;
	[tilespmem:$0x1CA00] =	vst v63  }
0x5f: {  	_ =	swait.ge [sflag:s28], $0x4000  }
0x60: {  	[sflag:s28] =	ssyncset.done $0x0  }
0x61: {  	s10 =	rddreg [dreg:$0x5];
	[sflag:s28] =	ssyncadd.s32 $0xFFFFC000  }
0x62: {  	[tilespmem:s20], [sflag:$0x1] =	stream.indirect.gather [hbm4b:s8+s19], $0x80, s10, s19, $0xb8;
	[tilespmem:$0x1CA00] =	vst v63  }
0x63: {  	s11 =	rddreg [dreg:$0x6]  }
0x64: {  	[tilespmem:s21], [sflag:$0x2] =	stream.indirect.gather [hbm4b:s8+s19], $0x80, s11, s19, $0xb8;
	[tilespmem:$0x1CA00] =	vst v63  }
0x65: {  	_ =	swait.ge [sflag:s29], $0x2000  }
0x66: {  	[sflag:s29] =	ssyncset.done $0x0  }
0x67: {  	[sflag:s29] =	ssyncadd.s32 $0xFFFFE000  }
0x68: {  	_ =	swait.ge [sflag:s30], $0x2000  }
0x69: {  	[sflag:s30] =	ssyncset.done $0x0  }
0x6a: {  	s9 =	rddreg [dreg:$0x7];
	[sflag:s30] =	ssyncadd.s32 $0xFFFFE000  }
0x6b: {  	[spmem:s1] =	stream.indirect.scatter.add.f32 [tilespmem:s23], [sflag:$0x6], $0x80, s9, s22, $0xb8;
	[tilespmem:$0x1CA00] =	vst v63  }
0x6c: {  	_ =	swait.ge [sflag:s31], $0x4000  }
0x6d: {  	[sflag:s31] =	ssyncset.done $0x0  }
0x6e: {  	s10 =	rddreg [dreg:$0x8];
	[sflag:s31] =	ssyncadd.s32 $0xFFFFC000  }
0x6f: {  	[tilespmem:s23], [sflag:$0x3] =	stream.indirect.gather [hbm4b:s8+s19], $0x80, s10, s19, $0xb8;
	[tilespmem:$0x1CA00] =	vst v63  }
0x70: {  	s11 =	rddreg [dreg:$0x9]  }
0x71: {  	[tilespmem:s24], [sflag:$0x4] =	stream.indirect.gather [hbm4b:s8+s19], $0x80, s11, s19, $0xb8;
	[tilespmem:$0x1CA00] =	vst v63  }
0x72: {  	_ =	swait.ge [sflag:s25], $0x2000  }
0x73: {  	[sflag:s25] =	ssyncset.done $0x0  }
0x74: {  	[sflag:s25] =	ssyncadd.s32 $0xFFFFE000  }
0x75: {  	_ =	swait.ge [sflag:s26], $0x2000  }
0x76: {  	[sflag:s26] =	ssyncset.done $0x0  }
0x77: {  	s9 =	rddreg [dreg:$0xa];
	[sflag:s26] =	ssyncadd.s32 $0xFFFFE000  }
0x78: {  	[spmem:s1] =	stream.indirect.scatter.add.f32 [tilespmem:s20], [sflag:$0x5], $0x80, s9, s22, $0xb8;
	[tilespmem:$0x1CA00] =	vst v63  }
0x79: {  	_ =	swait.ge [sflag:s28], $0x4000  }
0x7a: {  	[sflag:s28] =	ssyncset.done $0x0  }
0x7b: {  	s10 =	rddreg [dreg:$0xb];
	[sflag:s28] =	ssyncadd.s32 $0xFFFFC000  }
0x7c: {  	[tilespmem:s20], [sflag:$0x1] =	stream.indirect.gather [hbm4b:s8+s19], $0x80, s10, s19, $0xb8;
	[tilespmem:$0x1CA00] =	vst v63  }
0x7d: {  	s11 =	rddreg [dreg:$0xc]  }
0x7e: {  	[tilespmem:s21], [sflag:$0x2] =	stream.indirect.gather [hbm4b:s8+s19], $0x80, s11, s19, $0xb8;
	[tilespmem:$0x1CA00] =	vst v63  }
0x7f: {  	_ =	swait.ge [sflag:s29], $0x2000  }
0x80: {  	[sflag:s29] =	ssyncset.done $0x0  }
0x81: {  	[sflag:s29] =	ssyncadd.s32 $0xFFFFE000  }
0x82: {  	_ =	swait.ge [sflag:s30], $0x2000  }
0x83: {  	[sflag:s30] =	ssyncset.done $0x0  }
0x84: {  	s9 =	rddreg [dreg:$0xd];
	[sflag:s30] =	ssyncadd.s32 $0xFFFFE000  }
0x85: {  	[spmem:s1] =	stream.indirect.scatter.add.f32 [tilespmem:s23], [sflag:$0x6], $0x80, s9, s22, $0xb8;
	[tilespmem:$0x1CA00] =	vst v63  }
0x86: {  	_ =	swait.ge [sflag:s31], $0x4000  }
0x87: {  	[sflag:s31] =	ssyncset.done $0x0  }
0x88: {  	s10 =	rddreg [dreg:$0xe];
	[sflag:s31] =	ssyncadd.s32 $0xFFFFC000  }
0x89: {  	[tilespmem:s23], [sflag:$0x3] =	stream.indirect.gather [hbm4b:s8+s19], $0x80, s10, s19, $0xb8;
	[tilespmem:$0x1CA00] =	vst v63  }
0x8a: {  	s11 =	rddreg [dreg:$0xf]  }
0x8b: {  	[tilespmem:s24], [sflag:$0x4] =	stream.indirect.gather [hbm4b:s8+s19], $0x80, s11, s19, $0xb8;
	[tilespmem:$0x1CA00] =	vst v63  }
0x8c: {  	_ =	swait.ge [sflag:s25], $0x2000  }
0x8d: {  	[sflag:s25] =	ssyncset.done $0x0  }
0x8e: {  	[sflag:s25] =	ssyncadd.s32 $0xFFFFE000  }
0x8f: {  	_ =	swait.ge [sflag:s26], $0x2000  }
0x90: {  	[sflag:s26] =	ssyncset.done $0x0  }
0x91: {  	s9 =	rddreg [dreg:$0x10];
	[sflag:s26] =	ssyncadd.s32 $0xFFFFE000  }
0x92: {  	[spmem:s1] =	stream.indirect.scatter.add.f32 [tilespmem:s20], [sflag:$0x5], $0x80, s9, s22, $0xb8;
	[tilespmem:$0x1CA00] =	vst v63  }
0x93: {  	_ =	swait.ge [sflag:s28], $0x4000  }
0x94: {  	[sflag:s28] =	ssyncset.done $0x0  }
0x95: {  	s10 =	rddreg [dreg:$0x11];
	[sflag:s28] =	ssyncadd.s32 $0xFFFFC000  }
0x96: {  	[tilespmem:s20], [sflag:$0x1] =	stream.indirect.gather [hbm4b:s8+s19], $0x80, s10, s19, $0xb8;
	[tilespmem:$0x1CA00] =	vst v63  }
0x97: {  	s11 =	rddreg [dreg:$0x12]  }
0x98: {  	[tilespmem:s21], [sflag:$0x2] =	stream.indirect.gather [hbm4b:s8+s19], $0x80, s11, s19, $0xb8;
	[tilespmem:$0x1CA00] =	vst v63  }
0x99: {  	_ =	swait.ge [sflag:s29], $0x2000  }
0x9a: {  	[sflag:s29] =	ssyncset.done $0x0  }
0x9b: {  	[sflag:s29] =	ssyncadd.s32 $0xFFFFE000  }
0x9c: {  	_ =	swait.ge [sflag:s30], $0x2000  }
0x9d: {  	[sflag:s30] =	ssyncset.done $0x0  }
0x9e: {  	s9 =	rddreg [dreg:$0x13];
	[sflag:s30] =	ssyncadd.s32 $0xFFFFE000  }
0x9f: {  	[spmem:s1] =	stream.indirect.scatter.add.f32 [tilespmem:s23], [sflag:$0x6], $0x80, s9, s22, $0xb8;
	[tilespmem:$0x1CA00] =	vst v63  }
0xa0: {  	_ =	swait.ge [sflag:s31], $0x4000  }
0xa1: {  	[sflag:s31] =	ssyncset.done $0x0  }
0xa2: {  	s10 =	rddreg [dreg:$0x14];
	[sflag:s31] =	ssyncadd.s32 $0xFFFFC000  }
0xa3: {  	[tilespmem:s23], [sflag:$0x3] =	stream.indirect.gather [hbm4b:s8+s19], $0x80, s10, s19, $0xb8;
	[tilespmem:$0x1CA00] =	vst v63  }
0xa4: {  	s11 =	rddreg [dreg:$0x15]  }
0xa5: {  	[tilespmem:s24], [sflag:$0x4] =	stream.indirect.gather [hbm4b:s8+s19], $0x80, s11, s19, $0xb8;
	[tilespmem:$0x1CA00] =	vst v63  }
0xa6: {  	_ =	swait.ge [sflag:s25], $0x2000  }
0xa7: {  	[sflag:s25] =	ssyncset.done $0x0  }
0xa8: {  	[sflag:s25] =	ssyncadd.s32 $0xFFFFE000  }
0xa9: {  	_ =	swait.ge [sflag:s26], $0x2000  }
0xaa: {  	[sflag:s26] =	ssyncset.done $0x0  }
0xab: {  	s5 =	rddreg [dreg:$0x16];
	[sflag:s26] =	ssyncadd.s32 $0xFFFFE000  }
0xac: {  	[spmem:s1] =	stream.indirect.scatter.add.f32 [tilespmem:s20], [sflag:$0x5], $0x80, s5, s22, $0xb8;
	[tilespmem:$0x1CA00] =	vst v63  }
0xad: {  	_ =	swait.ge [sflag:s29], $0x2000  }
0xae: {  	[sflag:s29] =	ssyncset.done $0x0  }
0xaf: {  	[sflag:s29] =	ssyncadd.s32 $0xFFFFE000  }
0xb0: {  	_ =	swait.ge [sflag:s30], $0x2000  }
0xb1: {  	[sflag:s30] =	ssyncset.done $0x0  }
0xb2: {  	s9 =	rddreg [dreg:$0x17];
	[sflag:s30] =	ssyncadd.s32 $0xFFFFE000  }
0xb3: {  	[spmem:s1] =	stream.indirect.scatter.add.f32 [tilespmem:s23], [sflag:$0x6], $0x80, s9, s22, $0xb8;
	[tilespmem:$0x1CA00] =	vst v63  }
0xb4: {  	_ =	swait.ge [sflag:s28], $0x4000  }
0xb5: {  	[sflag:s28] =	ssyncset.done $0x0  }
0xb6: {  	[sflag:s28] =	ssyncadd.s32 $0xFFFFC000  }
0xb7: {  	_ =	swait.ge [sflag:s31], $0x4000  }
0xb8: {  	[sflag:s31] =	ssyncset.done $0x0  }
0xb9: {  	[sflag:s31] =	ssyncadd.s32 $0xFFFFC000  }
0xba: {  	_ =	swait.ge [sflag:s0], $0x400  }
0xbb: {  	[sflag:s0] =	ssyncset.done $0x0  }
0xbc: {  	p1 =	por $0x0, $0x0;
	[sflag:s0] =	ssyncadd.s32 $0xFFFFFC00  }
0xbd: {  	s4 =	sadd.s32 @!p1 $0x0, s6;
	_ =	swait.ge [sflag:s0], $0x400  }
0xbe: {  	s4 =	sadd.s32 @!p1 $0x100, s4;
	[sflag:s0] =	ssyncset.done $0x0  }
0xbf: {  	s5 =	sadd.s32 @!p1 $0x0, s7;
	s9 =	simm.s32 @!p1 $0x0;
	[sflag:s0] =	ssyncadd.s32 $0xFFFFFC00  }
0xc0: {  	[tilespmem:s9], [sflag:$0x7] =	stream.linear.gather @!p1 [hbm4b:s4+s9], $0x400, $0x38;
	[tilespmem:$0x1CA00] =	vst v63  }
0xc1: {  	s4 =	sadd.s32 @!p1 $0x100, s5;
	s5 =	simm.s32 @!p1 $0x400  }
0xc2: {  	[tilespmem:s5], [sflag:$0x7] =	stream.linear.gather @!p1 [hbm4b:s4+s9], $0x400, $0x38;
	[tilespmem:$0x1CA00] =	vst v63  }
0xc3: {  	_ = 	snop  }
0xc4: {  	[tilespmem:s20], [sflag:$0x1] =	stream.indirect.gather [hbm4b:s8+s19], $0x80, s17, s19, $0xb8;
	[tilespmem:$0x1CA00] =	vst v63  }
0xc5: {  	s10 =	rddreg [dreg:$0x18]  }
0xc6: {  	[tilespmem:s21], [sflag:$0x2] =	stream.indirect.gather [hbm4b:s8+s19], $0x80, s10, s19, $0xb8;
	[tilespmem:$0x1CA00] =	vst v63  }
0xc7: {  	s11 =	rddreg [dreg:$0x19]  }
0xc8: {  	[tilespmem:s23], [sflag:$0x3] =	stream.indirect.gather [hbm4b:s8+s19], $0x80, s11, s19, $0xb8;
	[tilespmem:$0x1CA00] =	vst v63  }
0xc9: {  	s9 =	rddreg [dreg:$0x1a]  }
0xca: {  	[tilespmem:s24], [sflag:$0x4] =	stream.indirect.gather [hbm4b:s8+s19], $0x80, s9, s19, $0xb8;
	[tilespmem:$0x1CA00] =	vst v63  }
0xcb: {  	_ =	swait.ge [sflag:s25], $0x2000  }
0xcc: {  	[sflag:s25] =	ssyncset.done $0x0  }
0xcd: {  	[sflag:s25] =	ssyncadd.s32 $0xFFFFE000  }
0xce: {  	_ =	swait.ge [sflag:s26], $0x2000  }
0xcf: {  	[sflag:s26] =	ssyncset.done $0x0  }
0xd0: {  	[sflag:s26] =	ssyncadd.s32 $0xFFFFE000  }
0xd1: {  	[spmem:s1] =	stream.indirect.scatter.add.f32 [tilespmem:s20], [sflag:$0x5], $0x80, s18, s22, $0xb8;
	[tilespmem:$0x1CA00] =	vst v63  }
0xd2: {  	_ =	swait.ge [sflag:s28], $0x4000  }
0xd3: {  	[sflag:s28] =	ssyncset.done $0x0  }
0xd4: {  	s10 =	rddreg [dreg:$0x1b];
	[sflag:s28] =	ssyncadd.s32 $0xFFFFC000  }
0xd5: {  	[tilespmem:s20], [sflag:$0x1] =	stream.indirect.gather [hbm4b:s8+s19], $0x80, s10, s19, $0xb8;
	[tilespmem:$0x1CA00] =	vst v63  }
0xd6: {  	s11 =	rddreg [dreg:$0x1c]  }
0xd7: {  	[tilespmem:s21], [sflag:$0x2] =	stream.indirect.gather [hbm4b:s8+s19], $0x80, s11, s19, $0xb8;
	[tilespmem:$0x1CA00] =	vst v63  }
0xd8: {  	_ =	swait.ge [sflag:s29], $0x2000  }
0xd9: {  	[sflag:s29] =	ssyncset.done $0x0  }
0xda: {  	[sflag:s29] =	ssyncadd.s32 $0xFFFFE000  }
0xdb: {  	_ =	swait.ge [sflag:s30], $0x2000  }
0xdc: {  	[sflag:s30] =	ssyncset.done $0x0  }
0xdd: {  	s9 =	rddreg [dreg:$0x1d];
	[sflag:s30] =	ssyncadd.s32 $0xFFFFE000  }
0xde: {  	[spmem:s1] =	stream.indirect.scatter.add.f32 [tilespmem:s23], [sflag:$0x6], $0x80, s9, s22, $0xb8;
	[tilespmem:$0x1CA00] =	vst v63  }
0xdf: {  	_ =	swait.ge [sflag:s31], $0x4000  }
0xe0: {  	[sflag:s31] =	ssyncset.done $0x0  }
0xe1: {  	s10 =	rddreg [dreg:$0x1e];
	[sflag:s31] =	ssyncadd.s32 $0xFFFFC000  }
0xe2: {  	[tilespmem:s23], [sflag:$0x3] =	stream.indirect.gather [hbm4b:s8+s19], $0x80, s10, s19, $0xb8;
	[tilespmem:$0x1CA00] =	vst v63  }
0xe3: {  	s11 =	rddreg [dreg:$0x1f]  }
0xe4: {  	[tilespmem:s24], [sflag:$0x4] =	stream.indirect.gather [hbm4b:s8+s19], $0x80, s11, s19, $0xb8;
	[tilespmem:$0x1CA00] =	vst v63  }
0xe5: {  	_ =	swait.ge [sflag:s25], $0x2000  }
0xe6: {  	[sflag:s25] =	ssyncset.done $0x0  }
0xe7: {  	[sflag:s25] =	ssyncadd.s32 $0xFFFFE000  }
0xe8: {  	_ =	swait.ge [sflag:s26], $0x2000  }
0xe9: {  	s9 =	sld [smem:$0x7F0]  }
0xea: {  	[sflag:s26] =	ssyncset.done $0x0  }
0xeb: {  	[sflag:s26] =	ssyncadd.s32 $0xFFFFE000  }
0xec: {  	[spmem:s1] =	stream.indirect.scatter.add.f32 [tilespmem:s20], [sflag:$0x5], $0x80, s9, s22, $0xb8;
	[tilespmem:$0x1CA00] =	vst v63  }
0xed: {  	_ =	swait.ge [sflag:s28], $0x4000  }
0xee: {  	s10 =	sld [smem:$0x7F1]  }
0xef: {  	[sflag:s28] =	ssyncset.done $0x0  }
0xf0: {  	s11 =	sld [smem:$0x7F2];
	[sflag:s28] =	ssyncadd.s32 $0xFFFFC000  }
0xf1: {  	[tilespmem:s20], [sflag:$0x1] =	stream.indirect.gather [hbm4b:s8+s19], $0x80, s10, s19, $0xb8;
	[tilespmem:$0x1CA00] =	vst v63  }
0xf2: {  	_ = 	snop  }
0xf3: {  	[tilespmem:s21], [sflag:$0x2] =	stream.indirect.gather [hbm4b:s8+s19], $0x80, s11, s19, $0xb8;
	[tilespmem:$0x1CA00] =	vst v63  }
0xf4: {  	_ =	swait.ge [sflag:s29], $0x2000  }
0xf5: {  	[sflag:s29] =	ssyncset.done $0x0  }
0xf6: {  	[sflag:s29] =	ssyncadd.s32 $0xFFFFE000  }
0xf7: {  	_ =	swait.ge [sflag:s30], $0x2000  }
0xf8: {  	s9 =	sld [smem:$0x7F3]  }
0xf9: {  	[sflag:s30] =	ssyncset.done $0x0  }
0xfa: {  	[sflag:s30] =	ssyncadd.s32 $0xFFFFE000  }
0xfb: {  	[spmem:s1] =	stream.indirect.scatter.add.f32 [tilespmem:s23], [sflag:$0x6], $0x80, s9, s22, $0xb8;
	[tilespmem:$0x1CA00] =	vst v63  }
0xfc: {  	_ =	swait.ge [sflag:s31], $0x4000  }
0xfd: {  	s10 =	sld [smem:$0x7F4]  }
0xfe: {  	[sflag:s31] =	ssyncset.done $0x0  }
0xff: {  	s11 =	sld [smem:$0x7F5];
	[sflag:s31] =	ssyncadd.s32 $0xFFFFC000  }
0x100: {  	[tilespmem:s23], [sflag:$0x3] =	stream.indirect.gather [hbm4b:s8+s19], $0x80, s10, s19, $0xb8;
	[tilespmem:$0x1CA00] =	vst v63  }
0x101: {  	_ = 	snop  }
0x102: {  	[tilespmem:s24], [sflag:$0x4] =	stream.indirect.gather [hbm4b:s8+s19], $0x80, s11, s19, $0xb8;
	[tilespmem:$0x1CA00] =	vst v63  }
0x103: {  	_ =	swait.ge [sflag:s25], $0x2000  }
0x104: {  	[sflag:s25] =	ssyncset.done $0x0  }
0x105: {  	[sflag:s25] =	ssyncadd.s32 $0xFFFFE000  }
0x106: {  	_ =	swait.ge [sflag:s26], $0x2000  }
0x107: {  	s5 =	sld [smem:$0x7F6]  }
0x108: {  	[sflag:s26] =	ssyncset.done $0x0  }
0x109: {  	[sflag:s26] =	ssyncadd.s32 $0xFFFFE000  }
0x10a: {  	[spmem:s1] =	stream.indirect.scatter.add.f32 [tilespmem:s20], [sflag:$0x5], $0x80, s5, s22, $0xb8;
	[tilespmem:$0x1CA00] =	vst v63  }
0x10b: {  	_ =	swait.ge [sflag:s28], $0x4000  }
0x10c: {  	s9 =	sld [smem:$0x7F7]  }
0x10d: {  	[sflag:s28] =	ssyncset.done $0x0  }
0x10e: {  	s10 =	sld [smem:$0x7F8];
	[sflag:s28] =	ssyncadd.s32 $0xFFFFC000  }
0x10f: {  	[tilespmem:s20], [sflag:$0x1] =	stream.indirect.gather [hbm4b:s8+s19], $0x80, s9, s19, $0xb8;
	[tilespmem:$0x1CA00] =	vst v63  }
0x110: {  	_ = 	snop  }
0x111: {  	[tilespmem:s21], [sflag:$0x2] =	stream.indirect.gather [hbm4b:s8+s19], $0x80, s10, s19, $0xb8;
	[tilespmem:$0x1CA00] =	vst v63  }
0x112: {  	_ =	swait.ge [sflag:s29], $0x2000  }
0x113: {  	[sflag:s29] =	ssyncset.done $0x0  }
0x114: {  	[sflag:s29] =	ssyncadd.s32 $0xFFFFE000  }
0x115: {  	_ =	swait.ge [sflag:s30], $0x2000  }
0x116: {  	s11 =	sld [smem:$0x7F9]  }
0x117: {  	[sflag:s30] =	ssyncset.done $0x0  }
0x118: {  	[sflag:s30] =	ssyncadd.s32 $0xFFFFE000  }
0x119: {  	[spmem:s1] =	stream.indirect.scatter.add.f32 [tilespmem:s23], [sflag:$0x6], $0x80, s11, s22, $0xb8;
	[tilespmem:$0x1CA00] =	vst v63  }
0x11a: {  	_ =	swait.ge [sflag:s31], $0x4000  }
0x11b: {  	s5 =	sld [smem:$0x7FA]  }
0x11c: {  	[sflag:s31] =	ssyncset.done $0x0  }
0x11d: {  	s9 =	sld [smem:$0x7FB];
	[sflag:s31] =	ssyncadd.s32 $0xFFFFC000  }
0x11e: {  	[tilespmem:s23], [sflag:$0x3] =	stream.indirect.gather [hbm4b:s8+s19], $0x80, s5, s19, $0xb8;
	[tilespmem:$0x1CA00] =	vst v63  }
0x11f: {  	_ = 	snop  }
0x120: {  	[tilespmem:s24], [sflag:$0x4] =	stream.indirect.gather [hbm4b:s8+s19], $0x80, s9, s19, $0xb8;
	[tilespmem:$0x1CA00] =	vst v63  }
0x121: {  	_ =	swait.ge [sflag:s25], $0x2000  }
0x122: {  	[sflag:s25] =	ssyncset.done $0x0  }
0x123: {  	[sflag:s25] =	ssyncadd.s32 $0xFFFFE000  }
0x124: {  	_ =	swait.ge [sflag:s26], $0x2000  }
0x125: {  	s10 =	sld [smem:$0x7FC]  }
0x126: {  	[sflag:s26] =	ssyncset.done $0x0  }
0x127: {  	[sflag:s26] =	ssyncadd.s32 $0xFFFFE000  }
0x128: {  	[spmem:s1] =	stream.indirect.scatter.add.f32 [tilespmem:s20], [sflag:$0x5], $0x80, s10, s22, $0xb8;
	[tilespmem:$0x1CA00] =	vst v63  }
0x129: {  	_ =	swait.ge [sflag:s29], $0x2000  }
0x12a: {  	[sflag:s29] =	ssyncset.done $0x0  }
0x12b: {  	[sflag:s29] =	ssyncadd.s32 $0xFFFFE000  }
0x12c: {  	_ =	swait.ge [sflag:s30], $0x2000  }
0x12d: {  	s11 =	sld [smem:$0x7FD]  }
0x12e: {  	[sflag:s30] =	ssyncset.done $0x0  }
0x12f: {  	[sflag:s30] =	ssyncadd.s32 $0xFFFFE000  }
0x130: {  	[spmem:s1] =	stream.indirect.scatter.add.f32 [tilespmem:s23], [sflag:$0x6], $0x80, s11, s22, $0xb8;
	[tilespmem:$0x1CA00] =	vst v63  }
0x131: {  	_ =	swait.ge [sflag:s28], $0x4000  }
0x132: {  	[sflag:s28] =	ssyncset.done $0x0  }
0x133: {  	[sflag:s28] =	ssyncadd.s32 $0xFFFFC000  }
0x134: {  	_ =	swait.ge [sflag:s31], $0x4000  }
0x135: {  	s4 =	simm.s32 $0x100;
	[sflag:s31] =	ssyncset.done $0x0  }
.LBB2_2:
0x136: {  	[sflag:s31] =	ssyncadd.s32 $0xFFFFC000  }
0x137: {  	_ =	swait.ge [sflag:s16], $0x400  }
0x138: {  	[sflag:s16] =	ssyncset.done $0x0  }
0x139: {  	[sflag:s16] =	ssyncadd.s32 $0xFFFFFC00  }
0x13a: {  	s5 =	smov.u32 s4;
	_ =	swait.ge [sflag:s16], $0x400  }
0x13b: {  	s9 =	sadd.s32 s5, s6;
	[sflag:s16] =	ssyncset.done $0x0  }
0x13c: {  	s10 =	sadd.s32 s5, s7;
	s9 =	sadd.s32 $0x80, s9;
	[sflag:s16] =	ssyncadd.s32 $0xFFFFFC00  }
0x13d: {  	[tilespmem:s17], [sflag:$0x8] =	stream.linear.gather [hbm4b:s9+s3], $0x400, $0x38;
	[tilespmem:$0x1CA00] =	vst v63  }
0x13e: {  	s10 =	sadd.s32 $0x80, s10  }
0x13f: {  	[tilespmem:s18], [sflag:$0x8] =	stream.linear.gather [hbm4b:s10+s3], $0x400, $0x38;
	[tilespmem:$0x1CA00] =	vst v63  }
0x140: {  	_ = 	snop  }
0x141: {  	[tilespmem:s20], [sflag:$0x1] =	stream.indirect.gather [hbm4b:s8+s19], $0x80, s3, s19, $0xb8;
	[tilespmem:$0x1CA00] =	vst v63  }
0x142: {  	_ = 	snop  }
0x143: {  	[tilespmem:s21], [sflag:$0x2] =	stream.indirect.gather [hbm4b:s8+s19], $0x80, s19, s19, $0xb8;
	[tilespmem:$0x1CA00] =	vst v63  }
0x144: {  	_ = 	snop  }
0x145: {  	[tilespmem:s23], [sflag:$0x3] =	stream.indirect.gather [hbm4b:s8+s19], $0x80, s22, s19, $0xb8;
	[tilespmem:$0x1CA00] =	vst v63  }
0x146: {  	s11 =	rddreg [dreg:$0x4]  }
0x147: {  	[tilespmem:s24], [sflag:$0x4] =	stream.indirect.gather [hbm4b:s8+s19], $0x80, s11, s19, $0xb8;
	[tilespmem:$0x1CA00] =	vst v63  }
0x148: {  	_ =	swait.ge [sflag:s25], $0x2000  }
0x149: {  	[sflag:s25] =	ssyncset.done $0x0  }
0x14a: {  	[sflag:s25] =	ssyncadd.s32 $0xFFFFE000  }
0x14b: {  	_ =	swait.ge [sflag:s26], $0x2000  }
0x14c: {  	[sflag:s26] =	ssyncset.done $0x0  }
0x14d: {  	[sflag:s26] =	ssyncadd.s32 $0xFFFFE000  }
0x14e: {  	[spmem:s1] =	stream.indirect.scatter.add.f32 [tilespmem:s20], [sflag:$0x5], $0x80, s15, s22, $0xb8;
	[tilespmem:$0x1CA00] =	vst v63  }
0x14f: {  	_ =	swait.ge [sflag:s28], $0x4000  }
0x150: {  	[sflag:s28] =	ssyncset.done $0x0  }
0x151: {  	s10 =	rddreg [dreg:$0x5];
	[sflag:s28] =	ssyncadd.s32 $0xFFFFC000  }
0x152: {  	[tilespmem:s20], [sflag:$0x1] =	stream.indirect.gather [hbm4b:s8+s19], $0x80, s10, s19, $0xb8;
	[tilespmem:$0x1CA00] =	vst v63  }
0x153: {  	s11 =	rddreg [dreg:$0x6]  }
0x154: {  	[tilespmem:s21], [sflag:$0x2] =	stream.indirect.gather [hbm4b:s8+s19], $0x80, s11, s19, $0xb8;
	[tilespmem:$0x1CA00] =	vst v63  }
0x155: {  	_ =	swait.ge [sflag:s29], $0x2000  }
0x156: {  	[sflag:s29] =	ssyncset.done $0x0  }
0x157: {  	[sflag:s29] =	ssyncadd.s32 $0xFFFFE000  }
0x158: {  	_ =	swait.ge [sflag:s30], $0x2000  }
0x159: {  	[sflag:s30] =	ssyncset.done $0x0  }
0x15a: {  	s11 =	rddreg [dreg:$0x7];
	[sflag:s30] =	ssyncadd.s32 $0xFFFFE000  }
0x15b: {  	[spmem:s1] =	stream.indirect.scatter.add.f32 [tilespmem:s23], [sflag:$0x6], $0x80, s11, s22, $0xb8;
	[tilespmem:$0x1CA00] =	vst v63  }
0x15c: {  	_ =	swait.ge [sflag:s31], $0x4000  }
0x15d: {  	[sflag:s31] =	ssyncset.done $0x0  }
0x15e: {  	s10 =	rddreg [dreg:$0x8];
	[sflag:s31] =	ssyncadd.s32 $0xFFFFC000  }
0x15f: {  	[tilespmem:s23], [sflag:$0x3] =	stream.indirect.gather [hbm4b:s8+s19], $0x80, s10, s19, $0xb8;
	[tilespmem:$0x1CA00] =	vst v63  }
0x160: {  	s11 =	rddreg [dreg:$0x9]  }
0x161: {  	[tilespmem:s24], [sflag:$0x4] =	stream.indirect.gather [hbm4b:s8+s19], $0x80, s11, s19, $0xb8;
	[tilespmem:$0x1CA00] =	vst v63  }
0x162: {  	_ =	swait.ge [sflag:s25], $0x2000  }
0x163: {  	[sflag:s25] =	ssyncset.done $0x0  }
0x164: {  	[sflag:s25] =	ssyncadd.s32 $0xFFFFE000  }
0x165: {  	_ =	swait.ge [sflag:s26], $0x2000  }
0x166: {  	[sflag:s26] =	ssyncset.done $0x0  }
0x167: {  	s11 =	rddreg [dreg:$0xa];
	[sflag:s26] =	ssyncadd.s32 $0xFFFFE000  }
0x168: {  	[spmem:s1] =	stream.indirect.scatter.add.f32 [tilespmem:s20], [sflag:$0x5], $0x80, s11, s22, $0xb8;
	[tilespmem:$0x1CA00] =	vst v63  }
0x169: {  	_ =	swait.ge [sflag:s28], $0x4000  }
0x16a: {  	[sflag:s28] =	ssyncset.done $0x0  }
0x16b: {  	s10 =	rddreg [dreg:$0xb];
	[sflag:s28] =	ssyncadd.s32 $0xFFFFC000  }
0x16c: {  	[tilespmem:s20], [sflag:$0x1] =	stream.indirect.gather [hbm4b:s8+s19], $0x80, s10, s19, $0xb8;
	[tilespmem:$0x1CA00] =	vst v63  }
0x16d: {  	s11 =	rddreg [dreg:$0xc]  }
0x16e: {  	[tilespmem:s21], [sflag:$0x2] =	stream.indirect.gather [hbm4b:s8+s19], $0x80, s11, s19, $0xb8;
	[tilespmem:$0x1CA00] =	vst v63  }
0x16f: {  	_ =	swait.ge [sflag:s29], $0x2000  }
0x170: {  	[sflag:s29] =	ssyncset.done $0x0  }
0x171: {  	[sflag:s29] =	ssyncadd.s32 $0xFFFFE000  }
0x172: {  	_ =	swait.ge [sflag:s30], $0x2000  }
0x173: {  	[sflag:s30] =	ssyncset.done $0x0  }
0x174: {  	s11 =	rddreg [dreg:$0xd];
	[sflag:s30] =	ssyncadd.s32 $0xFFFFE000  }
0x175: {  	[spmem:s1] =	stream.indirect.scatter.add.f32 [tilespmem:s23], [sflag:$0x6], $0x80, s11, s22, $0xb8;
	[tilespmem:$0x1CA00] =	vst v63  }
0x176: {  	_ =	swait.ge [sflag:s31], $0x4000  }
0x177: {  	[sflag:s31] =	ssyncset.done $0x0  }
0x178: {  	s10 =	rddreg [dreg:$0xe];
	[sflag:s31] =	ssyncadd.s32 $0xFFFFC000  }
0x179: {  	[tilespmem:s23], [sflag:$0x3] =	stream.indirect.gather [hbm4b:s8+s19], $0x80, s10, s19, $0xb8;
	[tilespmem:$0x1CA00] =	vst v63  }
0x17a: {  	s11 =	rddreg [dreg:$0xf]  }
0x17b: {  	[tilespmem:s24], [sflag:$0x4] =	stream.indirect.gather [hbm4b:s8+s19], $0x80, s11, s19, $0xb8;
	[tilespmem:$0x1CA00] =	vst v63  }
0x17c: {  	_ =	swait.ge [sflag:s25], $0x2000  }
0x17d: {  	[sflag:s25] =	ssyncset.done $0x0  }
0x17e: {  	[sflag:s25] =	ssyncadd.s32 $0xFFFFE000  }
0x17f: {  	_ =	swait.ge [sflag:s26], $0x2000  }
0x180: {  	[sflag:s26] =	ssyncset.done $0x0  }
0x181: {  	s11 =	rddreg [dreg:$0x10];
	[sflag:s26] =	ssyncadd.s32 $0xFFFFE000  }
0x182: {  	[spmem:s1] =	stream.indirect.scatter.add.f32 [tilespmem:s20], [sflag:$0x5], $0x80, s11, s22, $0xb8;
	[tilespmem:$0x1CA00] =	vst v63  }
0x183: {  	_ =	swait.ge [sflag:s28], $0x4000  }
0x184: {  	[sflag:s28] =	ssyncset.done $0x0  }
0x185: {  	s10 =	rddreg [dreg:$0x11];
	[sflag:s28] =	ssyncadd.s32 $0xFFFFC000  }
0x186: {  	[tilespmem:s20], [sflag:$0x1] =	stream.indirect.gather [hbm4b:s8+s19], $0x80, s10, s19, $0xb8;
	[tilespmem:$0x1CA00] =	vst v63  }
0x187: {  	s11 =	rddreg [dreg:$0x12]  }
0x188: {  	[tilespmem:s21], [sflag:$0x2] =	stream.indirect.gather [hbm4b:s8+s19], $0x80, s11, s19, $0xb8;
	[tilespmem:$0x1CA00] =	vst v63  }
0x189: {  	_ =	swait.ge [sflag:s29], $0x2000  }
0x18a: {  	[sflag:s29] =	ssyncset.done $0x0  }
0x18b: {  	[sflag:s29] =	ssyncadd.s32 $0xFFFFE000  }
0x18c: {  	_ =	swait.ge [sflag:s30], $0x2000  }
0x18d: {  	[sflag:s30] =	ssyncset.done $0x0  }
0x18e: {  	s11 =	rddreg [dreg:$0x13];
	[sflag:s30] =	ssyncadd.s32 $0xFFFFE000  }
0x18f: {  	[spmem:s1] =	stream.indirect.scatter.add.f32 [tilespmem:s23], [sflag:$0x6], $0x80, s11, s22, $0xb8;
	[tilespmem:$0x1CA00] =	vst v63  }
0x190: {  	_ =	swait.ge [sflag:s31], $0x4000  }
0x191: {  	[sflag:s31] =	ssyncset.done $0x0  }
0x192: {  	s10 =	rddreg [dreg:$0x14];
	[sflag:s31] =	ssyncadd.s32 $0xFFFFC000  }
0x193: {  	[tilespmem:s23], [sflag:$0x3] =	stream.indirect.gather [hbm4b:s8+s19], $0x80, s10, s19, $0xb8;
	[tilespmem:$0x1CA00] =	vst v63  }
0x194: {  	s11 =	rddreg [dreg:$0x15]  }
0x195: {  	[tilespmem:s24], [sflag:$0x4] =	stream.indirect.gather [hbm4b:s8+s19], $0x80, s11, s19, $0xb8;
	[tilespmem:$0x1CA00] =	vst v63  }
0x196: {  	_ =	swait.ge [sflag:s25], $0x2000  }
0x197: {  	[sflag:s25] =	ssyncset.done $0x0  }
0x198: {  	[sflag:s25] =	ssyncadd.s32 $0xFFFFE000  }
0x199: {  	_ =	swait.ge [sflag:s26], $0x2000  }
0x19a: {  	[sflag:s26] =	ssyncset.done $0x0  }
0x19b: {  	s10 =	rddreg [dreg:$0x16];
	[sflag:s26] =	ssyncadd.s32 $0xFFFFE000  }
0x19c: {  	[spmem:s1] =	stream.indirect.scatter.add.f32 [tilespmem:s20], [sflag:$0x5], $0x80, s10, s22, $0xb8;
	[tilespmem:$0x1CA00] =	vst v63  }
0x19d: {  	_ =	swait.ge [sflag:s29], $0x2000  }
0x19e: {  	[sflag:s29] =	ssyncset.done $0x0  }
0x19f: {  	[sflag:s29] =	ssyncadd.s32 $0xFFFFE000  }
0x1a0: {  	_ =	swait.ge [sflag:s30], $0x2000  }
0x1a1: {  	[sflag:s30] =	ssyncset.done $0x0  }
0x1a2: {  	s11 =	rddreg [dreg:$0x17];
	[sflag:s30] =	ssyncadd.s32 $0xFFFFE000  }
0x1a3: {  	[spmem:s1] =	stream.indirect.scatter.add.f32 [tilespmem:s23], [sflag:$0x6], $0x80, s11, s22, $0xb8;
	[tilespmem:$0x1CA00] =	vst v63  }
0x1a4: {  	_ =	swait.ge [sflag:s28], $0x4000  }
0x1a5: {  	[sflag:s28] =	ssyncset.done $0x0  }
0x1a6: {  	[sflag:s28] =	ssyncadd.s32 $0xFFFFC000  }
0x1a7: {  	_ =	swait.ge [sflag:s31], $0x4000  }
0x1a8: {  	[sflag:s31] =	ssyncset.done $0x0  }
0x1a9: {  	[sflag:s31] =	ssyncadd.s32 $0xFFFFC000  }
0x1aa: {  	_ =	swait.ge [sflag:s0], $0x400  }
0x1ab: {  	[sflag:s0] =	ssyncset.done $0x0  }
0x1ac: {  	[sflag:s0] =	ssyncadd.s32 $0xFFFFFC00  }
0x1ad: {  	p2 =	seq.s32 s5, $0x400;
	_ =	swait.ge [sflag:s0], $0x400  }
0x1ae: {  	s9 =	sadd.s32 @!p2 s5, s6;
	s5 =	sadd.s32 @!p2 s5, s7;
	[sflag:s0] =	ssyncset.done $0x0  }
0x1af: {  	s9 =	sadd.s32 @!p2 $0x100, s9;
	s10 =	simm.s32 @!p2 $0x0;
	[sflag:s0] =	ssyncadd.s32 $0xFFFFFC00  }
0x1b0: {  	[tilespmem:s10], [sflag:$0x7] =	stream.linear.gather @!p2 [hbm4b:s9+s10], $0x400, $0x38;
	[tilespmem:$0x1CA00] =	vst v63  }
0x1b1: {  	s5 =	sadd.s32 @!p2 $0x100, s5;
	s9 =	simm.s32 @!p2 $0x400  }
0x1b2: {  	[tilespmem:s9], [sflag:$0x7] =	stream.linear.gather @!p2 [hbm4b:s5+s10], $0x400, $0x38;
	[tilespmem:$0x1CA00] =	vst v63  }
0x1b3: {  	_ = 	snop  }
0x1b4: {  	[tilespmem:s20], [sflag:$0x1] =	stream.indirect.gather [hbm4b:s8+s19], $0x80, s17, s19, $0xb8;
	[tilespmem:$0x1CA00] =	vst v63  }
0x1b5: {  	s9 =	rddreg [dreg:$0x18]  }
0x1b6: {  	[tilespmem:s21], [sflag:$0x2] =	stream.indirect.gather [hbm4b:s8+s19], $0x80, s9, s19, $0xb8;
	[tilespmem:$0x1CA00] =	vst v63  }
0x1b7: {  	s10 =	rddreg [dreg:$0x19]  }
0x1b8: {  	[tilespmem:s23], [sflag:$0x3] =	stream.indirect.gather [hbm4b:s8+s19], $0x80, s10, s19, $0xb8;
	[tilespmem:$0x1CA00] =	vst v63  }
0x1b9: {  	s11 =	rddreg [dreg:$0x1a]  }
0x1ba: {  	[tilespmem:s24], [sflag:$0x4] =	stream.indirect.gather [hbm4b:s8+s19], $0x80, s11, s19, $0xb8;
	[tilespmem:$0x1CA00] =	vst v63  }
0x1bb: {  	_ =	swait.ge [sflag:s25], $0x2000  }
0x1bc: {  	[sflag:s25] =	ssyncset.done $0x0  }
0x1bd: {  	[sflag:s25] =	ssyncadd.s32 $0xFFFFE000  }
0x1be: {  	_ =	swait.ge [sflag:s26], $0x2000  }
0x1bf: {  	[sflag:s26] =	ssyncset.done $0x0  }
0x1c0: {  	[sflag:s26] =	ssyncadd.s32 $0xFFFFE000  }
0x1c1: {  	[spmem:s1] =	stream.indirect.scatter.add.f32 [tilespmem:s20], [sflag:$0x5], $0x80, s18, s22, $0xb8;
	[tilespmem:$0x1CA00] =	vst v63  }
0x1c2: {  	_ =	swait.ge [sflag:s28], $0x4000  }
0x1c3: {  	[sflag:s28] =	ssyncset.done $0x0  }
0x1c4: {  	s10 =	rddreg [dreg:$0x1b];
	[sflag:s28] =	ssyncadd.s32 $0xFFFFC000  }
0x1c5: {  	[tilespmem:s20], [sflag:$0x1] =	stream.indirect.gather [hbm4b:s8+s19], $0x80, s10, s19, $0xb8;
	[tilespmem:$0x1CA00] =	vst v63  }
0x1c6: {  	s11 =	rddreg [dreg:$0x1c]  }
0x1c7: {  	[tilespmem:s21], [sflag:$0x2] =	stream.indirect.gather [hbm4b:s8+s19], $0x80, s11, s19, $0xb8;
	[tilespmem:$0x1CA00] =	vst v63  }
0x1c8: {  	_ =	swait.ge [sflag:s29], $0x2000  }
0x1c9: {  	[sflag:s29] =	ssyncset.done $0x0  }
0x1ca: {  	[sflag:s29] =	ssyncadd.s32 $0xFFFFE000  }
0x1cb: {  	_ =	swait.ge [sflag:s30], $0x2000  }
0x1cc: {  	[sflag:s30] =	ssyncset.done $0x0  }
0x1cd: {  	s9 =	rddreg [dreg:$0x1d];
	[sflag:s30] =	ssyncadd.s32 $0xFFFFE000  }
0x1ce: {  	[spmem:s1] =	stream.indirect.scatter.add.f32 [tilespmem:s23], [sflag:$0x6], $0x80, s9, s22, $0xb8;
	[tilespmem:$0x1CA00] =	vst v63  }
0x1cf: {  	_ =	swait.ge [sflag:s31], $0x4000  }
0x1d0: {  	[sflag:s31] =	ssyncset.done $0x0  }
0x1d1: {  	s10 =	rddreg [dreg:$0x1e];
	[sflag:s31] =	ssyncadd.s32 $0xFFFFC000  }
0x1d2: {  	[tilespmem:s23], [sflag:$0x3] =	stream.indirect.gather [hbm4b:s8+s19], $0x80, s10, s19, $0xb8;
	[tilespmem:$0x1CA00] =	vst v63  }
0x1d3: {  	s11 =	rddreg [dreg:$0x1f]  }
0x1d4: {  	[tilespmem:s24], [sflag:$0x4] =	stream.indirect.gather [hbm4b:s8+s19], $0x80, s11, s19, $0xb8;
	[tilespmem:$0x1CA00] =	vst v63  }
0x1d5: {  	_ =	swait.ge [sflag:s25], $0x2000  }
0x1d6: {  	[sflag:s25] =	ssyncset.done $0x0  }
0x1d7: {  	[sflag:s25] =	ssyncadd.s32 $0xFFFFE000  }
0x1d8: {  	_ =	swait.ge [sflag:s26], $0x2000  }
0x1d9: {  	s9 =	sld [smem:$0x7F0]  }
0x1da: {  	[sflag:s26] =	ssyncset.done $0x0  }
0x1db: {  	[sflag:s26] =	ssyncadd.s32 $0xFFFFE000  }
0x1dc: {  	[spmem:s1] =	stream.indirect.scatter.add.f32 [tilespmem:s20], [sflag:$0x5], $0x80, s9, s22, $0xb8;
	[tilespmem:$0x1CA00] =	vst v63  }
0x1dd: {  	_ =	swait.ge [sflag:s28], $0x4000  }
0x1de: {  	s10 =	sld [smem:$0x7F1]  }
0x1df: {  	[sflag:s28] =	ssyncset.done $0x0  }
0x1e0: {  	s11 =	sld [smem:$0x7F2];
	[sflag:s28] =	ssyncadd.s32 $0xFFFFC000  }
0x1e1: {  	[tilespmem:s20], [sflag:$0x1] =	stream.indirect.gather [hbm4b:s8+s19], $0x80, s10, s19, $0xb8;
	[tilespmem:$0x1CA00] =	vst v63  }
0x1e2: {  	_ = 	snop  }
0x1e3: {  	[tilespmem:s21], [sflag:$0x2] =	stream.indirect.gather [hbm4b:s8+s19], $0x80, s11, s19, $0xb8;
	[tilespmem:$0x1CA00] =	vst v63  }
0x1e4: {  	_ =	swait.ge [sflag:s29], $0x2000  }
0x1e5: {  	[sflag:s29] =	ssyncset.done $0x0  }
0x1e6: {  	[sflag:s29] =	ssyncadd.s32 $0xFFFFE000  }
0x1e7: {  	_ =	swait.ge [sflag:s30], $0x2000  }
0x1e8: {  	s9 =	sld [smem:$0x7F3]  }
0x1e9: {  	[sflag:s30] =	ssyncset.done $0x0  }
0x1ea: {  	[sflag:s30] =	ssyncadd.s32 $0xFFFFE000  }
0x1eb: {  	[spmem:s1] =	stream.indirect.scatter.add.f32 [tilespmem:s23], [sflag:$0x6], $0x80, s9, s22, $0xb8;
	[tilespmem:$0x1CA00] =	vst v63  }
0x1ec: {  	_ =	swait.ge [sflag:s31], $0x4000  }
0x1ed: {  	s10 =	sld [smem:$0x7F4]  }
0x1ee: {  	[sflag:s31] =	ssyncset.done $0x0  }
0x1ef: {  	s11 =	sld [smem:$0x7F5];
	[sflag:s31] =	ssyncadd.s32 $0xFFFFC000  }
0x1f0: {  	[tilespmem:s23], [sflag:$0x3] =	stream.indirect.gather [hbm4b:s8+s19], $0x80, s10, s19, $0xb8;
	[tilespmem:$0x1CA00] =	vst v63  }
0x1f1: {  	_ = 	snop  }
0x1f2: {  	[tilespmem:s24], [sflag:$0x4] =	stream.indirect.gather [hbm4b:s8+s19], $0x80, s11, s19, $0xb8;
	[tilespmem:$0x1CA00] =	vst v63  }
0x1f3: {  	_ =	swait.ge [sflag:s25], $0x2000  }
0x1f4: {  	[sflag:s25] =	ssyncset.done $0x0  }
0x1f5: {  	[sflag:s25] =	ssyncadd.s32 $0xFFFFE000  }
0x1f6: {  	_ =	swait.ge [sflag:s26], $0x2000  }
0x1f7: {  	s9 =	sld [smem:$0x7F6]  }
0x1f8: {  	[sflag:s26] =	ssyncset.done $0x0  }
0x1f9: {  	[sflag:s26] =	ssyncadd.s32 $0xFFFFE000  }
0x1fa: {  	[spmem:s1] =	stream.indirect.scatter.add.f32 [tilespmem:s20], [sflag:$0x5], $0x80, s9, s22, $0xb8;
	[tilespmem:$0x1CA00] =	vst v63  }
0x1fb: {  	_ =	swait.ge [sflag:s28], $0x4000  }
0x1fc: {  	s10 =	sld [smem:$0x7F7]  }
0x1fd: {  	[sflag:s28] =	ssyncset.done $0x0  }
0x1fe: {  	s11 =	sld [smem:$0x7F8];
	[sflag:s28] =	ssyncadd.s32 $0xFFFFC000  }
0x1ff: {  	[tilespmem:s20], [sflag:$0x1] =	stream.indirect.gather [hbm4b:s8+s19], $0x80, s10, s19, $0xb8;
	[tilespmem:$0x1CA00] =	vst v63  }
0x200: {  	_ = 	snop  }
0x201: {  	[tilespmem:s21], [sflag:$0x2] =	stream.indirect.gather [hbm4b:s8+s19], $0x80, s11, s19, $0xb8;
	[tilespmem:$0x1CA00] =	vst v63  }
0x202: {  	_ =	swait.ge [sflag:s29], $0x2000  }
0x203: {  	[sflag:s29] =	ssyncset.done $0x0  }
0x204: {  	[sflag:s29] =	ssyncadd.s32 $0xFFFFE000  }
0x205: {  	_ =	swait.ge [sflag:s30], $0x2000  }
0x206: {  	s9 =	sld [smem:$0x7F9]  }
0x207: {  	[sflag:s30] =	ssyncset.done $0x0  }
0x208: {  	[sflag:s30] =	ssyncadd.s32 $0xFFFFE000  }
0x209: {  	[spmem:s1] =	stream.indirect.scatter.add.f32 [tilespmem:s23], [sflag:$0x6], $0x80, s9, s22, $0xb8;
	[tilespmem:$0x1CA00] =	vst v63  }
0x20a: {  	_ =	swait.ge [sflag:s31], $0x4000  }
0x20b: {  	s10 =	sld [smem:$0x7FA]  }
0x20c: {  	[sflag:s31] =	ssyncset.done $0x0  }
0x20d: {  	s11 =	sld [smem:$0x7FB];
	[sflag:s31] =	ssyncadd.s32 $0xFFFFC000  }
0x20e: {  	[tilespmem:s23], [sflag:$0x3] =	stream.indirect.gather [hbm4b:s8+s19], $0x80, s10, s19, $0xb8;
	[tilespmem:$0x1CA00] =	vst v63  }
0x20f: {  	_ = 	snop  }
0x210: {  	[tilespmem:s24], [sflag:$0x4] =	stream.indirect.gather [hbm4b:s8+s19], $0x80, s11, s19, $0xb8;
	[tilespmem:$0x1CA00] =	vst v63  }
0x211: {  	_ =	swait.ge [sflag:s25], $0x2000  }
0x212: {  	[sflag:s25] =	ssyncset.done $0x0  }
0x213: {  	[sflag:s25] =	ssyncadd.s32 $0xFFFFE000  }
0x214: {  	_ =	swait.ge [sflag:s26], $0x2000  }
0x215: {  	s10 =	sld [smem:$0x7FC]  }
0x216: {  	[sflag:s26] =	ssyncset.done $0x0  }
0x217: {  	[sflag:s26] =	ssyncadd.s32 $0xFFFFE000  }
0x218: {  	[spmem:s1] =	stream.indirect.scatter.add.f32 [tilespmem:s20], [sflag:$0x5], $0x80, s10, s22, $0xb8;
	[tilespmem:$0x1CA00] =	vst v63  }
0x219: {  	_ =	swait.ge [sflag:s29], $0x2000  }
0x21a: {  	[sflag:s29] =	ssyncset.done $0x0  }
0x21b: {  	[sflag:s29] =	ssyncadd.s32 $0xFFFFE000  }
0x21c: {  	_ =	swait.ge [sflag:s30], $0x2000  }
0x21d: {  	s11 =	sld [smem:$0x7FD]  }
0x21e: {  	s4 =	sadd.s32 $0x100, s4;
	[sflag:s30] =	ssyncset.done $0x0  }
0x21f: {  	p1 =	sne.s32 s4, $0x500;
	[sflag:s30] =	ssyncadd.s32 $0xFFFFE000  }
0x220: {  	[spmem:s1] =	stream.indirect.scatter.add.f32 [tilespmem:s23], [sflag:$0x6], $0x80, s11, s22, $0xb8;
	[tilespmem:$0x1CA00] =	vst v63  }
.Ltmp0:
0x221: {  	_ =	swait.ge [sflag:s28], $0x4000;
	(pc) =	sbr.rel @p1 .LBB2_2-.Ltmp0, $4  }
0x222: {  	[sflag:s28] =	ssyncset.done $0x0  }
0x223: {  	[sflag:s28] =	ssyncadd.s32 $0xFFFFC000  }
0x224: {  	_ =	swait.ge [sflag:s31], $0x4000  }
0x225: {  	[sflag:s31] =	ssyncset.done $0x0  }
0x226: {  	[sflag:s31] =	ssyncadd.s32 $0xFFFFC000  }
0x227: {  	[bflag:$0x0] =	sbarrier.arrive $0xFFFF  }
0x228: {  	s11 =	sld [smem:$0x7EE]  }
0x229: {  	s4 =	simm.s32 @p0 $0x8  }
0x22a: {  	s5 =	simm.s32 @p0 $0x100;
	s9 =	simm.s32 @p0 $0x80;
	s10 =	simm.s32 @p0 $0x1FC9  }
0x22b: {  	[hbm:s11@s5], [sflag:s10] =	dma.strided @p0 [spmem:s12@s9], $0x1900, s4, $0x10   }
0x22c: {  	s4 =	simm.s32 @p0 $0x9  }
0x22d: {  	_ =	swait.ge @p0 [sflag:s4], $0x1900  }
0x22e: {  	s10 =	sld [smem:$0x7ED]  }
0x22f: {  	s5 =	simm.s32 @!p0 $0x100;
	[sflag:s4] =	ssyncset.done @p0 $0x0  }
0x230: {  	s9 =	simm.s32 @!p0 $0x80;
	[sflag:s4] =	ssyncadd.s32 @p0 $0xFFFFE700;
	s4 =	simm.s32 @!p0 $0x8  }
0x231: {  	[hbm:s10@s5], [sflag:s13] =	dma.strided @!p0 [spmem:s14@s9], $0x2800, s4, $0x10   }
0x232: {  	s4 =	simm.s32 @!p0 $0x9  }
0x233: {  	_ =	swait.ge @!p0 [sflag:s4], $0x2800  }
0x234: {  	s11 =	sld [smem:$0x7EF];
	_ =	sdelay $0x1  }
0x235: {  	s2 =	sadd.s32 $0x1, s2  }
0x236: {  	p1 =	sne.s32 s2, s11  }
.Ltmp1:
0x237: {  	_ = 	snop;
	(pc) =	sbr.rel @p1 .LBB2_1-.Ltmp1, $3  }
0x238: {  	_ =	sdelay $0x1  }
0x239: {  	[sflag:s4] =	ssyncset.done @!p0 $0x0  }
0x23a: {  	[sflag:s4] =	ssyncadd.s32 @!p0 $0xFFFFD800  }
0x23b: {  	_ =	sfence.sel $0x180000  }
0x23c: {  	[bflag:$0x0] =	sbarrier.arrive $0xFFFF  }
0x23d: {  	_ =	strace $0x90000047  }
0x23e: {  	s0 =	stileid.u32;
	[bflag:$0x2] =	sbarrier.arrive $0xFFFF  }
0x23f: {  	p0 =	sne.s32 s0, $0x0;
	s0 =	rddreg [dreg:$0x3]  }
0x240: {  	s0 =	sadd.s32 @!p0 $0x100000, s0  }
0x241: {  	[sflag:s0] =	ssyncadd.tile.s32 @!p0 $0x1;
	_ =	shalt  }
.Lfunc_end2:
_tile_overlayer_lowered:
.L_overlay_start_2:
0x242: {  	(tag) =	ssettag $0x2  }
0x243: {  	s0 =	rddreg [dreg:$0x0];
	s2 =	stileid.u32  }
0x244: {  	s1 =	rddreg [dreg:$0x1];
	p0 =	sne.s32 s2, $0x0  }
0x245: {  	s3 =	rddreg [dreg:$0x2];
	[bflag:$0x3] =	sbarrier.arrive $0xFFFF;
	s2 =	simm.s32 @!p0 $0x1C09  }
0x246: {  	[timem:s3], [sflag:s2] =	dma.local @!p0 [hbm:s0], s1  }
0x247: {  	s0 =	simm.s32 @!p0 $0x9  }
0x248: {  	_ =	swait.ge @!p0 [sflag:s0], s1  }
0x249: {  	s1 =	ssub.s32 @!p0 $0x0, s1;
	[sflag:s0] =	ssyncset.done @!p0 $0x0  }
0x24a: {  	[sflag:s0] =	ssyncadd.s32 @!p0 s1  }
0x24b: {  	[bflag:$0x3] =	sbarrier.arrive $0xFFFF  }
0x24c: {  	_ =	shalt  }

</sc_bundles>
